<compile_context>
chip_gen: v7x
topology: tpu7x:2x2x1
jax: 0.10.2.dev20260603
libtpu: 0.0.44.dev20260713+nightly
codegen_flags: <defaults>
</compile_context>

<pallas_src>
import functools

import jax
import jax.numpy as jnp
from jax import lax
from jax.experimental import pallas as pl
from jax.experimental.pallas import tpu as pltpu
from jax.experimental.pallas import tpu_sc as plsc

B = 16384
L = 50
VOCAB = 1000
VP = 1024
EMB = 125
D = 128

NC = 2
NS = 16
NW = NC * NS
ROWS_PER_W = B // NW
GR = 2
BR = 8
NG = BR // GR
NBLK = ROWS_PER_W // BR
NJ = D // 16


def _body(tok_hbm, loc_hbm, table_hbm, out_hbm,
          table_sh, tok_a, tok_b, loc_a, loc_b, rows_a, rows_b,
          out_a, out_b, tsem, lsem, osem, gsem_a, gsem_b):
    cid = lax.axis_index("c")
    sid = lax.axis_index("s")
    wid = sid * NC + cid

    @pl.when(sid == 0)
    def _stage():
        pltpu.sync_copy(table_hbm, table_sh)

    plsc.subcore_barrier()

    def tok_copy(bi, tok_v):
        return pltpu.make_async_copy(
            tok_hbm.at[pl.ds(wid * (ROWS_PER_W // GR) + bi * NG, NG)],
            tok_v, tsem)

    def loc_copy(bi, loc_v):
        return pltpu.make_async_copy(
            loc_hbm.at[pl.ds(wid * ROWS_PER_W + bi * BR, BR)], loc_v, lsem)

    def out_copy(bi, out_v):
        return pltpu.make_async_copy(
            out_v, out_hbm.at[pl.ds(wid * ROWS_PER_W + bi * BR, BR)], osem)

    def gath(tok_v, rows_v, g, gsem):
        return pltpu.make_async_copy(
            table_sh.at[tok_v.at[g]], rows_v.at[g], gsem)

    def sum_block(rows_v, loc_v, out_v):
        def g_body(g, _):
            for r2 in range(GR):
                def tsum(t, acc):
                    return tuple(
                        a + rows_v[g, r2 * L + t, pl.ds(j * 16, 16)]
                        for j, a in enumerate(acc)
                    )

                acc = list(lax.fori_loop(
                    0, L, tsum,
                    tuple(jnp.zeros((16,), jnp.float32) for _ in range(NJ)),
                    unroll=5,
                ))
                row = g * GR + r2
                acc[NJ - 1] = acc[NJ - 1] + loc_v[row, :]
                for j in range(NJ):
                    out_v[row, pl.ds(j * 16, 16)] = acc[j]
            return _

        lax.fori_loop(0, NG, g_body, None)

    tok_copy(0, tok_a).start()
    loc_copy(0, loc_a).start()
    tok_copy(0, tok_a).wait()
    for g in range(NG):
        gath(tok_a, rows_a, g, gsem_a).start()
    tok_copy(1, tok_b).start()
    loc_copy(1, loc_b).start()

    def step(bi, bank):
        tok_v, loc_v, rows_v, out_v, gsem = (
            (tok_a, loc_a, rows_a, out_a, gsem_a) if bank == 0
            else (tok_b, loc_b, rows_b, out_b, gsem_b))
        tok_n, loc_n, rows_n, out_n, gsem_n = (
            (tok_b, loc_b, rows_b, out_b, gsem_b) if bank == 0
            else (tok_a, loc_a, rows_a, out_a, gsem_a))

        @pl.when(bi < NBLK - 1)
        def _launch_next():
            tok_copy(bi + 1, tok_n).wait()
            for g in range(NG):
                gath(tok_n, rows_n, g, gsem_n).start()

        for g in range(NG):
            gath(tok_v, rows_v, g, gsem).wait()

        loc_copy(bi, loc_v).wait()
        sum_block(rows_v, loc_v, out_v)

        @pl.when(bi < NBLK - 2)
        def _prefetch_next2():
            tok_copy(bi + 2, tok_v).start()
            loc_copy(bi + 2, loc_v).start()

        @pl.when(bi > 0)
        def _drain_prev_out():
            out_copy(bi - 1, out_n).wait()

        out_copy(bi, out_v).start()

    def pair_body(pi, _):
        step(2 * pi, 0)
        step(2 * pi + 1, 1)
        return _

    lax.fori_loop(0, NBLK // 2, pair_body, None)
    out_copy(NBLK - 1, out_b).wait()


@jax.jit
def _sc_pool(tok2, loc_p, table_p):
    return pl.kernel(
        _body,
        out_type=jax.ShapeDtypeStruct((B, D), jnp.float32),
        mesh=plsc.VectorSubcoreMesh(core_axis_name="c", subcore_axis_name="s"),
        scratch_types=[
            pltpu.VMEM_SHARED((VP, D), jnp.float32),
            pltpu.VMEM((NG, GR * L), jnp.int32),
            pltpu.VMEM((NG, GR * L), jnp.int32),
            pltpu.VMEM((BR, 16), jnp.float32),
            pltpu.VMEM((BR, 16), jnp.float32),
            pltpu.VMEM((NG, GR * L, D), jnp.float32),
            pltpu.VMEM((NG, GR * L, D), jnp.float32),
            pltpu.VMEM((BR, D), jnp.float32),
            pltpu.VMEM((BR, D), jnp.float32),
            pltpu.SemaphoreType.DMA,
            pltpu.SemaphoreType.DMA,
            pltpu.SemaphoreType.DMA,
            pltpu.SemaphoreType.DMA,
            pltpu.SemaphoreType.DMA,
        ],
    )(tok2, loc_p, table_p)


def kernel(tokens, locsize, table):
    tok2 = tokens.astype(jnp.int32).reshape(B // GR, GR * L)
    table_p = jnp.zeros((VP, D), jnp.float32).at[:VOCAB, :EMB].set(table)
    loc_p = jnp.zeros((B, 16), jnp.float32).at[:, 13:].set(locsize)
    out = _sc_pool(tok2, loc_p, table_p)
    return out[:, None, :]

# --- scband reference (transcript-rebuilt; emitter-appended) ---
"""Pipeline reference for scband-structured-image-model-83580063580264 (READ-ONLY COPY).

The authoritative reference and input builder live on the scoring server;
editing this copy changes nothing except your own understanding.
"""

import jax, jax.numpy as jnp
import numpy as np

B = 16384
L = 50
VOCAB = 1000
D_OBJ = 128
EMB = D_OBJ - 3

def setup_inputs(seed: int = 0):
    key = jax.random.key(seed)
    k1, k2, k3 = jax.random.split(key, 3)
    tokens = jax.random.randint(k1, (B, L), 0, VOCAB, dtype=jnp.int64) if jax.config.jax_enable_x64 else jax.random.randint(k1, (B, L), 0, VOCAB, dtype=jnp.int32)
    locsize = jax.random.normal(k2, (B, 3), dtype=jnp.float32)
    table = jax.random.normal(k3, (VOCAB, EMB), dtype=jnp.float32) * 0.02
    return {"tokens": tokens, "locsize": locsize, "table": table}

def reference(tokens, locsize, table):
    # rep_embed = Embedding(tokens): gather rows of the table -> [B, L, EMB]
    rep_embed = jnp.take(table, tokens, axis=0)
    # sum over token dimension (dim=1) -> [B, EMB]
    rep_embed = jnp.sum(rep_embed, axis=1)
    # concat location/size features -> [B, D_OBJ]
    img = jnp.concatenate([rep_embed, locsize], axis=1)
    # unsqueeze(1) -> [B, 1, D_OBJ]
    return img[:, None, :]

if __name__ == "__main__":
    import jax
    _d = setup_inputs()
    print(jax.jit(kernel)(*tuple(_d.values())))

</pallas_src>

<mosaic_0001>
#map = affine_map<(d0, d1) -> (0, 0)>
module attributes {stable_mosaic.version = 14 : i64} {
  func.func @_body(%arg0: i32, %arg1: i32, %arg2: memref<8192x100xi32, #tpu.memory_space<hbm>>, %arg3: memref<16384x16xf32, #tpu.memory_space<hbm>>, %arg4: memref<1024x128xf32, #tpu.memory_space<hbm>>, %arg5: memref<16384x128xf32, #tpu.memory_space<hbm>>, %arg6: memref<1024x128xf32, #tpu.memory_space<vmem_shared>>, %arg7: memref<4x100xi32, #tpu.memory_space<vmem>>, %arg8: memref<4x100xi32, #tpu.memory_space<vmem>>, %arg9: memref<8x16xf32, #tpu.memory_space<vmem>>, %arg10: memref<8x16xf32, #tpu.memory_space<vmem>>, %arg11: memref<4x100x128xf32, #tpu.memory_space<vmem>>, %arg12: memref<4x100x128xf32, #tpu.memory_space<vmem>>, %arg13: memref<8x128xf32, #tpu.memory_space<vmem>>, %arg14: memref<8x128xf32, #tpu.memory_space<vmem>>, %arg15: memref<!tpu.dma_semaphore, #tpu.memory_space<semaphore_mem>>, %arg16: memref<!tpu.dma_semaphore, #tpu.memory_space<semaphore_mem>>, %arg17: memref<!tpu.dma_semaphore, #tpu.memory_space<semaphore_mem>>, %arg18: memref<!tpu.dma_semaphore, #tpu.memory_space<semaphore_mem>>, %arg19: memref<!tpu.dma_semaphore, #tpu.memory_space<semaphore_mem>>) attributes {dimension_semantics = [#tpu.dimension_semantics<core_parallel>, #tpu.dimension_semantics<subcore_parallel>], iteration_bounds = array<i64: 2, 16>, scalar_prefetch = 0 : i64, scratch_operands = 14 : i64, tpu.core_type = #tpu.core_type<sc_vector_subcore>, window_params = [{transform_indices = #map}, {transform_indices = #map}, {transform_indices = #map}, {transform_indices = #map}]} {
    %mul3A = arith.constant 2 : i32
    %mul3A_0 = arith.muli %arg1, %mul3A : i32
    %add3A = arith.addi %mul3A_0, %arg0 : i32
    %eq3A = arith.constant 0 : i32
    %eq3A_1 = arith.cmpi eq, %arg1, %eq3A : i32
    %convert_element_type3A = arith.extui %eq3A_1 : i1 to i32
    %cond3A = arith.constant 0 : i32
    %cond3A_2 = arith.cmpi ne, %convert_element_type3A, %cond3A : i32
    scf.if %cond3A_2 {
      "tpu.region"() ({
        %run_scoped3A = tpu.sem_alloc : memref<!tpu.dma_semaphore, #tpu.memory_space<semaphore_mem>>
        tpu.enqueue_dma source(%arg4 : memref<1024x128xf32, #tpu.memory_space<hbm>>) target(%arg6 : memref<1024x128xf32, #tpu.memory_space<vmem_shared>>) target_semaphore(%run_scoped3A : memref<!tpu.dma_semaphore, #tpu.memory_space<semaphore_mem>>)
        tpu.wait_dma2 semaphore(%run_scoped3A : memref<!tpu.dma_semaphore, #tpu.memory_space<semaphore_mem>>) src(%arg4 : memref<1024x128xf32, #tpu.memory_space<hbm>>) dst(%arg6 : memref<1024x128xf32, #tpu.memory_space<vmem_shared>>)
        tpu.yield
      }) : () -> ()
    } else {
    }
    %barrier3A = arith.constant 0 : index
    tpu.barrier barrier_id(%barrier3A)
    %mul3A_3 = arith.constant 256 : i32
    %mul3A_4 = arith.muli %add3A, %mul3A_3 : i32
    %add3A_5 = arith.constant 0 : i32
    %add3A_6 = arith.addi %mul3A_4, %add3A_5 : i32
    %dma_start3A = arith.constant 0 : i32
    %dma_start3A_7 = tpu.memref_slice %arg2[%add3A_6, %dma_start3A] : memref<8192x100xi32, #tpu.memory_space<hbm>> -> memref<4x100xi32, #tpu.memory_space<hbm>>
    %dma_start3A_8 = arith.constant 0 : i32
    %dma_start3A_9 = tpu.memref_slice %arg2[%add3A_6, %dma_start3A_8] : memref<8192x100xi32, #tpu.memory_space<hbm>> -> memref<4x100xi32, #tpu.memory_space<hbm>>
    tpu.enqueue_dma source(%dma_start3A_9 : memref<4x100xi32, #tpu.memory_space<hbm>>) target(%arg7 : memref<4x100xi32, #tpu.memory_space<vmem>>) target_semaphore(%arg15 : memref<!tpu.dma_semaphore, #tpu.memory_space<semaphore_mem>>)
    %mul3A_10 = arith.constant 512 : i32
    %mul3A_11 = arith.muli %add3A, %mul3A_10 : i32
    %add3A_12 = arith.constant 0 : i32
    %add3A_13 = arith.addi %mul3A_11, %add3A_12 : i32
    %dma_start3A_14 = arith.constant 0 : i32
    %dma_start3A_15 = tpu.memref_slice %arg3[%add3A_13, %dma_start3A_14] : memref<16384x16xf32, #tpu.memory_space<hbm>> -> memref<8x16xf32, #tpu.memory_space<hbm>>
    %dma_start3A_16 = arith.constant 0 : i32
    %dma_start3A_17 = tpu.memref_slice %arg3[%add3A_13, %dma_start3A_16] : memref<16384x16xf32, #tpu.memory_space<hbm>> -> memref<8x16xf32, #tpu.memory_space<hbm>>
    tpu.enqueue_dma source(%dma_start3A_17 : memref<8x16xf32, #tpu.memory_space<hbm>>) target(%arg9 : memref<8x16xf32, #tpu.memory_space<vmem>>) target_semaphore(%arg16 : memref<!tpu.dma_semaphore, #tpu.memory_space<semaphore_mem>>)
    %mul3A_18 = arith.constant 256 : i32
    %mul3A_19 = arith.muli %add3A, %mul3A_18 : i32
    %add3A_20 = arith.constant 0 : i32
    %add3A_21 = arith.addi %mul3A_19, %add3A_20 : i32
    %dma_wait3A = arith.constant 0 : i32
    %dma_wait3A_22 = tpu.memref_slice %arg2[%add3A_21, %dma_wait3A] : memref<8192x100xi32, #tpu.memory_space<hbm>> -> memref<4x100xi32, #tpu.memory_space<hbm>>
    %dma_wait3A_23 = arith.constant 0 : i32
    %dma_wait3A_24 = tpu.memref_slice %arg2[%add3A_21, %dma_wait3A_23] : memref<8192x100xi32, #tpu.memory_space<hbm>> -> memref<4x100xi32, #tpu.memory_space<hbm>>
    tpu.wait_dma2 semaphore(%arg15 : memref<!tpu.dma_semaphore, #tpu.memory_space<semaphore_mem>>) src(%dma_wait3A_24 : memref<4x100xi32, #tpu.memory_space<hbm>>) dst(%arg7 : memref<4x100xi32, #tpu.memory_space<vmem>>)
    %dma_start3A_25 = arith.constant 0 : i32
    %dma_start3A_26 = arith.constant 0 : i32
    %dma_start3A_27 = arith.constant 0 : i32
    %dma_start3A_28 = arith.constant 0 : i32
    %dma_start3A_29 = tpu.memref_slice %arg11[%dma_start3A_26, %dma_start3A_27, %dma_start3A_28] : memref<4x100x128xf32, #tpu.memory_space<vmem>> -> memref<1x100x128xf32, #tpu.memory_space<vmem>>
    %dma_start3A_30 = tpu.memref_squeeze %dma_start3A_29 : memref<1x100x128xf32, #tpu.memory_space<vmem>> -> memref<100x128xf32, #tpu.memory_space<vmem>>
    %dma_start3A_31 = arith.constant 0 : i32
    %dma_start3A_32 = tpu.memref_slice %arg7[%dma_start3A_25, %dma_start3A_31] : memref<4x100xi32, #tpu.memory_space<vmem>> -> memref<1x100xi32, #tpu.memory_space<vmem>>
    %dma_start3A_33 = tpu.memref_squeeze %dma_start3A_32 : memref<1x100xi32, #tpu.memory_space<vmem>> -> memref<100xi32, #tpu.memory_space<vmem>>
    %dma_start3A_34 = arith.constant 0 : i32
    %dma_start3A_35 = arith.constant 0 : i32
    %dma_start3A_36 = tpu.memref_slice %arg6[%dma_start3A_34, %dma_start3A_35] : memref<1024x128xf32, #tpu.memory_space<vmem_shared>> -> memref<1024x128xf32, #tpu.memory_space<vmem_shared>>
    tpu.enqueue_indirect_dma source(%dma_start3A_36 : memref<1024x128xf32, #tpu.memory_space<vmem_shared>>) target(%dma_start3A_30 : memref<100x128xf32, #tpu.memory_space<vmem>>) offsets(%dma_start3A_33 : memref<100xi32, #tpu.memory_space<vmem>>) semaphore(%arg18 : memref<!tpu.dma_semaphore, #tpu.memory_space<semaphore_mem>>)
    %dma_start3A_37 = arith.constant 1 : i32
    %dma_start3A_38 = arith.constant 1 : i32
    %dma_start3A_39 = arith.constant 0 : i32
    %dma_start3A_40 = arith.constant 0 : i32
    %dma_start3A_41 = tpu.memref_slice %arg11[%dma_start3A_38, %dma_start3A_39, %dma_start3A_40] : memref<4x100x128xf32, #tpu.memory_space<vmem>> -> memref<1x100x128xf32, #tpu.memory_space<vmem>>
    %dma_start3A_42 = tpu.memref_squeeze %dma_start3A_41 : memref<1x100x128xf32, #tpu.memory_space<vmem>> -> memref<100x128xf32, #tpu.memory_space<vmem>>
    %dma_start3A_43 = arith.constant 0 : i32
    %dma_start3A_44 = tpu.memref_slice %arg7[%dma_start3A_37, %dma_start3A_43] : memref<4x100xi32, #tpu.memory_space<vmem>> -> memref<1x100xi32, #tpu.memory_space<vmem>>
    %dma_start3A_45 = tpu.memref_squeeze %dma_start3A_44 : memref<1x100xi32, #tpu.memory_space<vmem>> -> memref<100xi32, #tpu.memory_space<vmem>>
    %dma_start3A_46 = arith.constant 0 : i32
    %dma_start3A_47 = arith.constant 0 : i32
    %dma_start3A_48 = tpu.memref_slice %arg6[%dma_start3A_46, %dma_start3A_47] : memref<1024x128xf32, #tpu.memory_space<vmem_shared>> -> memref<1024x128xf32, #tpu.memory_space<vmem_shared>>
    tpu.enqueue_indirect_dma source(%dma_start3A_48 : memref<1024x128xf32, #tpu.memory_space<vmem_shared>>) target(%dma_start3A_42 : memref<100x128xf32, #tpu.memory_space<vmem>>) offsets(%dma_start3A_45 : memref<100xi32, #tpu.memory_space<vmem>>) semaphore(%arg18 : memref<!tpu.dma_semaphore, #tpu.memory_space<semaphore_mem>>)
    %dma_start3A_49 = arith.constant 2 : i32
    %dma_start3A_50 = arith.constant 2 : i32
    %dma_start3A_51 = arith.constant 0 : i32
    %dma_start3A_52 = arith.constant 0 : i32
    %dma_start3A_53 = tpu.memref_slice %arg11[%dma_start3A_50, %dma_start3A_51, %dma_start3A_52] : memref<4x100x128xf32, #tpu.memory_space<vmem>> -> memref<1x100x128xf32, #tpu.memory_space<vmem>>
    %dma_start3A_54 = tpu.memref_squeeze %dma_start3A_53 : memref<1x100x128xf32, #tpu.memory_space<vmem>> -> memref<100x128xf32, #tpu.memory_space<vmem>>
    %dma_start3A_55 = arith.constant 0 : i32
    %dma_start3A_56 = tpu.memref_slice %arg7[%dma_start3A_49, %dma_start3A_55] : memref<4x100xi32, #tpu.memory_space<vmem>> -> memref<1x100xi32, #tpu.memory_space<vmem>>
    %dma_start3A_57 = tpu.memref_squeeze %dma_start3A_56 : memref<1x100xi32, #tpu.memory_space<vmem>> -> memref<100xi32, #tpu.memory_space<vmem>>
    %dma_start3A_58 = arith.constant 0 : i32
    %dma_start3A_59 = arith.constant 0 : i32
    %dma_start3A_60 = tpu.memref_slice %arg6[%dma_start3A_58, %dma_start3A_59] : memref<1024x128xf32, #tpu.memory_space<vmem_shared>> -> memref<1024x128xf32, #tpu.memory_space<vmem_shared>>
    tpu.enqueue_indirect_dma source(%dma_start3A_60 : memref<1024x128xf32, #tpu.memory_space<vmem_shared>>) target(%dma_start3A_54 : memref<100x128xf32, #tpu.memory_space<vmem>>) offsets(%dma_start3A_57 : memref<100xi32, #tpu.memory_space<vmem>>) semaphore(%arg18 : memref<!tpu.dma_semaphore, #tpu.memory_space<semaphore_mem>>)
    %dma_start3A_61 = arith.constant 3 : i32
    %dma_start3A_62 = arith.constant 3 : i32
    %dma_start3A_63 = arith.constant 0 : i32
    %dma_start3A_64 = arith.constant 0 : i32
    %dma_start3A_65 = tpu.memref_slice %arg11[%dma_start3A_62, %dma_start3A_63, %dma_start3A_64] : memref<4x100x128xf32, #tpu.memory_space<vmem>> -> memref<1x100x128xf32, #tpu.memory_space<vmem>>
    %dma_start3A_66 = tpu.memref_squeeze %dma_start3A_65 : memref<1x100x128xf32, #tpu.memory_space<vmem>> -> memref<100x128xf32, #tpu.memory_space<vmem>>
    %dma_start3A_67 = arith.constant 0 : i32
    %dma_start3A_68 = tpu.memref_slice %arg7[%dma_start3A_61, %dma_start3A_67] : memref<4x100xi32, #tpu.memory_space<vmem>> -> memref<1x100xi32, #tpu.memory_space<vmem>>
    %dma_start3A_69 = tpu.memref_squeeze %dma_start3A_68 : memref<1x100xi32, #tpu.memory_space<vmem>> -> memref<100xi32, #tpu.memory_space<vmem>>
    %dma_start3A_70 = arith.constant 0 : i32
    %dma_start3A_71 = arith.constant 0 : i32
    %dma_start3A_72 = tpu.memref_slice %arg6[%dma_start3A_70, %dma_start3A_71] : memref<1024x128xf32, #tpu.memory_space<vmem_shared>> -> memref<1024x128xf32, #tpu.memory_space<vmem_shared>>
    tpu.enqueue_indirect_dma source(%dma_start3A_72 : memref<1024x128xf32, #tpu.memory_space<vmem_shared>>) target(%dma_start3A_66 : memref<100x128xf32, #tpu.memory_space<vmem>>) offsets(%dma_start3A_69 : memref<100xi32, #tpu.memory_space<vmem>>) semaphore(%arg18 : memref<!tpu.dma_semaphore, #tpu.memory_space<semaphore_mem>>)
    %mul3A_73 = arith.constant 256 : i32
    %mul3A_74 = arith.muli %add3A, %mul3A_73 : i32
    %add3A_75 = arith.constant 4 : i32
    %add3A_76 = arith.addi %mul3A_74, %add3A_75 : i32
    %dma_start3A_77 = arith.constant 0 : i32
    %dma_start3A_78 = tpu.memref_slice %arg2[%add3A_76, %dma_start3A_77] : memref<8192x100xi32, #tpu.memory_space<hbm>> -> memref<4x100xi32, #tpu.memory_space<hbm>>
    %dma_start3A_79 = arith.constant 0 : i32
    %dma_start3A_80 = tpu.memref_slice %arg2[%add3A_76, %dma_start3A_79] : memref<8192x100xi32, #tpu.memory_space<hbm>> -> memref<4x100xi32, #tpu.memory_space<hbm>>
    tpu.enqueue_dma source(%dma_start3A_80 : memref<4x100xi32, #tpu.memory_space<hbm>>) target(%arg8 : memref<4x100xi32, #tpu.memory_space<vmem>>) target_semaphore(%arg15 : memref<!tpu.dma_semaphore, #tpu.memory_space<semaphore_mem>>)
    %mul3A_81 = arith.constant 512 : i32
    %mul3A_82 = arith.muli %add3A, %mul3A_81 : i32
    %add3A_83 = arith.constant 8 : i32
    %add3A_84 = arith.addi %mul3A_82, %add3A_83 : i32
    %dma_start3A_85 = arith.constant 0 : i32
    %dma_start3A_86 = tpu.memref_slice %arg3[%add3A_84, %dma_start3A_85] : memref<16384x16xf32, #tpu.memory_space<hbm>> -> memref<8x16xf32, #tpu.memory_space<hbm>>
    %dma_start3A_87 = arith.constant 0 : i32
    %dma_start3A_88 = tpu.memref_slice %arg3[%add3A_84, %dma_start3A_87] : memref<16384x16xf32, #tpu.memory_space<hbm>> -> memref<8x16xf32, #tpu.memory_space<hbm>>
    tpu.enqueue_dma source(%dma_start3A_88 : memref<8x16xf32, #tpu.memory_space<hbm>>) target(%arg10 : memref<8x16xf32, #tpu.memory_space<vmem>>) target_semaphore(%arg16 : memref<!tpu.dma_semaphore, #tpu.memory_space<semaphore_mem>>)
    %scan3A = arith.constant 0 : i32
    %scan3A_89 = arith.constant 32 : i32
    %scan3A_90 = arith.addi %scan3A, %scan3A_89 : i32
    %scan3A_91 = arith.constant 1 : i32
    scf.for %scan3A_101 = %scan3A to %scan3A_90 step %scan3A_91  : i32 {
      %mul3A_102 = arith.constant 2 : i32
      %mul3A_103 = arith.muli %mul3A_102, %scan3A_101 : i32
      %lt3A = arith.constant 63 : i32
      %lt3A_104 = arith.cmpi slt, %mul3A_103, %lt3A : i32
      %convert_element_type3A_105 = arith.extui %lt3A_104 : i1 to i32
      %cond3A_106 = arith.constant 0 : i32
      %cond3A_107 = arith.cmpi ne, %convert_element_type3A_105, %cond3A_106 : i32
      scf.if %cond3A_107 {
        %add3A_278 = arith.constant 1 : i32
        %add3A_279 = arith.addi %mul3A_103, %add3A_278 : i32
        %mul3A_280 = arith.constant 256 : i32
        %mul3A_281 = arith.muli %add3A, %mul3A_280 : i32
        %mul3A_282 = arith.constant 4 : i32
        %mul3A_283 = arith.muli %add3A_279, %mul3A_282 : i32
        %add3A_284 = arith.addi %mul3A_281, %mul3A_283 : i32
        %dma_wait3A_285 = arith.constant 0 : i32
        %dma_wait3A_286 = tpu.memref_slice %arg2[%add3A_284, %dma_wait3A_285] : memref<8192x100xi32, #tpu.memory_space<hbm>> -> memref<4x100xi32, #tpu.memory_space<hbm>>
        %dma_wait3A_287 = arith.constant 0 : i32
        %dma_wait3A_288 = tpu.memref_slice %arg2[%add3A_284, %dma_wait3A_287] : memref<8192x100xi32, #tpu.memory_space<hbm>> -> memref<4x100xi32, #tpu.memory_space<hbm>>
        tpu.wait_dma2 semaphore(%arg15 : memref<!tpu.dma_semaphore, #tpu.memory_space<semaphore_mem>>) src(%dma_wait3A_288 : memref<4x100xi32, #tpu.memory_space<hbm>>) dst(%arg8 : memref<4x100xi32, #tpu.memory_space<vmem>>)
        %dma_start3A_289 = arith.constant 0 : i32
        %dma_start3A_290 = arith.constant 0 : i32
        %dma_start3A_291 = arith.constant 0 : i32
        %dma_start3A_292 = arith.constant 0 : i32
        %dma_start3A_293 = tpu.memref_slice %arg12[%dma_start3A_290, %dma_start3A_291, %dma_start3A_292] : memref<4x100x128xf32, #tpu.memory_space<vmem>> -> memref<1x100x128xf32, #tpu.memory_space<vmem>>
        %dma_start3A_294 = tpu.memref_squeeze %dma_start3A_293 : memref<1x100x128xf32, #tpu.memory_space<vmem>> -> memref<100x128xf32, #tpu.memory_space<vmem>>
        %dma_start3A_295 = arith.constant 0 : i32
        %dma_start3A_296 = tpu.memref_slice %arg8[%dma_start3A_289, %dma_start3A_295] : memref<4x100xi32, #tpu.memory_space<vmem>> -> memref<1x100xi32, #tpu.memory_space<vmem>>
        %dma_start3A_297 = tpu.memref_squeeze %dma_start3A_296 : memref<1x100xi32, #tpu.memory_space<vmem>> -> memref<100xi32, #tpu.memory_space<vmem>>
        %dma_start3A_298 = arith.constant 0 : i32
        %dma_start3A_299 = arith.constant 0 : i32
        %dma_start3A_300 = tpu.memref_slice %arg6[%dma_start3A_298, %dma_start3A_299] : memref<1024x128xf32, #tpu.memory_space<vmem_shared>> -> memref<1024x128xf32, #tpu.memory_space<vmem_shared>>
        tpu.enqueue_indirect_dma source(%dma_start3A_300 : memref<1024x128xf32, #tpu.memory_space<vmem_shared>>) target(%dma_start3A_294 : memref<100x128xf32, #tpu.memory_space<vmem>>) offsets(%dma_start3A_297 : memref<100xi32, #tpu.memory_space<vmem>>) semaphore(%arg19 : memref<!tpu.dma_semaphore, #tpu.memory_space<semaphore_mem>>)
        %dma_start3A_301 = arith.constant 1 : i32
        %dma_start3A_302 = arith.constant 1 : i32
        %dma_start3A_303 = arith.constant 0 : i32
        %dma_start3A_304 = arith.constant 0 : i32
        %dma_start3A_305 = tpu.memref_slice %arg12[%dma_start3A_302, %dma_start3A_303, %dma_start3A_304] : memref<4x100x128xf32, #tpu.memory_space<vmem>> -> memref<1x100x128xf32, #tpu.memory_space<vmem>>
        %dma_start3A_306 = tpu.memref_squeeze %dma_start3A_305 : memref<1x100x128xf32, #tpu.memory_space<vmem>> -> memref<100x128xf32, #tpu.memory_space<vmem>>
        %dma_start3A_307 = arith.constant 0 : i32
        %dma_start3A_308 = tpu.memref_slice %arg8[%dma_start3A_301, %dma_start3A_307] : memref<4x100xi32, #tpu.memory_space<vmem>> -> memref<1x100xi32, #tpu.memory_space<vmem>>
        %dma_start3A_309 = tpu.memref_squeeze %dma_start3A_308 : memref<1x100xi32, #tpu.memory_space<vmem>> -> memref<100xi32, #tpu.memory_space<vmem>>
        %dma_start3A_310 = arith.constant 0 : i32
        %dma_start3A_311 = arith.constant 0 : i32
        %dma_start3A_312 = tpu.memref_slice %arg6[%dma_start3A_310, %dma_start3A_311] : memref<1024x128xf32, #tpu.memory_space<vmem_shared>> -> memref<1024x128xf32, #tpu.memory_space<vmem_shared>>
        tpu.enqueue_indirect_dma source(%dma_start3A_312 : memref<1024x128xf32, #tpu.memory_space<vmem_shared>>) target(%dma_start3A_306 : memref<100x128xf32, #tpu.memory_space<vmem>>) offsets(%dma_start3A_309 : memref<100xi32, #tpu.memory_space<vmem>>) semaphore(%arg19 : memref<!tpu.dma_semaphore, #tpu.memory_space<semaphore_mem>>)
        %dma_start3A_313 = arith.constant 2 : i32
        %dma_start3A_314 = arith.constant 2 : i32
        %dma_start3A_315 = arith.constant 0 : i32
        %dma_start3A_316 = arith.constant 0 : i32
        %dma_start3A_317 = tpu.memref_slice %arg12[%dma_start3A_314, %dma_start3A_315, %dma_start3A_316] : memref<4x100x128xf32, #tpu.memory_space<vmem>> -> memref<1x100x128xf32, #tpu.memory_space<vmem>>
        %dma_start3A_318 = tpu.memref_squeeze %dma_start3A_317 : memref<1x100x128xf32, #tpu.memory_space<vmem>> -> memref<100x128xf32, #tpu.memory_space<vmem>>
        %dma_start3A_319 = arith.constant 0 : i32
        %dma_start3A_320 = tpu.memref_slice %arg8[%dma_start3A_313, %dma_start3A_319] : memref<4x100xi32, #tpu.memory_space<vmem>> -> memref<1x100xi32, #tpu.memory_space<vmem>>
        %dma_start3A_321 = tpu.memref_squeeze %dma_start3A_320 : memref<1x100xi32, #tpu.memory_space<vmem>> -> memref<100xi32, #tpu.memory_space<vmem>>
        %dma_start3A_322 = arith.constant 0 : i32
        %dma_start3A_323 = arith.constant 0 : i32
        %dma_start3A_324 = tpu.memref_slice %arg6[%dma_start3A_322, %dma_start3A_323] : memref<1024x128xf32, #tpu.memory_space<vmem_shared>> -> memref<1024x128xf32, #tpu.memory_space<vmem_shared>>
        tpu.enqueue_indirect_dma source(%dma_start3A_324 : memref<1024x128xf32, #tpu.memory_space<vmem_shared>>) target(%dma_start3A_318 : memref<100x128xf32, #tpu.memory_space<vmem>>) offsets(%dma_start3A_321 : memref<100xi32, #tpu.memory_space<vmem>>) semaphore(%arg19 : memref<!tpu.dma_semaphore, #tpu.memory_space<semaphore_mem>>)
        %dma_start3A_325 = arith.constant 3 : i32
        %dma_start3A_326 = arith.constant 3 : i32
        %dma_start3A_327 = arith.constant 0 : i32
        %dma_start3A_328 = arith.constant 0 : i32
        %dma_start3A_329 = tpu.memref_slice %arg12[%dma_start3A_326, %dma_start3A_327, %dma_start3A_328] : memref<4x100x128xf32, #tpu.memory_space<vmem>> -> memref<1x100x128xf32, #tpu.memory_space<vmem>>
        %dma_start3A_330 = tpu.memref_squeeze %dma_start3A_329 : memref<1x100x128xf32, #tpu.memory_space<vmem>> -> memref<100x128xf32, #tpu.memory_space<vmem>>
        %dma_start3A_331 = arith.constant 0 : i32
        %dma_start3A_332 = tpu.memref_slice %arg8[%dma_start3A_325, %dma_start3A_331] : memref<4x100xi32, #tpu.memory_space<vmem>> -> memref<1x100xi32, #tpu.memory_space<vmem>>
        %dma_start3A_333 = tpu.memref_squeeze %dma_start3A_332 : memref<1x100xi32, #tpu.memory_space<vmem>> -> memref<100xi32, #tpu.memory_space<vmem>>
        %dma_start3A_334 = arith.constant 0 : i32
        %dma_start3A_335 = arith.constant 0 : i32
        %dma_start3A_336 = tpu.memref_slice %arg6[%dma_start3A_334, %dma_start3A_335] : memref<1024x128xf32, #tpu.memory_space<vmem_shared>> -> memref<1024x128xf32, #tpu.memory_space<vmem_shared>>
        tpu.enqueue_indirect_dma source(%dma_start3A_336 : memref<1024x128xf32, #tpu.memory_space<vmem_shared>>) target(%dma_start3A_330 : memref<100x128xf32, #tpu.memory_space<vmem>>) offsets(%dma_start3A_333 : memref<100xi32, #tpu.memory_space<vmem>>) semaphore(%arg19 : memref<!tpu.dma_semaphore, #tpu.memory_space<semaphore_mem>>)
      } else {
      }
      %dma_wait3A_108 = arith.constant 0 : i32
      %dma_wait3A_109 = arith.constant 0 : i32
      %dma_wait3A_110 = arith.constant 0 : i32
      %dma_wait3A_111 = arith.constant 0 : i32
      %dma_wait3A_112 = tpu.memref_slice %arg11[%dma_wait3A_109, %dma_wait3A_110, %dma_wait3A_111] : memref<4x100x128xf32, #tpu.memory_space<vmem>> -> memref<1x100x128xf32, #tpu.memory_space<vmem>>
      %dma_wait3A_113 = tpu.memref_squeeze %dma_wait3A_112 : memref<1x100x128xf32, #tpu.memory_space<vmem>> -> memref<100x128xf32, #tpu.memory_space<vmem>>
      %dma_wait3A_114 = arith.constant 0 : i32
      %dma_wait3A_115 = tpu.memref_slice %arg7[%dma_wait3A_108, %dma_wait3A_114] : memref<4x100xi32, #tpu.memory_space<vmem>> -> memref<1x100xi32, #tpu.memory_space<vmem>>
      %dma_wait3A_116 = tpu.memref_squeeze %dma_wait3A_115 : memref<1x100xi32, #tpu.memory_space<vmem>> -> memref<100xi32, #tpu.memory_space<vmem>>
      %dma_wait3A_117 = arith.constant 0 : i32
      %dma_wait3A_118 = arith.constant 0 : i32
      %dma_wait3A_119 = tpu.memref_slice %arg6[%dma_wait3A_117, %dma_wait3A_118] : memref<1024x128xf32, #tpu.memory_space<vmem_shared>> -> memref<1024x128xf32, #tpu.memory_space<vmem_shared>>
      tpu.wait_indirect_dma semaphore(%arg18 : memref<!tpu.dma_semaphore, #tpu.memory_space<semaphore_mem>>) src(%dma_wait3A_119 : memref<1024x128xf32, #tpu.memory_space<vmem_shared>>) dst(%dma_wait3A_113 : memref<100x128xf32, #tpu.memory_space<vmem>>)
      %dma_wait3A_120 = arith.constant 1 : i32
      %dma_wait3A_121 = arith.constant 1 : i32
      %dma_wait3A_122 = arith.constant 0 : i32
      %dma_wait3A_123 = arith.constant 0 : i32
      %dma_wait3A_124 = tpu.memref_slice %arg11[%dma_wait3A_121, %dma_wait3A_122, %dma_wait3A_123] : memref<4x100x128xf32, #tpu.memory_space<vmem>> -> memref<1x100x128xf32, #tpu.memory_space<vmem>>
      %dma_wait3A_125 = tpu.memref_squeeze %dma_wait3A_124 : memref<1x100x128xf32, #tpu.memory_space<vmem>> -> memref<100x128xf32, #tpu.memory_space<vmem>>
      %dma_wait3A_126 = arith.constant 0 : i32
      %dma_wait3A_127 = tpu.memref_slice %arg7[%dma_wait3A_120, %dma_wait3A_126] : memref<4x100xi32, #tpu.memory_space<vmem>> -> memref<1x100xi32, #tpu.memory_space<vmem>>
      %dma_wait3A_128 = tpu.memref_squeeze %dma_wait3A_127 : memref<1x100xi32, #tpu.memory_space<vmem>> -> memref<100xi32, #tpu.memory_space<vmem>>
      %dma_wait3A_129 = arith.constant 0 : i32
      %dma_wait3A_130 = arith.constant 0 : i32
      %dma_wait3A_131 = tpu.memref_slice %arg6[%dma_wait3A_129, %dma_wait3A_130] : memref<1024x128xf32, #tpu.memory_space<vmem_shared>> -> memref<1024x128xf32, #tpu.memory_space<vmem_shared>>
      tpu.wait_indirect_dma semaphore(%arg18 : memref<!tpu.dma_semaphore, #tpu.memory_space<semaphore_mem>>) src(%dma_wait3A_131 : memref<1024x128xf32, #tpu.memory_space<vmem_shared>>) dst(%dma_wait3A_125 : memref<100x128xf32, #tpu.memory_space<vmem>>)
      %dma_wait3A_132 = arith.constant 2 : i32
      %dma_wait3A_133 = arith.constant 2 : i32
      %dma_wait3A_134 = arith.constant 0 : i32
      %dma_wait3A_135 = arith.constant 0 : i32
      %dma_wait3A_136 = tpu.memref_slice %arg11[%dma_wait3A_133, %dma_wait3A_134, %dma_wait3A_135] : memref<4x100x128xf32, #tpu.memory_space<vmem>> -> memref<1x100x128xf32, #tpu.memory_space<vmem>>
      %dma_wait3A_137 = tpu.memref_squeeze %dma_wait3A_136 : memref<1x100x128xf32, #tpu.memory_space<vmem>> -> memref<100x128xf32, #tpu.memory_space<vmem>>
      %dma_wait3A_138 = arith.constant 0 : i32
      %dma_wait3A_139 = tpu.memref_slice %arg7[%dma_wait3A_132, %dma_wait3A_138] : memref<4x100xi32, #tpu.memory_space<vmem>> -> memref<1x100xi32, #tpu.memory_space<vmem>>
      %dma_wait3A_140 = tpu.memref_squeeze %dma_wait3A_139 : memref<1x100xi32, #tpu.memory_space<vmem>> -> memref<100xi32, #tpu.memory_space<vmem>>
      %dma_wait3A_141 = arith.constant 0 : i32
      %dma_wait3A_142 = arith.constant 0 : i32
      %dma_wait3A_143 = tpu.memref_slice %arg6[%dma_wait3A_141, %dma_wait3A_142] : memref<1024x128xf32, #tpu.memory_space<vmem_shared>> -> memref<1024x128xf32, #tpu.memory_space<vmem_shared>>
      tpu.wait_indirect_dma semaphore(%arg18 : memref<!tpu.dma_semaphore, #tpu.memory_space<semaphore_mem>>) src(%dma_wait3A_143 : memref<1024x128xf32, #tpu.memory_space<vmem_shared>>) dst(%dma_wait3A_137 : memref<100x128xf32, #tpu.memory_space<vmem>>)
      %dma_wait3A_144 = arith.constant 3 : i32
      %dma_wait3A_145 = arith.constant 3 : i32
      %dma_wait3A_146 = arith.constant 0 : i32
      %dma_wait3A_147 = arith.constant 0 : i32
      %dma_wait3A_148 = tpu.memref_slice %arg11[%dma_wait3A_145, %dma_wait3A_146, %dma_wait3A_147] : memref<4x100x128xf32, #tpu.memory_space<vmem>> -> memref<1x100x128xf32, #tpu.memory_space<vmem>>
      %dma_wait3A_149 = tpu.memref_squeeze %dma_wait3A_148 : memref<1x100x128xf32, #tpu.memory_space<vmem>> -> memref<100x128xf32, #tpu.memory_space<vmem>>
      %dma_wait3A_150 = arith.constant 0 : i32
      %dma_wait3A_151 = tpu.memref_slice %arg7[%dma_wait3A_144, %dma_wait3A_150] : memref<4x100xi32, #tpu.memory_space<vmem>> -> memref<1x100xi32, #tpu.memory_space<vmem>>
      %dma_wait3A_152 = tpu.memref_squeeze %dma_wait3A_151 : memref<1x100xi32, #tpu.memory_space<vmem>> -> memref<100xi32, #tpu.memory_space<vmem>>
      %dma_wait3A_153 = arith.constant 0 : i32
      %dma_wait3A_154 = arith.constant 0 : i32
      %dma_wait3A_155 = tpu.memref_slice %arg6[%dma_wait3A_153, %dma_wait3A_154] : memref<1024x128xf32, #tpu.memory_space<vmem_shared>> -> memref<1024x128xf32, #tpu.memory_space<vmem_shared>>
      tpu.wait_indirect_dma semaphore(%arg18 : memref<!tpu.dma_semaphore, #tpu.memory_space<semaphore_mem>>) src(%dma_wait3A_155 : memref<1024x128xf32, #tpu.memory_space<vmem_shared>>) dst(%dma_wait3A_149 : memref<100x128xf32, #tpu.memory_space<vmem>>)
      %mul3A_156 = arith.constant 512 : i32
      %mul3A_157 = arith.muli %add3A, %mul3A_156 : i32
      %mul3A_158 = arith.constant 8 : i32
      %mul3A_159 = arith.muli %mul3A_103, %mul3A_158 : i32
      %add3A_160 = arith.addi %mul3A_157, %mul3A_159 : i32
      %dma_wait3A_161 = arith.constant 0 : i32
      %dma_wait3A_162 = tpu.memref_slice %arg3[%add3A_160, %dma_wait3A_161] : memref<16384x16xf32, #tpu.memory_space<hbm>> -> memref<8x16xf32, #tpu.memory_space<hbm>>
      %dma_wait3A_163 = arith.constant 0 : i32
      %dma_wait3A_164 = tpu.memref_slice %arg3[%add3A_160, %dma_wait3A_163] : memref<16384x16xf32, #tpu.memory_space<hbm>> -> memref<8x16xf32, #tpu.memory_space<hbm>>
      tpu.wait_dma2 semaphore(%arg16 : memref<!tpu.dma_semaphore, #tpu.memory_space<semaphore_mem>>) src(%dma_wait3A_164 : memref<8x16xf32, #tpu.memory_space<hbm>>) dst(%arg9 : memref<8x16xf32, #tpu.memory_space<vmem>>)
      %scan3A_165 = arith.constant 0 : i32
      %scan3A_166 = arith.constant 4 : i32
      %scan3A_167 = arith.addi %scan3A_165, %scan3A_166 : i32
      %scan3A_168 = arith.constant 1 : i32
      scf.for %scan3A_278 = %scan3A_165 to %scan3A_167 step %scan3A_168  : i32 {
        %broadcast_in_dim3A = arith.constant 0.000000e+00 : f32
        %broadcast_in_dim3A_279 = vector.broadcast %broadcast_in_dim3A : f32 to vector<16xf32>
        %broadcast_in_dim3A_280 = arith.constant 0.000000e+00 : f32
        %broadcast_in_dim3A_281 = vector.broadcast %broadcast_in_dim3A_280 : f32 to vector<16xf32>
        %broadcast_in_dim3A_282 = arith.constant 0.000000e+00 : f32
        %broadcast_in_dim3A_283 = vector.broadcast %broadcast_in_dim3A_282 : f32 to vector<16xf32>
        %broadcast_in_dim3A_284 = arith.constant 0.000000e+00 : f32
        %broadcast_in_dim3A_285 = vector.broadcast %broadcast_in_dim3A_284 : f32 to vector<16xf32>
        %broadcast_in_dim3A_286 = arith.constant 0.000000e+00 : f32
        %broadcast_in_dim3A_287 = vector.broadcast %broadcast_in_dim3A_286 : f32 to vector<16xf32>
        %broadcast_in_dim3A_288 = arith.constant 0.000000e+00 : f32
        %broadcast_in_dim3A_289 = vector.broadcast %broadcast_in_dim3A_288 : f32 to vector<16xf32>
        %broadcast_in_dim3A_290 = arith.constant 0.000000e+00 : f32
        %broadcast_in_dim3A_291 = vector.broadcast %broadcast_in_dim3A_290 : f32 to vector<16xf32>
        %broadcast_in_dim3A_292 = arith.constant 0.000000e+00 : f32
        %broadcast_in_dim3A_293 = vector.broadcast %broadcast_in_dim3A_292 : f32 to vector<16xf32>
        %scan3A_294 = arith.constant 0 : i32
        %scan3A_295 = arith.constant 50 : i32
        %scan3A_296 = arith.addi %scan3A_294, %scan3A_295 : i32
        %scan3A_297 = arith.constant 5 : i32
        %scan3A_298:8 = scf.for %scan3A_418 = %scan3A_294 to %scan3A_296 step %scan3A_297 iter_args(%scan3A_419 = %broadcast_in_dim3A_279, %scan3A_420 = %broadcast_in_dim3A_281, %scan3A_421 = %broadcast_in_dim3A_283, %scan3A_422 = %broadcast_in_dim3A_285, %scan3A_423 = %broadcast_in_dim3A_287, %scan3A_424 = %broadcast_in_dim3A_289, %scan3A_425 = %broadcast_in_dim3A_291, %scan3A_426 = %broadcast_in_dim3A_293) -> (vector<16xf32>, vector<16xf32>, vector<16xf32>, vector<16xf32>, vector<16xf32>, vector<16xf32>, vector<16xf32>, vector<16xf32>)  : i32 {
          %add3A_427 = arith.constant 0 : i32
          %add3A_428 = arith.addi %add3A_427, %scan3A_418 : i32
          %get3A_429 = arith.index_cast %scan3A_278 : i32 to index
          %get3A_430 = arith.index_cast %add3A_428 : i32 to index
          %get3A_431 = arith.constant 0 : index
          %get3A_432 = tpu.vector_load %arg11[%get3A_429, %get3A_430, %get3A_431] {strides = array<i32>} : memref<4x100x128xf32, #tpu.memory_space<vmem>>, vector<1x1x16xf32>,
          %get3A_433 = vector.shape_cast %get3A_432 : vector<1x1x16xf32> to vector<16xf32>
          %add3A_434 = arith.addf %scan3A_419, %get3A_433 : vector<16xf32>
          %add3A_435 = arith.constant 0 : i32
          %add3A_436 = arith.addi %add3A_435, %scan3A_418 : i32
          %get3A_437 = arith.index_cast %scan3A_278 : i32 to index
          %get3A_438 = arith.index_cast %add3A_436 : i32 to index
          %get3A_439 = arith.constant 16 : index
          %get3A_440 = tpu.vector_load %arg11[%get3A_437, %get3A_438, %get3A_439] {strides = array<i32>} : memref<4x100x128xf32, #tpu.memory_space<vmem>>, vector<1x1x16xf32>,
          %get3A_441 = vector.shape_cast %get3A_440 : vector<1x1x16xf32> to vector<16xf32>
          %add3A_442 = arith.addf %scan3A_420, %get3A_441 : vector<16xf32>
          %add3A_443 = arith.constant 0 : i32
          %add3A_444 = arith.addi %add3A_443, %scan3A_418 : i32
          %get3A_445 = arith.index_cast %scan3A_278 : i32 to index
          %get3A_446 = arith.index_cast %add3A_444 : i32 to index
          %get3A_447 = arith.constant 32 : index
          %get3A_448 = tpu.vector_load %arg11[%get3A_445, %get3A_446, %get3A_447] {strides = array<i32>} : memref<4x100x128xf32, #tpu.memory_space<vmem>>, vector<1x1x16xf32>,
          %get3A_449 = vector.shape_cast %get3A_448 : vector<1x1x16xf32> to vector<16xf32>
          %add3A_450 = arith.addf %scan3A_421, %get3A_449 : vector<16xf32>
          %add3A_451 = arith.constant 0 : i32
          %add3A_452 = arith.addi %add3A_451, %scan3A_418 : i32
          %get3A_453 = arith.index_cast %scan3A_278 : i32 to index
          %get3A_454 = arith.index_cast %add3A_452 : i32 to index
          %get3A_455 = arith.constant 48 : index
          %get3A_456 = tpu.vector_load %arg11[%get3A_453, %get3A_454, %get3A_455] {strides = array<i32>} : memref<4x100x128xf32, #tpu.memory_space<vmem>>, vector<1x1x16xf32>,
          %get3A_457 = vector.shape_cast %get3A_456 : vector<1x1x16xf32> to vector<16xf32>
          %add3A_458 = arith.addf %scan3A_422, %get3A_457 : vector<16xf32>
          %add3A_459 = arith.constant 0 : i32
          %add3A_460 = arith.addi %add3A_459, %scan3A_418 : i32
          %get3A_461 = arith.index_cast %scan3A_278 : i32 to index
          %get3A_462 = arith.index_cast %add3A_460 : i32 to index
          %get3A_463 = arith.constant 64 : index
          %get3A_464 = tpu.vector_load %arg11[%get3A_461, %get3A_462, %get3A_463] {strides = array<i32>} : memref<4x100x128xf32, #tpu.memory_space<vmem>>, vector<1x1x16xf32>,
          %get3A_465 = vector.shape_cast %get3A_464 : vector<1x1x16xf32> to vector<16xf32>
          %add3A_466 = arith.addf %scan3A_423, %get3A_465 : vector<16xf32>
          %add3A_467 = arith.constant 0 : i32
          %add3A_468 = arith.addi %add3A_467, %scan3A_418 : i32
          %get3A_469 = arith.index_cast %scan3A_278 : i32 to index
          %get3A_470 = arith.index_cast %add3A_468 : i32 to index
          %get3A_471 = arith.constant 80 : index
          %get3A_472 = tpu.vector_load %arg11[%get3A_469, %get3A_470, %get3A_471] {strides = array<i32>} : memref<4x100x128xf32, #tpu.memory_space<vmem>>, vector<1x1x16xf32>,
          %get3A_473 = vector.shape_cast %get3A_472 : vector<1x1x16xf32> to vector<16xf32>
          %add3A_474 = arith.addf %scan3A_424, %get3A_473 : vector<16xf32>
          %add3A_475 = arith.constant 0 : i32
          %add3A_476 = arith.addi %add3A_475, %scan3A_418 : i32
          %get3A_477 = arith.index_cast %scan3A_278 : i32 to index
          %get3A_478 = arith.index_cast %add3A_476 : i32 to index
          %get3A_479 = arith.constant 96 : index
          %get3A_480 = tpu.vector_load %arg11[%get3A_477, %get3A_478, %get3A_479] {strides = array<i32>} : memref<4x100x128xf32, #tpu.memory_space<vmem>>, vector<1x1x16xf32>,
          %get3A_481 = vector.shape_cast %get3A_480 : vector<1x1x16xf32> to vector<16xf32>
          %add3A_482 = arith.addf %scan3A_425, %get3A_481 : vector<16xf32>
          %add3A_483 = arith.constant 0 : i32
          %add3A_484 = arith.addi %add3A_483, %scan3A_418 : i32
          %get3A_485 = arith.index_cast %scan3A_278 : i32 to index
          %get3A_486 = arith.index_cast %add3A_484 : i32 to index
          %get3A_487 = arith.constant 112 : index
          %get3A_488 = tpu.vector_load %arg11[%get3A_485, %get3A_486, %get3A_487] {strides = array<i32>} : memref<4x100x128xf32, #tpu.memory_space<vmem>>, vector<1x1x16xf32>,
          %get3A_489 = vector.shape_cast %get3A_488 : vector<1x1x16xf32> to vector<16xf32>
          %add3A_490 = arith.addf %scan3A_426, %get3A_489 : vector<16xf32>
          %scan3A_491 = arith.constant 1 : i32
          %scan3A_492 = arith.addi %scan3A_418, %scan3A_491 : i32
          %add3A_493 = arith.constant 0 : i32
          %add3A_494 = arith.addi %add3A_493, %scan3A_492 : i32
          %get3A_495 = arith.index_cast %scan3A_278 : i32 to index
          %get3A_496 = arith.index_cast %add3A_494 : i32 to index
          %get3A_497 = arith.constant 0 : index
          %get3A_498 = tpu.vector_load %arg11[%get3A_495, %get3A_496, %get3A_497] {strides = array<i32>} : memref<4x100x128xf32, #tpu.memory_space<vmem>>, vector<1x1x16xf32>,
          %get3A_499 = vector.shape_cast %get3A_498 : vector<1x1x16xf32> to vector<16xf32>
          %add3A_500 = arith.addf %add3A_434, %get3A_499 : vector<16xf32>
          %add3A_501 = arith.constant 0 : i32
          %add3A_502 = arith.addi %add3A_501, %scan3A_492 : i32
          %get3A_503 = arith.index_cast %scan3A_278 : i32 to index
          %get3A_504 = arith.index_cast %add3A_502 : i32 to index
          %get3A_505 = arith.constant 16 : index
          %get3A_506 = tpu.vector_load %arg11[%get3A_503, %get3A_504, %get3A_505] {strides = array<i32>} : memref<4x100x128xf32, #tpu.memory_space<vmem>>, vector<1x1x16xf32>,
          %get3A_507 = vector.shape_cast %get3A_506 : vector<1x1x16xf32> to vector<16xf32>
          %add3A_508 = arith.addf %add3A_442, %get3A_507 : vector<16xf32>
          %add3A_509 = arith.constant 0 : i32
          %add3A_510 = arith.addi %add3A_509, %scan3A_492 : i32
          %get3A_511 = arith.index_cast %scan3A_278 : i32 to index
          %get3A_512 = arith.index_cast %add3A_510 : i32 to index
          %get3A_513 = arith.constant 32 : index
          %get3A_514 = tpu.vector_load %arg11[%get3A_511, %get3A_512, %get3A_513] {strides = array<i32>} : memref<4x100x128xf32, #tpu.memory_space<vmem>>, vector<1x1x16xf32>,
          %get3A_515 = vector.shape_cast %get3A_514 : vector<1x1x16xf32> to vector<16xf32>
          %add3A_516 = arith.addf %add3A_450, %get3A_515 : vector<16xf32>
          %add3A_517 = arith.constant 0 : i32
          %add3A_518 = arith.addi %add3A_517, %scan3A_492 : i32
          %get3A_519 = arith.index_cast %scan3A_278 : i32 to index
          %get3A_520 = arith.index_cast %add3A_518 : i32 to index
          %get3A_521 = arith.constant 48 : index
          %get3A_522 = tpu.vector_load %arg11[%get3A_519, %get3A_520, %get3A_521] {strides = array<i32>} : memref<4x100x128xf32, #tpu.memory_space<vmem>>, vector<1x1x16xf32>,
          %get3A_523 = vector.shape_cast %get3A_522 : vector<1x1x16xf32> to vector<16xf32>
          %add3A_524 = arith.addf %add3A_458, %get3A_523 : vector<16xf32>
          %add3A_525 = arith.constant 0 : i32
          %add3A_526 = arith.addi %add3A_525, %scan3A_492 : i32
          %get3A_527 = arith.index_cast %scan3A_278 : i32 to index
          %get3A_528 = arith.index_cast %add3A_526 : i32 to index
          %get3A_529 = arith.constant 64 : index
          %get3A_530 = tpu.vector_load %arg11[%get3A_527, %get3A_528, %get3A_529] {strides = array<i32>} : memref<4x100x128xf32, #tpu.memory_space<vmem>>, vector<1x1x16xf32>,
          %get3A_531 = vector.shape_cast %get3A_530 : vector<1x1x16xf32> to vector<16xf32>
          %add3A_532 = arith.addf %add3A_466, %get3A_531 : vector<16xf32>
          %add3A_533 = arith.constant 0 : i32
          %add3A_534 = arith.addi %add3A_533, %scan3A_492 : i32
          %get3A_535 = arith.index_cast %scan3A_278 : i32 to index
          %get3A_536 = arith.index_cast %add3A_534 : i32 to index
          %get3A_537 = arith.constant 80 : index
          %get3A_538 = tpu.vector_load %arg11[%get3A_535, %get3A_536, %get3A_537] {strides = array<i32>} : memref<4x100x128xf32, #tpu.memory_space<vmem>>, vector<1x1x16xf32>,
          %get3A_539 = vector.shape_cast %get3A_538 : vector<1x1x16xf32> to vector<16xf32>
          %add3A_540 = arith.addf %add3A_474, %get3A_539 : vector<16xf32>
          %add3A_541 = arith.constant 0 : i32
          %add3A_542 = arith.addi %add3A_541, %scan3A_492 : i32
          %get3A_543 = arith.index_cast %scan3A_278 : i32 to index
          %get3A_544 = arith.index_cast %add3A_542 : i32 to index
          %get3A_545 = arith.constant 96 : index
          %get3A_546 = tpu.vector_load %arg11[%get3A_543, %get3A_544, %get3A_545] {strides = array<i32>} : memref<4x100x128xf32, #tpu.memory_space<vmem>>, vector<1x1x16xf32>,
          %get3A_547 = vector.shape_cast %get3A_546 : vector<1x1x16xf32> to vector<16xf32>
          %add3A_548 = arith.addf %add3A_482, %get3A_547 : vector<16xf32>
          %add3A_549 = arith.constant 0 : i32
          %add3A_550 = arith.addi %add3A_549, %scan3A_492 : i32
          %get3A_551 = arith.index_cast %scan3A_278 : i32 to index
          %get3A_552 = arith.index_cast %add3A_550 : i32 to index
          %get3A_553 = arith.constant 112 : index
          %get3A_554 = tpu.vector_load %arg11[%get3A_551, %get3A_552, %get3A_553] {strides = array<i32>} : memref<4x100x128xf32, #tpu.memory_space<vmem>>, vector<1x1x16xf32>,
          %get3A_555 = vector.shape_cast %get3A_554 : vector<1x1x16xf32> to vector<16xf32>
          %add3A_556 = arith.addf %add3A_490, %get3A_555 : vector<16xf32>
          %scan3A_557 = arith.constant 2 : i32
          %scan3A_558 = arith.addi %scan3A_418, %scan3A_557 : i32
          %add3A_559 = arith.constant 0 : i32
          %add3A_560 = arith.addi %add3A_559, %scan3A_558 : i32
          %get3A_561 = arith.index_cast %scan3A_278 : i32 to index
          %get3A_562 = arith.index_cast %add3A_560 : i32 to index
          %get3A_563 = arith.constant 0 : index
          %get3A_564 = tpu.vector_load %arg11[%get3A_561, %get3A_562, %get3A_563] {strides = array<i32>} : memref<4x100x128xf32, #tpu.memory_space<vmem>>, vector<1x1x16xf32>,
          %get3A_565 = vector.shape_cast %get3A_564 : vector<1x1x16xf32> to vector<16xf32>
          %add3A_566 = arith.addf %add3A_500, %get3A_565 : vector<16xf32>
          %add3A_567 = arith.constant 0 : i32
          %add3A_568 = arith.addi %add3A_567, %scan3A_558 : i32
          %get3A_569 = arith.index_cast %scan3A_278 : i32 to index
          %get3A_570 = arith.index_cast %add3A_568 : i32 to index
          %get3A_571 = arith.constant 16 : index
          %get3A_572 = tpu.vector_load %arg11[%get3A_569, %get3A_570, %get3A_571] {strides = array<i32>} : memref<4x100x128xf32, #tpu.memory_space<vmem>>, vector<1x1x16xf32>,
          %get3A_573 = vector.shape_cast %get3A_572 : vector<1x1x16xf32> to vector<16xf32>
          %add3A_574 = arith.addf %add3A_508, %get3A_573 : vector<16xf32>
          %add3A_575 = arith.constant 0 : i32
          %add3A_576 = arith.addi %add3A_575, %scan3A_558 : i32
          %get3A_577 = arith.index_cast %scan3A_278 : i32 to index
          %get3A_578 = arith.index_cast %add3A_576 : i32 to index
          %get3A_579 = arith.constant 32 : index
          %get3A_580 = tpu.vector_load %arg11[%get3A_577, %get3A_578, %get3A_579] {strides = array<i32>} : memref<4x100x128xf32, #tpu.memory_space<vmem>>, vector<1x1x16xf32>,
          %get3A_581 = vector.shape_cast %get3A_580 : vector<1x1x16xf32> to vector<16xf32>
          %add3A_582 = arith.addf %add3A_516, %get3A_581 : vector<16xf32>
          %add3A_583 = arith.constant 0 : i32
          %add3A_584 = arith.addi %add3A_583, %scan3A_558 : i32
          %get3A_585 = arith.index_cast %scan3A_278 : i32 to index
          %get3A_586 = arith.index_cast %add3A_584 : i32 to index
          %get3A_587 = arith.constant 48 : index
          %get3A_588 = tpu.vector_load %arg11[%get3A_585, %get3A_586, %get3A_587] {strides = array<i32>} : memref<4x100x128xf32, #tpu.memory_space<vmem>>, vector<1x1x16xf32>,
          %get3A_589 = vector.shape_cast %get3A_588 : vector<1x1x16xf32> to vector<16xf32>
          %add3A_590 = arith.addf %add3A_524, %get3A_589 : vector<16xf32>
          %add3A_591 = arith.constant 0 : i32
          %add3A_592 = arith.addi %add3A_591, %scan3A_558 : i32
          %get3A_593 = arith.index_cast %scan3A_278 : i32 to index
          %get3A_594 = arith.index_cast %add3A_592 : i32 to index
          %get3A_595 = arith.constant 64 : index
          %get3A_596 = tpu.vector_load %arg11[%get3A_593, %get3A_594, %get3A_595] {strides = array<i32>} : memref<4x100x128xf32, #tpu.memory_space<vmem>>, vector<1x1x16xf32>,
          %get3A_597 = vector.shape_cast %get3A_596 : vector<1x1x16xf32> to vector<16xf32>
          %add3A_598 = arith.addf %add3A_532, %get3A_597 : vector<16xf32>
          %add3A_599 = arith.constant 0 : i32
          %add3A_600 = arith.addi %add3A_599, %scan3A_558 : i32
          %get3A_601 = arith.index_cast %scan3A_278 : i32 to index
          %get3A_602 = arith.index_cast %add3A_600 : i32 to index
          %get3A_603 = arith.constant 80 : index
          %get3A_604 = tpu.vector_load %arg11[%get3A_601, %get3A_602, %get3A_603] {strides = array<i32>} : memref<4x100x128xf32, #tpu.memory_space<vmem>>, vector<1x1x16xf32>,
          %get3A_605 = vector.shape_cast %get3A_604 : vector<1x1x16xf32> to vector<16xf32>
          %add3A_606 = arith.addf %add3A_540, %get3A_605 : vector<16xf32>
          %add3A_607 = arith.constant 0 : i32
          %add3A_608 = arith.addi %add3A_607, %scan3A_558 : i32
          %get3A_609 = arith.index_cast %scan3A_278 : i32 to index
          %get3A_610 = arith.index_cast %add3A_608 : i32 to index
          %get3A_611 = arith.constant 96 : index
          %get3A_612 = tpu.vector_load %arg11[%get3A_609, %get3A_610, %get3A_611] {strides = array<i32>} : memref<4x100x128xf32, #tpu.memory_space<vmem>>, vector<1x1x16xf32>,
          %get3A_613 = vector.shape_cast %get3A_612 : vector<1x1x16xf32> to vector<16xf32>
          %add3A_614 = arith.addf %add3A_548, %get3A_613 : vector<16xf32>
          %add3A_615 = arith.constant 0 : i32
          %add3A_616 = arith.addi %add3A_615, %scan3A_558 : i32
          %get3A_617 = arith.index_cast %scan3A_278 : i32 to index
          %get3A_618 = arith.index_cast %add3A_616 : i32 to index
          %get3A_619 = arith.constant 112 : index
          %get3A_620 = tpu.vector_load %arg11[%get3A_617, %get3A_618, %get3A_619] {strides = array<i32>} : memref<4x100x128xf32, #tpu.memory_space<vmem>>, vector<1x1x16xf32>,
          %get3A_621 = vector.shape_cast %get3A_620 : vector<1x1x16xf32> to vector<16xf32>
          %add3A_622 = arith.addf %add3A_556, %get3A_621 : vector<16xf32>
          %scan3A_623 = arith.constant 3 : i32
          %scan3A_624 = arith.addi %scan3A_418, %scan3A_623 : i32
          %add3A_625 = arith.constant 0 : i32
          %add3A_626 = arith.addi %add3A_625, %scan3A_624 : i32
          %get3A_627 = arith.index_cast %scan3A_278 : i32 to index
          %get3A_628 = arith.index_cast %add3A_626 : i32 to index
          %get3A_629 = arith.constant 0 : index
          %get3A_630 = tpu.vector_load %arg11[%get3A_627, %get3A_628, %get3A_629] {strides = array<i32>} : memref<4x100x128xf32, #tpu.memory_space<vmem>>, vector<1x1x16xf32>,
          %get3A_631 = vector.shape_cast %get3A_630 : vector<1x1x16xf32> to vector<16xf32>
          %add3A_632 = arith.addf %add3A_566, %get3A_631 : vector<16xf32>
          %add3A_633 = arith.constant 0 : i32
          %add3A_634 = arith.addi %add3A_633, %scan3A_624 : i32
          %get3A_635 = arith.index_cast %scan3A_278 : i32 to index
          %get3A_636 = arith.index_cast %add3A_634 : i32 to index
          %get3A_637 = arith.constant 16 : index
          %get3A_638 = tpu.vector_load %arg11[%get3A_635, %get3A_636, %get3A_637] {strides = array<i32>} : memref<4x100x128xf32, #tpu.memory_space<vmem>>, vector<1x1x16xf32>,
          %get3A_639 = vector.shape_cast %get3A_638 : vector<1x1x16xf32> to vector<16xf32>
          %add3A_640 = arith.addf %add3A_574, %get3A_639 : vector<16xf32>
          %add3A_641 = arith.constant 0 : i32
          %add3A_642 = arith.addi %add3A_641, %scan3A_624 : i32
          %get3A_643 = arith.index_cast %scan3A_278 : i32 to index
          %get3A_644 = arith.index_cast %add3A_642 : i32 to index
          %get3A_645 = arith.constant 32 : index
          %get3A_646 = tpu.vector_load %arg11[%get3A_643, %get3A_644, %get3A_645] {strides = array<i32>} : memref<4x100x128xf32, #tpu.memory_space<vmem>>, vector<1x1x16xf32>,
          %get3A_647 = vector.shape_cast %get3A_646 : vector<1x1x16xf32> to vector<16xf32>
          %add3A_648 = arith.addf %add3A_582, %get3A_647 : vector<16xf32>
          %add3A_649 = arith.constant 0 : i32
          %add3A_650 = arith.addi %add3A_649, %scan3A_624 : i32
          %get3A_651 = arith.index_cast %scan3A_278 : i32 to index
          %get3A_652 = arith.index_cast %add3A_650 : i32 to index
          %get3A_653 = arith.constant 48 : index
          %get3A_654 = tpu.vector_load %arg11[%get3A_651, %get3A_652, %get3A_653] {strides = array<i32>} : memref<4x100x128xf32, #tpu.memory_space<vmem>>, vector<1x1x16xf32>,
          %get3A_655 = vector.shape_cast %get3A_654 : vector<1x1x16xf32> to vector<16xf32>
          %add3A_656 = arith.addf %add3A_590, %get3A_655 : vector<16xf32>
          %add3A_657 = arith.constant 0 : i32
          %add3A_658 = arith.addi %add3A_657, %scan3A_624 : i32
          %get3A_659 = arith.index_cast %scan3A_278 : i32 to index
          %get3A_660 = arith.index_cast %add3A_658 : i32 to index
          %get3A_661 = arith.constant 64 : index
          %get3A_662 = tpu.vector_load %arg11[%get3A_659, %get3A_660, %get3A_661] {strides = array<i32>} : memref<4x100x128xf32, #tpu.memory_space<vmem>>, vector<1x1x16xf32>,
          %get3A_663 = vector.shape_cast %get3A_662 : vector<1x1x16xf32> to vector<16xf32>
          %add3A_664 = arith.addf %add3A_598, %get3A_663 : vector<16xf32>
          %add3A_665 = arith.constant 0 : i32
          %add3A_666 = arith.addi %add3A_665, %scan3A_624 : i32
          %get3A_667 = arith.index_cast %scan3A_278 : i32 to index
          %get3A_668 = arith.index_cast %add3A_666 : i32 to index
          %get3A_669 = arith.constant 80 : index
          %get3A_670 = tpu.vector_load %arg11[%get3A_667, %get3A_668, %get3A_669] {strides = array<i32>} : memref<4x100x128xf32, #tpu.memory_space<vmem>>, vector<1x1x16xf32>,
          %get3A_671 = vector.shape_cast %get3A_670 : vector<1x1x16xf32> to vector<16xf32>
          %add3A_672 = arith.addf %add3A_606, %get3A_671 : vector<16xf32>
          %add3A_673 = arith.constant 0 : i32
          %add3A_674 = arith.addi %add3A_673, %scan3A_624 : i32
          %get3A_675 = arith.index_cast %scan3A_278 : i32 to index
          %get3A_676 = arith.index_cast %add3A_674 : i32 to index
          %get3A_677 = arith.constant 96 : index
          %get3A_678 = tpu.vector_load %arg11[%get3A_675, %get3A_676, %get3A_677] {strides = array<i32>} : memref<4x100x128xf32, #tpu.memory_space<vmem>>, vector<1x1x16xf32>,
          %get3A_679 = vector.shape_cast %get3A_678 : vector<1x1x16xf32> to vector<16xf32>
          %add3A_680 = arith.addf %add3A_614, %get3A_679 : vector<16xf32>
          %add3A_681 = arith.constant 0 : i32
          %add3A_682 = arith.addi %add3A_681, %scan3A_624 : i32
          %get3A_683 = arith.index_cast %scan3A_278 : i32 to index
          %get3A_684 = arith.index_cast %add3A_682 : i32 to index
          %get3A_685 = arith.constant 112 : index
          %get3A_686 = tpu.vector_load %arg11[%get3A_683, %get3A_684, %get3A_685] {strides = array<i32>} : memref<4x100x128xf32, #tpu.memory_space<vmem>>, vector<1x1x16xf32>,
          %get3A_687 = vector.shape_cast %get3A_686 : vector<1x1x16xf32> to vector<16xf32>
          %add3A_688 = arith.addf %add3A_622, %get3A_687 : vector<16xf32>
          %scan3A_689 = arith.constant 4 : i32
          %scan3A_690 = arith.addi %scan3A_418, %scan3A_689 : i32
          %add3A_691 = arith.constant 0 : i32
          %add3A_692 = arith.addi %add3A_691, %scan3A_690 : i32
          %get3A_693 = arith.index_cast %scan3A_278 : i32 to index
          %get3A_694 = arith.index_cast %add3A_692 : i32 to index
          %get3A_695 = arith.constant 0 : index
          %get3A_696 = tpu.vector_load %arg11[%get3A_693, %get3A_694, %get3A_695] {strides = array<i32>} : memref<4x100x128xf32, #tpu.memory_space<vmem>>, vector<1x1x16xf32>,
          %get3A_697 = vector.shape_cast %get3A_696 : vector<1x1x16xf32> to vector<16xf32>
          %add3A_698 = arith.addf %add3A_632, %get3A_697 : vector<16xf32>
          %add3A_699 = arith.constant 0 : i32
          %add3A_700 = arith.addi %add3A_699, %scan3A_690 : i32
          %get3A_701 = arith.index_cast %scan3A_278 : i32 to index
          %get3A_702 = arith.index_cast %add3A_700 : i32 to index
          %get3A_703 = arith.constant 16 : index
          %get3A_704 = tpu.vector_load %arg11[%get3A_701, %get3A_702, %get3A_703] {strides = array<i32>} : memref<4x100x128xf32, #tpu.memory_space<vmem>>, vector<1x1x16xf32>,
          %get3A_705 = vector.shape_cast %get3A_704 : vector<1x1x16xf32> to vector<16xf32>
          %add3A_706 = arith.addf %add3A_640, %get3A_705 : vector<16xf32>
          %add3A_707 = arith.constant 0 : i32
          %add3A_708 = arith.addi %add3A_707, %scan3A_690 : i32
          %get3A_709 = arith.index_cast %scan3A_278 : i32 to index
          %get3A_710 = arith.index_cast %add3A_708 : i32 to index
          %get3A_711 = arith.constant 32 : index
          %get3A_712 = tpu.vector_load %arg11[%get3A_709, %get3A_710, %get3A_711] {strides = array<i32>} : memref<4x100x128xf32, #tpu.memory_space<vmem>>, vector<1x1x16xf32>,
          %get3A_713 = vector.shape_cast %get3A_712 : vector<1x1x16xf32> to vector<16xf32>
          %add3A_714 = arith.addf %add3A_648, %get3A_713 : vector<16xf32>
          %add3A_715 = arith.constant 0 : i32
          %add3A_716 = arith.addi %add3A_715, %scan3A_690 : i32
          %get3A_717 = arith.index_cast %scan3A_278 : i32 to index
          %get3A_718 = arith.index_cast %add3A_716 : i32 to index
          %get3A_719 = arith.constant 48 : index
          %get3A_720 = tpu.vector_load %arg11[%get3A_717, %get3A_718, %get3A_719] {strides = array<i32>} : memref<4x100x128xf32, #tpu.memory_space<vmem>>, vector<1x1x16xf32>,
          %get3A_721 = vector.shape_cast %get3A_720 : vector<1x1x16xf32> to vector<16xf32>
          %add3A_722 = arith.addf %add3A_656, %get3A_721 : vector<16xf32>
          %add3A_723 = arith.constant 0 : i32
          %add3A_724 = arith.addi %add3A_723, %scan3A_690 : i32
          %get3A_725 = arith.index_cast %scan3A_278 : i32 to index
          %get3A_726 = arith.index_cast %add3A_724 : i32 to index
          %get3A_727 = arith.constant 64 : index
          %get3A_728 = tpu.vector_load %arg11[%get3A_725, %get3A_726, %get3A_727] {strides = array<i32>} : memref<4x100x128xf32, #tpu.memory_space<vmem>>, vector<1x1x16xf32>,
          %get3A_729 = vector.shape_cast %get3A_728 : vector<1x1x16xf32> to vector<16xf32>
          %add3A_730 = arith.addf %add3A_664, %get3A_729 : vector<16xf32>
          %add3A_731 = arith.constant 0 : i32
          %add3A_732 = arith.addi %add3A_731, %scan3A_690 : i32
          %get3A_733 = arith.index_cast %scan3A_278 : i32 to index
          %get3A_734 = arith.index_cast %add3A_732 : i32 to index
          %get3A_735 = arith.constant 80 : index
          %get3A_736 = tpu.vector_load %arg11[%get3A_733, %get3A_734, %get3A_735] {strides = array<i32>} : memref<4x100x128xf32, #tpu.memory_space<vmem>>, vector<1x1x16xf32>,
          %get3A_737 = vector.shape_cast %get3A_736 : vector<1x1x16xf32> to vector<16xf32>
          %add3A_738 = arith.addf %add3A_672, %get3A_737 : vector<16xf32>
          %add3A_739 = arith.constant 0 : i32
          %add3A_740 = arith.addi %add3A_739, %scan3A_690 : i32
          %get3A_741 = arith.index_cast %scan3A_278 : i32 to index
          %get3A_742 = arith.index_cast %add3A_740 : i32 to index
          %get3A_743 = arith.constant 96 : index
          %get3A_744 = tpu.vector_load %arg11[%get3A_741, %get3A_742, %get3A_743] {strides = array<i32>} : memref<4x100x128xf32, #tpu.memory_space<vmem>>, vector<1x1x16xf32>,
          %get3A_745 = vector.shape_cast %get3A_744 : vector<1x1x16xf32> to vector<16xf32>
          %add3A_746 = arith.addf %add3A_680, %get3A_745 : vector<16xf32>
          %add3A_747 = arith.constant 0 : i32
          %add3A_748 = arith.addi %add3A_747, %scan3A_690 : i32
          %get3A_749 = arith.index_cast %scan3A_278 : i32 to index
          %get3A_750 = arith.index_cast %add3A_748 : i32 to index
          %get3A_751 = arith.constant 112 : index
          %get3A_752 = tpu.vector_load %arg11[%get3A_749, %get3A_750, %get3A_751] {strides = array<i32>} : memref<4x100x128xf32, #tpu.memory_space<vmem>>, vector<1x1x16xf32>,
          %get3A_753 = vector.shape_cast %get3A_752 : vector<1x1x16xf32> to vector<16xf32>
          %add3A_754 = arith.addf %add3A_688, %get3A_753 : vector<16xf32>
          scf.yield %add3A_698, %add3A_706, %add3A_714, %add3A_722, %add3A_730, %add3A_738, %add3A_746, %add3A_754 : vector<16xf32>, vector<16xf32>, vector<16xf32>, vector<16xf32>, vector<16xf32>, vector<16xf32>, vector<16xf32>, vector<16xf32>
        }
        %scan3A_299 = arith.constant 50 : i32
        %mul3A_300 = arith.constant 2 : i32
        %mul3A_301 = arith.muli %scan3A_278, %mul3A_300 : i32
        %add3A_302 = arith.constant 0 : i32
        %add3A_303 = arith.addi %mul3A_301, %add3A_302 : i32
        %get3A = arith.index_cast %add3A_303 : i32 to index
        %get3A_304 = arith.constant 0 : index
        %get3A_305 = tpu.vector_load %arg9[%get3A, %get3A_304] {strides = array<i32>} : memref<8x16xf32, #tpu.memory_space<vmem>>, vector<1x16xf32>,
        %get3A_306 = vector.shape_cast %get3A_305 : vector<1x16xf32> to vector<16xf32>
        %add3A_307 = arith.addf %scan3A_298#7, %get3A_306 : vector<16xf32>
        %swap3A = arith.index_cast %add3A_303 : i32 to index
        %swap3A_308 = arith.constant 0 : index
        %swap3A_309 = tpu.vector_load %arg13[%swap3A, %swap3A_308] {strides = array<i32>} : memref<8x128xf32, #tpu.memory_space<vmem>>, vector<1x16xf32>,
        %swap3A_310 = vector.shape_cast %swap3A_309 : vector<1x16xf32> to vector<16xf32>
        %swap3A_311 = vector.shape_cast %scan3A_298#0 : vector<16xf32> to vector<1x16xf32>
        tpu.vector_store %arg13[%swap3A, %swap3A_308], %swap3A_311 {strides = array<i32>} : memref<8x128xf32, #tpu.memory_space<vmem>>, vector<1x16xf32>,
        %swap3A_312 = arith.index_cast %add3A_303 : i32 to index
        %swap3A_313 = arith.constant 16 : index
        %swap3A_314 = tpu.vector_load %arg13[%swap3A_312, %swap3A_313] {strides = array<i32>} : memref<8x128xf32, #tpu.memory_space<vmem>>, vector<1x16xf32>,
        %swap3A_315 = vector.shape_cast %swap3A_314 : vector<1x16xf32> to vector<16xf32>
        %swap3A_316 = vector.shape_cast %scan3A_298#1 : vector<16xf32> to vector<1x16xf32>
        tpu.vector_store %arg13[%swap3A_312, %swap3A_313], %swap3A_316 {strides = array<i32>} : memref<8x128xf32, #tpu.memory_space<vmem>>, vector<1x16xf32>,
        %swap3A_317 = arith.index_cast %add3A_303 : i32 to index
        %swap3A_318 = arith.constant 32 : index
        %swap3A_319 = tpu.vector_load %arg13[%swap3A_317, %swap3A_318] {strides = array<i32>} : memref<8x128xf32, #tpu.memory_space<vmem>>, vector<1x16xf32>,
        %swap3A_320 = vector.shape_cast %swap3A_319 : vector<1x16xf32> to vector<16xf32>
        %swap3A_321 = vector.shape_cast %scan3A_298#2 : vector<16xf32> to vector<1x16xf32>
        tpu.vector_store %arg13[%swap3A_317, %swap3A_318], %swap3A_321 {strides = array<i32>} : memref<8x128xf32, #tpu.memory_space<vmem>>, vector<1x16xf32>,
        %swap3A_322 = arith.index_cast %add3A_303 : i32 to index
        %swap3A_323 = arith.constant 48 : index
        %swap3A_324 = tpu.vector_load %arg13[%swap3A_322, %swap3A_323] {strides = array<i32>} : memref<8x128xf32, #tpu.memory_space<vmem>>, vector<1x16xf32>,
        %swap3A_325 = vector.shape_cast %swap3A_324 : vector<1x16xf32> to vector<16xf32>
        %swap3A_326 = vector.shape_cast %scan3A_298#3 : vector<16xf32> to vector<1x16xf32>
        tpu.vector_store %arg13[%swap3A_322, %swap3A_323], %swap3A_326 {strides = array<i32>} : memref<8x128xf32, #tpu.memory_space<vmem>>, vector<1x16xf32>,
        %swap3A_327 = arith.index_cast %add3A_303 : i32 to index
        %swap3A_328 = arith.constant 64 : index
        %swap3A_329 = tpu.vector_load %arg13[%swap3A_327, %swap3A_328] {strides = array<i32>} : memref<8x128xf32, #tpu.memory_space<vmem>>, vector<1x16xf32>,
        %swap3A_330 = vector.shape_cast %swap3A_329 : vector<1x16xf32> to vector<16xf32>
        %swap3A_331 = vector.shape_cast %scan3A_298#4 : vector<16xf32> to vector<1x16xf32>
        tpu.vector_store %arg13[%swap3A_327, %swap3A_328], %swap3A_331 {strides = array<i32>} : memref<8x128xf32, #tpu.memory_space<vmem>>, vector<1x16xf32>,
        %swap3A_332 = arith.index_cast %add3A_303 : i32 to index
        %swap3A_333 = arith.constant 80 : index
        %swap3A_334 = tpu.vector_load %arg13[%swap3A_332, %swap3A_333] {strides = array<i32>} : memref<8x128xf32, #tpu.memory_space<vmem>>, vector<1x16xf32>,
        %swap3A_335 = vector.shape_cast %swap3A_334 : vector<1x16xf32> to vector<16xf32>
        %swap3A_336 = vector.shape_cast %scan3A_298#5 : vector<16xf32> to vector<1x16xf32>
        tpu.vector_store %arg13[%swap3A_332, %swap3A_333], %swap3A_336 {strides = array<i32>} : memref<8x128xf32, #tpu.memory_space<vmem>>, vector<1x16xf32>,
        %swap3A_337 = arith.index_cast %add3A_303 : i32 to index
        %swap3A_338 = arith.constant 96 : index
        %swap3A_339 = tpu.vector_load %arg13[%swap3A_337, %swap3A_338] {strides = array<i32>} : memref<8x128xf32, #tpu.memory_space<vmem>>, vector<1x16xf32>,
        %swap3A_340 = vector.shape_cast %swap3A_339 : vector<1x16xf32> to vector<16xf32>
        %swap3A_341 = vector.shape_cast %scan3A_298#6 : vector<16xf32> to vector<1x16xf32>
        tpu.vector_store %arg13[%swap3A_337, %swap3A_338], %swap3A_341 {strides = array<i32>} : memref<8x128xf32, #tpu.memory_space<vmem>>, vector<1x16xf32>,
        %swap3A_342 = arith.index_cast %add3A_303 : i32 to index
        %swap3A_343 = arith.constant 112 : index
        %swap3A_344 = tpu.vector_load %arg13[%swap3A_342, %swap3A_343] {strides = array<i32>} : memref<8x128xf32, #tpu.memory_space<vmem>>, vector<1x16xf32>,
        %swap3A_345 = vector.shape_cast %swap3A_344 : vector<1x16xf32> to vector<16xf32>
        %swap3A_346 = vector.shape_cast %add3A_307 : vector<16xf32> to vector<1x16xf32>
        tpu.vector_store %arg13[%swap3A_342, %swap3A_343], %swap3A_346 {strides = array<i32>} : memref<8x128xf32, #tpu.memory_space<vmem>>, vector<1x16xf32>,
        %broadcast_in_dim3A_347 = arith.constant 0.000000e+00 : f32
        %broadcast_in_dim3A_348 = vector.broadcast %broadcast_in_dim3A_347 : f32 to vector<16xf32>
        %broadcast_in_dim3A_349 = arith.constant 0.000000e+00 : f32
        %broadcast_in_dim3A_350 = vector.broadcast %broadcast_in_dim3A_349 : f32 to vector<16xf32>
        %broadcast_in_dim3A_351 = arith.constant 0.000000e+00 : f32
        %broadcast_in_dim3A_352 = vector.broadcast %broadcast_in_dim3A_351 : f32 to vector<16xf32>
        %broadcast_in_dim3A_353 = arith.constant 0.000000e+00 : f32
        %broadcast_in_dim3A_354 = vector.broadcast %broadcast_in_dim3A_353 : f32 to vector<16xf32>
        %broadcast_in_dim3A_355 = arith.constant 0.000000e+00 : f32
        %broadcast_in_dim3A_356 = vector.broadcast %broadcast_in_dim3A_355 : f32 to vector<16xf32>
        %broadcast_in_dim3A_357 = arith.constant 0.000000e+00 : f32
        %broadcast_in_dim3A_358 = vector.broadcast %broadcast_in_dim3A_357 : f32 to vector<16xf32>
        %broadcast_in_dim3A_359 = arith.constant 0.000000e+00 : f32
        %broadcast_in_dim3A_360 = vector.broadcast %broadcast_in_dim3A_359 : f32 to vector<16xf32>
        %broadcast_in_dim3A_361 = arith.constant 0.000000e+00 : f32
        %broadcast_in_dim3A_362 = vector.broadcast %broadcast_in_dim3A_361 : f32 to vector<16xf32>
        %scan3A_363 = arith.constant 0 : i32
        %scan3A_364 = arith.constant 50 : i32
        %scan3A_365 = arith.addi %scan3A_363, %scan3A_364 : i32
        %scan3A_366 = arith.constant 5 : i32
        %scan3A_367:8 = scf.for %scan3A_418 = %scan3A_363 to %scan3A_365 step %scan3A_366 iter_args(%scan3A_419 = %broadcast_in_dim3A_348, %scan3A_420 = %broadcast_in_dim3A_350, %scan3A_421 = %broadcast_in_dim3A_352, %scan3A_422 = %broadcast_in_dim3A_354, %scan3A_423 = %broadcast_in_dim3A_356, %scan3A_424 = %broadcast_in_dim3A_358, %scan3A_425 = %broadcast_in_dim3A_360, %scan3A_426 = %broadcast_in_dim3A_362) -> (vector<16xf32>, vector<16xf32>, vector<16xf32>, vector<16xf32>, vector<16xf32>, vector<16xf32>, vector<16xf32>, vector<16xf32>)  : i32 {
          %add3A_427 = arith.constant 50 : i32
          %add3A_428 = arith.addi %add3A_427, %scan3A_418 : i32
          %get3A_429 = arith.index_cast %scan3A_278 : i32 to index
          %get3A_430 = arith.index_cast %add3A_428 : i32 to index
          %get3A_431 = arith.constant 0 : index
          %get3A_432 = tpu.vector_load %arg11[%get3A_429, %get3A_430, %get3A_431] {strides = array<i32>} : memref<4x100x128xf32, #tpu.memory_space<vmem>>, vector<1x1x16xf32>,
          %get3A_433 = vector.shape_cast %get3A_432 : vector<1x1x16xf32> to vector<16xf32>
          %add3A_434 = arith.addf %scan3A_419, %get3A_433 : vector<16xf32>
          %add3A_435 = arith.constant 50 : i32
          %add3A_436 = arith.addi %add3A_435, %scan3A_418 : i32
          %get3A_437 = arith.index_cast %scan3A_278 : i32 to index
          %get3A_438 = arith.index_cast %add3A_436 : i32 to index
          %get3A_439 = arith.constant 16 : index
          %get3A_440 = tpu.vector_load %arg11[%get3A_437, %get3A_438, %get3A_439] {strides = array<i32>} : memref<4x100x128xf32, #tpu.memory_space<vmem>>, vector<1x1x16xf32>,
          %get3A_441 = vector.shape_cast %get3A_440 : vector<1x1x16xf32> to vector<16xf32>
          %add3A_442 = arith.addf %scan3A_420, %get3A_441 : vector<16xf32>
          %add3A_443 = arith.constant 50 : i32
          %add3A_444 = arith.addi %add3A_443, %scan3A_418 : i32
          %get3A_445 = arith.index_cast %scan3A_278 : i32 to index
          %get3A_446 = arith.index_cast %add3A_444 : i32 to index
          %get3A_447 = arith.constant 32 : index
          %get3A_448 = tpu.vector_load %arg11[%get3A_445, %get3A_446, %get3A_447] {strides = array<i32>} : memref<4x100x128xf32, #tpu.memory_space<vmem>>, vector<1x1x16xf32>,
          %get3A_449 = vector.shape_cast %get3A_448 : vector<1x1x16xf32> to vector<16xf32>
          %add3A_450 = arith.addf %scan3A_421, %get3A_449 : vector<16xf32>
          %add3A_451 = arith.constant 50 : i32
          %add3A_452 = arith.addi %add3A_451, %scan3A_418 : i32
          %get3A_453 = arith.index_cast %scan3A_278 : i32 to index
          %get3A_454 = arith.index_cast %add3A_452 : i32 to index
          %get3A_455 = arith.constant 48 : index
          %get3A_456 = tpu.vector_load %arg11[%get3A_453, %get3A_454, %get3A_455] {strides = array<i32>} : memref<4x100x128xf32, #tpu.memory_space<vmem>>, vector<1x1x16xf32>,
          %get3A_457 = vector.shape_cast %get3A_456 : vector<1x1x16xf32> to vector<16xf32>
          %add3A_458 = arith.addf %scan3A_422, %get3A_457 : vector<16xf32>
          %add3A_459 = arith.constant 50 : i32
          %add3A_460 = arith.addi %add3A_459, %scan3A_418 : i32
          %get3A_461 = arith.index_cast %scan3A_278 : i32 to index
          %get3A_462 = arith.index_cast %add3A_460 : i32 to index
          %get3A_463 = arith.constant 64 : index
          %get3A_464 = tpu.vector_load %arg11[%get3A_461, %get3A_462, %get3A_463] {strides = array<i32>} : memref<4x100x128xf32, #tpu.memory_space<vmem>>, vector<1x1x16xf32>,
          %get3A_465 = vector.shape_cast %get3A_464 : vector<1x1x16xf32> to vector<16xf32>
          %add3A_466 = arith.addf %scan3A_423, %get3A_465 : vector<16xf32>
          %add3A_467 = arith.constant 50 : i32
          %add3A_468 = arith.addi %add3A_467, %scan3A_418 : i32
          %get3A_469 = arith.index_cast %scan3A_278 : i32 to index
          %get3A_470 = arith.index_cast %add3A_468 : i32 to index
          %get3A_471 = arith.constant 80 : index
          %get3A_472 = tpu.vector_load %arg11[%get3A_469, %get3A_470, %get3A_471] {strides = array<i32>} : memref<4x100x128xf32, #tpu.memory_space<vmem>>, vector<1x1x16xf32>,
          %get3A_473 = vector.shape_cast %get3A_472 : vector<1x1x16xf32> to vector<16xf32>
          %add3A_474 = arith.addf %scan3A_424, %get3A_473 : vector<16xf32>
          %add3A_475 = arith.constant 50 : i32
          %add3A_476 = arith.addi %add3A_475, %scan3A_418 : i32
          %get3A_477 = arith.index_cast %scan3A_278 : i32 to index
          %get3A_478 = arith.index_cast %add3A_476 : i32 to index
          %get3A_479 = arith.constant 96 : index
          %get3A_480 = tpu.vector_load %arg11[%get3A_477, %get3A_478, %get3A_479] {strides = array<i32>} : memref<4x100x128xf32, #tpu.memory_space<vmem>>, vector<1x1x16xf32>,
          %get3A_481 = vector.shape_cast %get3A_480 : vector<1x1x16xf32> to vector<16xf32>
          %add3A_482 = arith.addf %scan3A_425, %get3A_481 : vector<16xf32>
          %add3A_483 = arith.constant 50 : i32
          %add3A_484 = arith.addi %add3A_483, %scan3A_418 : i32
          %get3A_485 = arith.index_cast %scan3A_278 : i32 to index
          %get3A_486 = arith.index_cast %add3A_484 : i32 to index
          %get3A_487 = arith.constant 112 : index
          %get3A_488 = tpu.vector_load %arg11[%get3A_485, %get3A_486, %get3A_487] {strides = array<i32>} : memref<4x100x128xf32, #tpu.memory_space<vmem>>, vector<1x1x16xf32>,
          %get3A_489 = vector.shape_cast %get3A_488 : vector<1x1x16xf32> to vector<16xf32>
          %add3A_490 = arith.addf %scan3A_426, %get3A_489 : vector<16xf32>
          %scan3A_491 = arith.constant 1 : i32
          %scan3A_492 = arith.addi %scan3A_418, %scan3A_491 : i32
          %add3A_493 = arith.constant 50 : i32
          %add3A_494 = arith.addi %add3A_493, %scan3A_492 : i32
          %get3A_495 = arith.index_cast %scan3A_278 : i32 to index
          %get3A_496 = arith.index_cast %add3A_494 : i32 to index
          %get3A_497 = arith.constant 0 : index
          %get3A_498 = tpu.vector_load %arg11[%get3A_495, %get3A_496, %get3A_497] {strides = array<i32>} : memref<4x100x128xf32, #tpu.memory_space<vmem>>, vector<1x1x16xf32>,
          %get3A_499 = vector.shape_cast %get3A_498 : vector<1x1x16xf32> to vector<16xf32>
          %add3A_500 = arith.addf %add3A_434, %get3A_499 : vector<16xf32>
          %add3A_501 = arith.constant 50 : i32
          %add3A_502 = arith.addi %add3A_501, %scan3A_492 : i32
          %get3A_503 = arith.index_cast %scan3A_278 : i32 to index
          %get3A_504 = arith.index_cast %add3A_502 : i32 to index
          %get3A_505 = arith.constant 16 : index
          %get3A_506 = tpu.vector_load %arg11[%get3A_503, %get3A_504, %get3A_505] {strides = array<i32>} : memref<4x100x128xf32, #tpu.memory_space<vmem>>, vector<1x1x16xf32>,
          %get3A_507 = vector.shape_cast %get3A_506 : vector<1x1x16xf32> to vector<16xf32>
          %add3A_508 = arith.addf %add3A_442, %get3A_507 : vector<16xf32>
          %add3A_509 = arith.constant 50 : i32
          %add3A_510 = arith.addi %add3A_509, %scan3A_492 : i32
          %get3A_511 = arith.index_cast %scan3A_278 : i32 to index
          %get3A_512 = arith.index_cast %add3A_510 : i32 to index
          %get3A_513 = arith.constant 32 : index
          %get3A_514 = tpu.vector_load %arg11[%get3A_511, %get3A_512, %get3A_513] {strides = array<i32>} : memref<4x100x128xf32, #tpu.memory_space<vmem>>, vector<1x1x16xf32>,
          %get3A_515 = vector.shape_cast %get3A_514 : vector<1x1x16xf32> to vector<16xf32>
          %add3A_516 = arith.addf %add3A_450, %get3A_515 : vector<16xf32>
          %add3A_517 = arith.constant 50 : i32
          %add3A_518 = arith.addi %add3A_517, %scan3A_492 : i32
          %get3A_519 = arith.index_cast %scan3A_278 : i32 to index
          %get3A_520 = arith.index_cast %add3A_518 : i32 to index
          %get3A_521 = arith.constant 48 : index
          %get3A_522 = tpu.vector_load %arg11[%get3A_519, %get3A_520, %get3A_521] {strides = array<i32>} : memref<4x100x128xf32, #tpu.memory_space<vmem>>, vector<1x1x16xf32>,
          %get3A_523 = vector.shape_cast %get3A_522 : vector<1x1x16xf32> to vector<16xf32>
          %add3A_524 = arith.addf %add3A_458, %get3A_523 : vector<16xf32>
          %add3A_525 = arith.constant 50 : i32
          %add3A_526 = arith.addi %add3A_525, %scan3A_492 : i32
          %get3A_527 = arith.index_cast %scan3A_278 : i32 to index
          %get3A_528 = arith.index_cast %add3A_526 : i32 to index
          %get3A_529 = arith.constant 64 : index
          %get3A_530 = tpu.vector_load %arg11[%get3A_527, %get3A_528, %get3A_529] {strides = array<i32>} : memref<4x100x128xf32, #tpu.memory_space<vmem>>, vector<1x1x16xf32>,
          %get3A_531 = vector.shape_cast %get3A_530 : vector<1x1x16xf32> to vector<16xf32>
          %add3A_532 = arith.addf %add3A_466, %get3A_531 : vector<16xf32>
          %add3A_533 = arith.constant 50 : i32
          %add3A_534 = arith.addi %add3A_533, %scan3A_492 : i32
          %get3A_535 = arith.index_cast %scan3A_278 : i32 to index
          %get3A_536 = arith.index_cast %add3A_534 : i32 to index
          %get3A_537 = arith.constant 80 : index
          %get3A_538 = tpu.vector_load %arg11[%get3A_535, %get3A_536, %get3A_537] {strides = array<i32>} : memref<4x100x128xf32, #tpu.memory_space<vmem>>, vector<1x1x16xf32>,
          %get3A_539 = vector.shape_cast %get3A_538 : vector<1x1x16xf32> to vector<16xf32>
          %add3A_540 = arith.addf %add3A_474, %get3A_539 : vector<16xf32>
          %add3A_541 = arith.constant 50 : i32
          %add3A_542 = arith.addi %add3A_541, %scan3A_492 : i32
          %get3A_543 = arith.index_cast %scan3A_278 : i32 to index
          %get3A_544 = arith.index_cast %add3A_542 : i32 to index
          %get3A_545 = arith.constant 96 : index
          %get3A_546 = tpu.vector_load %arg11[%get3A_543, %get3A_544, %get3A_545] {strides = array<i32>} : memref<4x100x128xf32, #tpu.memory_space<vmem>>, vector<1x1x16xf32>,
          %get3A_547 = vector.shape_cast %get3A_546 : vector<1x1x16xf32> to vector<16xf32>
          %add3A_548 = arith.addf %add3A_482, %get3A_547 : vector<16xf32>
          %add3A_549 = arith.constant 50 : i32
          %add3A_550 = arith.addi %add3A_549, %scan3A_492 : i32
          %get3A_551 = arith.index_cast %scan3A_278 : i32 to index
          %get3A_552 = arith.index_cast %add3A_550 : i32 to index
          %get3A_553 = arith.constant 112 : index
          %get3A_554 = tpu.vector_load %arg11[%get3A_551, %get3A_552, %get3A_553] {strides = array<i32>} : memref<4x100x128xf32, #tpu.memory_space<vmem>>, vector<1x1x16xf32>,
          %get3A_555 = vector.shape_cast %get3A_554 : vector<1x1x16xf32> to vector<16xf32>
          %add3A_556 = arith.addf %add3A_490, %get3A_555 : vector<16xf32>
          %scan3A_557 = arith.constant 2 : i32
          %scan3A_558 = arith.addi %scan3A_418, %scan3A_557 : i32
          %add3A_559 = arith.constant 50 : i32
          %add3A_560 = arith.addi %add3A_559, %scan3A_558 : i32
          %get3A_561 = arith.index_cast %scan3A_278 : i32 to index
          %get3A_562 = arith.index_cast %add3A_560 : i32 to index
          %get3A_563 = arith.constant 0 : index
          %get3A_564 = tpu.vector_load %arg11[%get3A_561, %get3A_562, %get3A_563] {strides = array<i32>} : memref<4x100x128xf32, #tpu.memory_space<vmem>>, vector<1x1x16xf32>,
          %get3A_565 = vector.shape_cast %get3A_564 : vector<1x1x16xf32> to vector<16xf32>
          %add3A_566 = arith.addf %add3A_500, %get3A_565 : vector<16xf32>
          %add3A_567 = arith.constant 50 : i32
          %add3A_568 = arith.addi %add3A_567, %scan3A_558 : i32
          %get3A_569 = arith.index_cast %scan3A_278 : i32 to index
          %get3A_570 = arith.index_cast %add3A_568 : i32 to index
          %get3A_571 = arith.constant 16 : index
          %get3A_572 = tpu.vector_load %arg11[%get3A_569, %get3A_570, %get3A_571] {strides = array<i32>} : memref<4x100x128xf32, #tpu.memory_space<vmem>>, vector<1x1x16xf32>,
          %get3A_573 = vector.shape_cast %get3A_572 : vector<1x1x16xf32> to vector<16xf32>
          %add3A_574 = arith.addf %add3A_508, %get3A_573 : vector<16xf32>
          %add3A_575 = arith.constant 50 : i32
          %add3A_576 = arith.addi %add3A_575, %scan3A_558 : i32
          %get3A_577 = arith.index_cast %scan3A_278 : i32 to index
          %get3A_578 = arith.index_cast %add3A_576 : i32 to index
          %get3A_579 = arith.constant 32 : index
          %get3A_580 = tpu.vector_load %arg11[%get3A_577, %get3A_578, %get3A_579] {strides = array<i32>} : memref<4x100x128xf32, #tpu.memory_space<vmem>>, vector<1x1x16xf32>,
          %get3A_581 = vector.shape_cast %get3A_580 : vector<1x1x16xf32> to vector<16xf32>
          %add3A_582 = arith.addf %add3A_516, %get3A_581 : vector<16xf32>
          %add3A_583 = arith.constant 50 : i32
          %add3A_584 = arith.addi %add3A_583, %scan3A_558 : i32
          %get3A_585 = arith.index_cast %scan3A_278 : i32 to index
          %get3A_586 = arith.index_cast %add3A_584 : i32 to index
          %get3A_587 = arith.constant 48 : index
          %get3A_588 = tpu.vector_load %arg11[%get3A_585, %get3A_586, %get3A_587] {strides = array<i32>} : memref<4x100x128xf32, #tpu.memory_space<vmem>>, vector<1x1x16xf32>,
          %get3A_589 = vector.shape_cast %get3A_588 : vector<1x1x16xf32> to vector<16xf32>
          %add3A_590 = arith.addf %add3A_524, %get3A_589 : vector<16xf32>
          %add3A_591 = arith.constant 50 : i32
          %add3A_592 = arith.addi %add3A_591, %scan3A_558 : i32
          %get3A_593 = arith.index_cast %scan3A_278 : i32 to index
          %get3A_594 = arith.index_cast %add3A_592 : i32 to index
          %get3A_595 = arith.constant 64 : index
          %get3A_596 = tpu.vector_load %arg11[%get3A_593, %get3A_594, %get3A_595] {strides = array<i32>} : memref<4x100x128xf32, #tpu.memory_space<vmem>>, vector<1x1x16xf32>,
          %get3A_597 = vector.shape_cast %get3A_596 : vector<1x1x16xf32> to vector<16xf32>
          %add3A_598 = arith.addf %add3A_532, %get3A_597 : vector<16xf32>
          %add3A_599 = arith.constant 50 : i32
          %add3A_600 = arith.addi %add3A_599, %scan3A_558 : i32
          %get3A_601 = arith.index_cast %scan3A_278 : i32 to index
          %get3A_602 = arith.index_cast %add3A_600 : i32 to index
          %get3A_603 = arith.constant 80 : index
          %get3A_604 = tpu.vector_load %arg11[%get3A_601, %get3A_602, %get3A_603] {strides = array<i32>} : memref<4x100x128xf32, #tpu.memory_space<vmem>>, vector<1x1x16xf32>,
          %get3A_605 = vector.shape_cast %get3A_604 : vector<1x1x16xf32> to vector<16xf32>
          %add3A_606 = arith.addf %add3A_540, %get3A_605 : vector<16xf32>
          %add3A_607 = arith.constant 50 : i32
          %add3A_608 = arith.addi %add3A_607, %scan3A_558 : i32
          %get3A_609 = arith.index_cast %scan3A_278 : i32 to index
          %get3A_610 = arith.index_cast %add3A_608 : i32 to index
          %get3A_611 = arith.constant 96 : index
          %get3A_612 = tpu.vector_load %arg11[%get3A_609, %get3A_610, %get3A_611] {strides = array<i32>} : memref<4x100x128xf32, #tpu.memory_space<vmem>>, vector<1x1x16xf32>,
          %get3A_613 = vector.shape_cast %get3A_612 : vector<1x1x16xf32> to vector<16xf32>
          %add3A_614 = arith.addf %add3A_548, %get3A_613 : vector<16xf32>
          %add3A_615 = arith.constant 50 : i32
          %add3A_616 = arith.addi %add3A_615, %scan3A_558 : i32
          %get3A_617 = arith.index_cast %scan3A_278 : i32 to index
          %get3A_618 = arith.index_cast %add3A_616 : i32 to index
          %get3A_619 = arith.constant 112 : index
          %get3A_620 = tpu.vector_load %arg11[%get3A_617, %get3A_618, %get3A_619] {strides = array<i32>} : memref<4x100x128xf32, #tpu.memory_space<vmem>>, vector<1x1x16xf32>,
          %get3A_621 = vector.shape_cast %get3A_620 : vector<1x1x16xf32> to vector<16xf32>
          %add3A_622 = arith.addf %add3A_556, %get3A_621 : vector<16xf32>
          %scan3A_623 = arith.constant 3 : i32
          %scan3A_624 = arith.addi %scan3A_418, %scan3A_623 : i32
          %add3A_625 = arith.constant 50 : i32
          %add3A_626 = arith.addi %add3A_625, %scan3A_624 : i32
          %get3A_627 = arith.index_cast %scan3A_278 : i32 to index
          %get3A_628 = arith.index_cast %add3A_626 : i32 to index
          %get3A_629 = arith.constant 0 : index
          %get3A_630 = tpu.vector_load %arg11[%get3A_627, %get3A_628, %get3A_629] {strides = array<i32>} : memref<4x100x128xf32, #tpu.memory_space<vmem>>, vector<1x1x16xf32>,
          %get3A_631 = vector.shape_cast %get3A_630 : vector<1x1x16xf32> to vector<16xf32>
          %add3A_632 = arith.addf %add3A_566, %get3A_631 : vector<16xf32>
          %add3A_633 = arith.constant 50 : i32
          %add3A_634 = arith.addi %add3A_633, %scan3A_624 : i32
          %get3A_635 = arith.index_cast %scan3A_278 : i32 to index
          %get3A_636 = arith.index_cast %add3A_634 : i32 to index
          %get3A_637 = arith.constant 16 : index
          %get3A_638 = tpu.vector_load %arg11[%get3A_635, %get3A_636, %get3A_637] {strides = array<i32>} : memref<4x100x128xf32, #tpu.memory_space<vmem>>, vector<1x1x16xf32>,
          %get3A_639 = vector.shape_cast %get3A_638 : vector<1x1x16xf32> to vector<16xf32>
          %add3A_640 = arith.addf %add3A_574, %get3A_639 : vector<16xf32>
          %add3A_641 = arith.constant 50 : i32
          %add3A_642 = arith.addi %add3A_641, %scan3A_624 : i32
          %get3A_643 = arith.index_cast %scan3A_278 : i32 to index
          %get3A_644 = arith.index_cast %add3A_642 : i32 to index
          %get3A_645 = arith.constant 32 : index
          %get3A_646 = tpu.vector_load %arg11[%get3A_643, %get3A_644, %get3A_645] {strides = array<i32>} : memref<4x100x128xf32, #tpu.memory_space<vmem>>, vector<1x1x16xf32>,
          %get3A_647 = vector.shape_cast %get3A_646 : vector<1x1x16xf32> to vector<16xf32>
          %add3A_648 = arith.addf %add3A_582, %get3A_647 : vector<16xf32>
          %add3A_649 = arith.constant 50 : i32
          %add3A_650 = arith.addi %add3A_649, %scan3A_624 : i32
          %get3A_651 = arith.index_cast %scan3A_278 : i32 to index
          %get3A_652 = arith.index_cast %add3A_650 : i32 to index
          %get3A_653 = arith.constant 48 : index
          %get3A_654 = tpu.vector_load %arg11[%get3A_651, %get3A_652, %get3A_653] {strides = array<i32>} : memref<4x100x128xf32, #tpu.memory_space<vmem>>, vector<1x1x16xf32>,
          %get3A_655 = vector.shape_cast %get3A_654 : vector<1x1x16xf32> to vector<16xf32>
          %add3A_656 = arith.addf %add3A_590, %get3A_655 : vector<16xf32>
          %add3A_657 = arith.constant 50 : i32
          %add3A_658 = arith.addi %add3A_657, %scan3A_624 : i32
          %get3A_659 = arith.index_cast %scan3A_278 : i32 to index
          %get3A_660 = arith.index_cast %add3A_658 : i32 to index
          %get3A_661 = arith.constant 64 : index
          %get3A_662 = tpu.vector_load %arg11[%get3A_659, %get3A_660, %get3A_661] {strides = array<i32>} : memref<4x100x128xf32, #tpu.memory_space<vmem>>, vector<1x1x16xf32>,
          %get3A_663 = vector.shape_cast %get3A_662 : vector<1x1x16xf32> to vector<16xf32>
          %add3A_664 = arith.addf %add3A_598, %get3A_663 : vector<16xf32>
          %add3A_665 = arith.constant 50 : i32
          %add3A_666 = arith.addi %add3A_665, %scan3A_624 : i32
          %get3A_667 = arith.index_cast %scan3A_278 : i32 to index
          %get3A_668 = arith.index_cast %add3A_666 : i32 to index
          %get3A_669 = arith.constant 80 : index
          %get3A_670 = tpu.vector_load %arg11[%get3A_667, %get3A_668, %get3A_669] {strides = array<i32>} : memref<4x100x128xf32, #tpu.memory_space<vmem>>, vector<1x1x16xf32>,
          %get3A_671 = vector.shape_cast %get3A_670 : vector<1x1x16xf32> to vector<16xf32>
          %add3A_672 = arith.addf %add3A_606, %get3A_671 : vector<16xf32>
          %add3A_673 = arith.constant 50 : i32
          %add3A_674 = arith.addi %add3A_673, %scan3A_624 : i32
          %get3A_675 = arith.index_cast %scan3A_278 : i32 to index
          %get3A_676 = arith.index_cast %add3A_674 : i32 to index
          %get3A_677 = arith.constant 96 : index
          %get3A_678 = tpu.vector_load %arg11[%get3A_675, %get3A_676, %get3A_677] {strides = array<i32>} : memref<4x100x128xf32, #tpu.memory_space<vmem>>, vector<1x1x16xf32>,
          %get3A_679 = vector.shape_cast %get3A_678 : vector<1x1x16xf32> to vector<16xf32>
          %add3A_680 = arith.addf %add3A_614, %get3A_679 : vector<16xf32>
          %add3A_681 = arith.constant 50 : i32
          %add3A_682 = arith.addi %add3A_681, %scan3A_624 : i32
          %get3A_683 = arith.index_cast %scan3A_278 : i32 to index
          %get3A_684 = arith.index_cast %add3A_682 : i32 to index
          %get3A_685 = arith.constant 112 : index
          %get3A_686 = tpu.vector_load %arg11[%get3A_683, %get3A_684, %get3A_685] {strides = array<i32>} : memref<4x100x128xf32, #tpu.memory_space<vmem>>, vector<1x1x16xf32>,
          %get3A_687 = vector.shape_cast %get3A_686 : vector<1x1x16xf32> to vector<16xf32>
          %add3A_688 = arith.addf %add3A_622, %get3A_687 : vector<16xf32>
          %scan3A_689 = arith.constant 4 : i32
          %scan3A_690 = arith.addi %scan3A_418, %scan3A_689 : i32
          %add3A_691 = arith.constant 50 : i32
          %add3A_692 = arith.addi %add3A_691, %scan3A_690 : i32
          %get3A_693 = arith.index_cast %scan3A_278 : i32 to index
          %get3A_694 = arith.index_cast %add3A_692 : i32 to index
          %get3A_695 = arith.constant 0 : index
          %get3A_696 = tpu.vector_load %arg11[%get3A_693, %get3A_694, %get3A_695] {strides = array<i32>} : memref<4x100x128xf32, #tpu.memory_space<vmem>>, vector<1x1x16xf32>,
          %get3A_697 = vector.shape_cast %get3A_696 : vector<1x1x16xf32> to vector<16xf32>
          %add3A_698 = arith.addf %add3A_632, %get3A_697 : vector<16xf32>
          %add3A_699 = arith.constant 50 : i32
          %add3A_700 = arith.addi %add3A_699, %scan3A_690 : i32
          %get3A_701 = arith.index_cast %scan3A_278 : i32 to index
          %get3A_702 = arith.index_cast %add3A_700 : i32 to index
          %get3A_703 = arith.constant 16 : index
          %get3A_704 = tpu.vector_load %arg11[%get3A_701, %get3A_702, %get3A_703] {strides = array<i32>} : memref<4x100x128xf32, #tpu.memory_space<vmem>>, vector<1x1x16xf32>,
          %get3A_705 = vector.shape_cast %get3A_704 : vector<1x1x16xf32> to vector<16xf32>
          %add3A_706 = arith.addf %add3A_640, %get3A_705 : vector<16xf32>
          %add3A_707 = arith.constant 50 : i32
          %add3A_708 = arith.addi %add3A_707, %scan3A_690 : i32
          %get3A_709 = arith.index_cast %scan3A_278 : i32 to index
          %get3A_710 = arith.index_cast %add3A_708 : i32 to index
          %get3A_711 = arith.constant 32 : index
          %get3A_712 = tpu.vector_load %arg11[%get3A_709, %get3A_710, %get3A_711] {strides = array<i32>} : memref<4x100x128xf32, #tpu.memory_space<vmem>>, vector<1x1x16xf32>,
          %get3A_713 = vector.shape_cast %get3A_712 : vector<1x1x16xf32> to vector<16xf32>
          %add3A_714 = arith.addf %add3A_648, %get3A_713 : vector<16xf32>
          %add3A_715 = arith.constant 50 : i32
          %add3A_716 = arith.addi %add3A_715, %scan3A_690 : i32
          %get3A_717 = arith.index_cast %scan3A_278 : i32 to index
          %get3A_718 = arith.index_cast %add3A_716 : i32 to index
          %get3A_719 = arith.constant 48 : index
          %get3A_720 = tpu.vector_load %arg11[%get3A_717, %get3A_718, %get3A_719] {strides = array<i32>} : memref<4x100x128xf32, #tpu.memory_space<vmem>>, vector<1x1x16xf32>,
          %get3A_721 = vector.shape_cast %get3A_720 : vector<1x1x16xf32> to vector<16xf32>
          %add3A_722 = arith.addf %add3A_656, %get3A_721 : vector<16xf32>
          %add3A_723 = arith.constant 50 : i32
          %add3A_724 = arith.addi %add3A_723, %scan3A_690 : i32
          %get3A_725 = arith.index_cast %scan3A_278 : i32 to index
          %get3A_726 = arith.index_cast %add3A_724 : i32 to index
          %get3A_727 = arith.constant 64 : index
          %get3A_728 = tpu.vector_load %arg11[%get3A_725, %get3A_726, %get3A_727] {strides = array<i32>} : memref<4x100x128xf32, #tpu.memory_space<vmem>>, vector<1x1x16xf32>,
          %get3A_729 = vector.shape_cast %get3A_728 : vector<1x1x16xf32> to vector<16xf32>
          %add3A_730 = arith.addf %add3A_664, %get3A_729 : vector<16xf32>
          %add3A_731 = arith.constant 50 : i32
          %add3A_732 = arith.addi %add3A_731, %scan3A_690 : i32
          %get3A_733 = arith.index_cast %scan3A_278 : i32 to index
          %get3A_734 = arith.index_cast %add3A_732 : i32 to index
          %get3A_735 = arith.constant 80 : index
          %get3A_736 = tpu.vector_load %arg11[%get3A_733, %get3A_734, %get3A_735] {strides = array<i32>} : memref<4x100x128xf32, #tpu.memory_space<vmem>>, vector<1x1x16xf32>,
          %get3A_737 = vector.shape_cast %get3A_736 : vector<1x1x16xf32> to vector<16xf32>
          %add3A_738 = arith.addf %add3A_672, %get3A_737 : vector<16xf32>
          %add3A_739 = arith.constant 50 : i32
          %add3A_740 = arith.addi %add3A_739, %scan3A_690 : i32
          %get3A_741 = arith.index_cast %scan3A_278 : i32 to index
          %get3A_742 = arith.index_cast %add3A_740 : i32 to index
          %get3A_743 = arith.constant 96 : index
          %get3A_744 = tpu.vector_load %arg11[%get3A_741, %get3A_742, %get3A_743] {strides = array<i32>} : memref<4x100x128xf32, #tpu.memory_space<vmem>>, vector<1x1x16xf32>,
          %get3A_745 = vector.shape_cast %get3A_744 : vector<1x1x16xf32> to vector<16xf32>
          %add3A_746 = arith.addf %add3A_680, %get3A_745 : vector<16xf32>
          %add3A_747 = arith.constant 50 : i32
          %add3A_748 = arith.addi %add3A_747, %scan3A_690 : i32
          %get3A_749 = arith.index_cast %scan3A_278 : i32 to index
          %get3A_750 = arith.index_cast %add3A_748 : i32 to index
          %get3A_751 = arith.constant 112 : index
          %get3A_752 = tpu.vector_load %arg11[%get3A_749, %get3A_750, %get3A_751] {strides = array<i32>} : memref<4x100x128xf32, #tpu.memory_space<vmem>>, vector<1x1x16xf32>,
          %get3A_753 = vector.shape_cast %get3A_752 : vector<1x1x16xf32> to vector<16xf32>
          %add3A_754 = arith.addf %add3A_688, %get3A_753 : vector<16xf32>
          scf.yield %add3A_698, %add3A_706, %add3A_714, %add3A_722, %add3A_730, %add3A_738, %add3A_746, %add3A_754 : vector<16xf32>, vector<16xf32>, vector<16xf32>, vector<16xf32>, vector<16xf32>, vector<16xf32>, vector<16xf32>, vector<16xf32>
        }
        %scan3A_368 = arith.constant 50 : i32
        %mul3A_369 = arith.constant 2 : i32
        %mul3A_370 = arith.muli %scan3A_278, %mul3A_369 : i32
        %add3A_371 = arith.constant 1 : i32
        %add3A_372 = arith.addi %mul3A_370, %add3A_371 : i32
        %get3A_373 = arith.index_cast %add3A_372 : i32 to index
        %get3A_374 = arith.constant 0 : index
        %get3A_375 = tpu.vector_load %arg9[%get3A_373, %get3A_374] {strides = array<i32>} : memref<8x16xf32, #tpu.memory_space<vmem>>, vector<1x16xf32>,
        %get3A_376 = vector.shape_cast %get3A_375 : vector<1x16xf32> to vector<16xf32>
        %add3A_377 = arith.addf %scan3A_367#7, %get3A_376 : vector<16xf32>
        %swap3A_378 = arith.index_cast %add3A_372 : i32 to index
        %swap3A_379 = arith.constant 0 : index
        %swap3A_380 = tpu.vector_load %arg13[%swap3A_378, %swap3A_379] {strides = array<i32>} : memref<8x128xf32, #tpu.memory_space<vmem>>, vector<1x16xf32>,
        %swap3A_381 = vector.shape_cast %swap3A_380 : vector<1x16xf32> to vector<16xf32>
        %swap3A_382 = vector.shape_cast %scan3A_367#0 : vector<16xf32> to vector<1x16xf32>
        tpu.vector_store %arg13[%swap3A_378, %swap3A_379], %swap3A_382 {strides = array<i32>} : memref<8x128xf32, #tpu.memory_space<vmem>>, vector<1x16xf32>,
        %swap3A_383 = arith.index_cast %add3A_372 : i32 to index
        %swap3A_384 = arith.constant 16 : index
        %swap3A_385 = tpu.vector_load %arg13[%swap3A_383, %swap3A_384] {strides = array<i32>} : memref<8x128xf32, #tpu.memory_space<vmem>>, vector<1x16xf32>,
        %swap3A_386 = vector.shape_cast %swap3A_385 : vector<1x16xf32> to vector<16xf32>
        %swap3A_387 = vector.shape_cast %scan3A_367#1 : vector<16xf32> to vector<1x16xf32>
        tpu.vector_store %arg13[%swap3A_383, %swap3A_384], %swap3A_387 {strides = array<i32>} : memref<8x128xf32, #tpu.memory_space<vmem>>, vector<1x16xf32>,
        %swap3A_388 = arith.index_cast %add3A_372 : i32 to index
        %swap3A_389 = arith.constant 32 : index
        %swap3A_390 = tpu.vector_load %arg13[%swap3A_388, %swap3A_389] {strides = array<i32>} : memref<8x128xf32, #tpu.memory_space<vmem>>, vector<1x16xf32>,
        %swap3A_391 = vector.shape_cast %swap3A_390 : vector<1x16xf32> to vector<16xf32>
        %swap3A_392 = vector.shape_cast %scan3A_367#2 : vector<16xf32> to vector<1x16xf32>
        tpu.vector_store %arg13[%swap3A_388, %swap3A_389], %swap3A_392 {strides = array<i32>} : memref<8x128xf32, #tpu.memory_space<vmem>>, vector<1x16xf32>,
        %swap3A_393 = arith.index_cast %add3A_372 : i32 to index
        %swap3A_394 = arith.constant 48 : index
        %swap3A_395 = tpu.vector_load %arg13[%swap3A_393, %swap3A_394] {strides = array<i32>} : memref<8x128xf32, #tpu.memory_space<vmem>>, vector<1x16xf32>,
        %swap3A_396 = vector.shape_cast %swap3A_395 : vector<1x16xf32> to vector<16xf32>
        %swap3A_397 = vector.shape_cast %scan3A_367#3 : vector<16xf32> to vector<1x16xf32>
        tpu.vector_store %arg13[%swap3A_393, %swap3A_394], %swap3A_397 {strides = array<i32>} : memref<8x128xf32, #tpu.memory_space<vmem>>, vector<1x16xf32>,
        %swap3A_398 = arith.index_cast %add3A_372 : i32 to index
        %swap3A_399 = arith.constant 64 : index
        %swap3A_400 = tpu.vector_load %arg13[%swap3A_398, %swap3A_399] {strides = array<i32>} : memref<8x128xf32, #tpu.memory_space<vmem>>, vector<1x16xf32>,
        %swap3A_401 = vector.shape_cast %swap3A_400 : vector<1x16xf32> to vector<16xf32>
        %swap3A_402 = vector.shape_cast %scan3A_367#4 : vector<16xf32> to vector<1x16xf32>
        tpu.vector_store %arg13[%swap3A_398, %swap3A_399], %swap3A_402 {strides = array<i32>} : memref<8x128xf32, #tpu.memory_space<vmem>>, vector<1x16xf32>,
        %swap3A_403 = arith.index_cast %add3A_372 : i32 to index
        %swap3A_404 = arith.constant 80 : index
        %swap3A_405 = tpu.vector_load %arg13[%swap3A_403, %swap3A_404] {strides = array<i32>} : memref<8x128xf32, #tpu.memory_space<vmem>>, vector<1x16xf32>,
        %swap3A_406 = vector.shape_cast %swap3A_405 : vector<1x16xf32> to vector<16xf32>
        %swap3A_407 = vector.shape_cast %scan3A_367#5 : vector<16xf32> to vector<1x16xf32>
        tpu.vector_store %arg13[%swap3A_403, %swap3A_404], %swap3A_407 {strides = array<i32>} : memref<8x128xf32, #tpu.memory_space<vmem>>, vector<1x16xf32>,
        %swap3A_408 = arith.index_cast %add3A_372 : i32 to index
        %swap3A_409 = arith.constant 96 : index
        %swap3A_410 = tpu.vector_load %arg13[%swap3A_408, %swap3A_409] {strides = array<i32>} : memref<8x128xf32, #tpu.memory_space<vmem>>, vector<1x16xf32>,
        %swap3A_411 = vector.shape_cast %swap3A_410 : vector<1x16xf32> to vector<16xf32>
        %swap3A_412 = vector.shape_cast %scan3A_367#6 : vector<16xf32> to vector<1x16xf32>
        tpu.vector_store %arg13[%swap3A_408, %swap3A_409], %swap3A_412 {strides = array<i32>} : memref<8x128xf32, #tpu.memory_space<vmem>>, vector<1x16xf32>,
        %swap3A_413 = arith.index_cast %add3A_372 : i32 to index
        %swap3A_414 = arith.constant 112 : index
        %swap3A_415 = tpu.vector_load %arg13[%swap3A_413, %swap3A_414] {strides = array<i32>} : memref<8x128xf32, #tpu.memory_space<vmem>>, vector<1x16xf32>,
        %swap3A_416 = vector.shape_cast %swap3A_415 : vector<1x16xf32> to vector<16xf32>
        %swap3A_417 = vector.shape_cast %add3A_377 : vector<16xf32> to vector<1x16xf32>
        tpu.vector_store %arg13[%swap3A_413, %swap3A_414], %swap3A_417 {strides = array<i32>} : memref<8x128xf32, #tpu.memory_space<vmem>>, vector<1x16xf32>,
      }
      %scan3A_169 = arith.constant 4 : i32
      %lt3A_170 = arith.constant 62 : i32
      %lt3A_171 = arith.cmpi slt, %mul3A_103, %lt3A_170 : i32
      %convert_element_type3A_172 = arith.extui %lt3A_171 : i1 to i32
      %cond3A_173 = arith.constant 0 : i32
      %cond3A_174 = arith.cmpi ne, %convert_element_type3A_172, %cond3A_173 : i32
      scf.if %cond3A_174 {
        %add3A_278 = arith.constant 2 : i32
        %add3A_279 = arith.addi %mul3A_103, %add3A_278 : i32
        %mul3A_280 = arith.constant 256 : i32
        %mul3A_281 = arith.muli %add3A, %mul3A_280 : i32
        %mul3A_282 = arith.constant 4 : i32
        %mul3A_283 = arith.muli %add3A_279, %mul3A_282 : i32
        %add3A_284 = arith.addi %mul3A_281, %mul3A_283 : i32
        %dma_start3A_285 = arith.constant 0 : i32
        %dma_start3A_286 = tpu.memref_slice %arg2[%add3A_284, %dma_start3A_285] : memref<8192x100xi32, #tpu.memory_space<hbm>> -> memref<4x100xi32, #tpu.memory_space<hbm>>
        %dma_start3A_287 = arith.constant 0 : i32
        %dma_start3A_288 = tpu.memref_slice %arg2[%add3A_284, %dma_start3A_287] : memref<8192x100xi32, #tpu.memory_space<hbm>> -> memref<4x100xi32, #tpu.memory_space<hbm>>
        tpu.enqueue_dma source(%dma_start3A_288 : memref<4x100xi32, #tpu.memory_space<hbm>>) target(%arg7 : memref<4x100xi32, #tpu.memory_space<vmem>>) target_semaphore(%arg15 : memref<!tpu.dma_semaphore, #tpu.memory_space<semaphore_mem>>)
        %add3A_289 = arith.constant 2 : i32
        %add3A_290 = arith.addi %mul3A_103, %add3A_289 : i32
        %mul3A_291 = arith.constant 512 : i32
        %mul3A_292 = arith.muli %add3A, %mul3A_291 : i32
        %mul3A_293 = arith.constant 8 : i32
        %mul3A_294 = arith.muli %add3A_290, %mul3A_293 : i32
        %add3A_295 = arith.addi %mul3A_292, %mul3A_294 : i32
        %dma_start3A_296 = arith.constant 0 : i32
        %dma_start3A_297 = tpu.memref_slice %arg3[%add3A_295, %dma_start3A_296] : memref<16384x16xf32, #tpu.memory_space<hbm>> -> memref<8x16xf32, #tpu.memory_space<hbm>>
        %dma_start3A_298 = arith.constant 0 : i32
        %dma_start3A_299 = tpu.memref_slice %arg3[%add3A_295, %dma_start3A_298] : memref<16384x16xf32, #tpu.memory_space<hbm>> -> memref<8x16xf32, #tpu.memory_space<hbm>>
        tpu.enqueue_dma source(%dma_start3A_299 : memref<8x16xf32, #tpu.memory_space<hbm>>) target(%arg9 : memref<8x16xf32, #tpu.memory_space<vmem>>) target_semaphore(%arg16 : memref<!tpu.dma_semaphore, #tpu.memory_space<semaphore_mem>>)
      } else {
      }
      %gt3A = arith.constant 0 : i32
      %gt3A_175 = arith.cmpi sgt, %mul3A_103, %gt3A : i32
      %convert_element_type3A_176 = arith.extui %gt3A_175 : i1 to i32
      %cond3A_177 = arith.constant 0 : i32
      %cond3A_178 = arith.cmpi ne, %convert_element_type3A_176, %cond3A_177 : i32
      scf.if %cond3A_178 {
        %sub3A = arith.constant 1 : i32
        %sub3A_278 = arith.subi %mul3A_103, %sub3A : i32
        %mul3A_279 = arith.constant 512 : i32
        %mul3A_280 = arith.muli %add3A, %mul3A_279 : i32
        %mul3A_281 = arith.constant 8 : i32
        %mul3A_282 = arith.muli %sub3A_278, %mul3A_281 : i32
        %add3A_283 = arith.addi %mul3A_280, %mul3A_282 : i32
        %dma_wait3A_284 = arith.constant 0 : i32
        %dma_wait3A_285 = tpu.memref_slice %arg5[%add3A_283, %dma_wait3A_284] : memref<16384x128xf32, #tpu.memory_space<hbm>> -> memref<8x128xf32, #tpu.memory_space<hbm>>
        %dma_wait3A_286 = arith.constant 0 : i32
        %dma_wait3A_287 = tpu.memref_slice %arg5[%add3A_283, %dma_wait3A_286] : memref<16384x128xf32, #tpu.memory_space<hbm>> -> memref<8x128xf32, #tpu.memory_space<hbm>>
        tpu.wait_dma2 semaphore(%arg17 : memref<!tpu.dma_semaphore, #tpu.memory_space<semaphore_mem>>) src(%arg14 : memref<8x128xf32, #tpu.memory_space<vmem>>) dst(%dma_wait3A_287 : memref<8x128xf32, #tpu.memory_space<hbm>>)
      } else {
      }
      %mul3A_179 = arith.constant 512 : i32
      %mul3A_180 = arith.muli %add3A, %mul3A_179 : i32
      %mul3A_181 = arith.constant 8 : i32
      %mul3A_182 = arith.muli %mul3A_103, %mul3A_181 : i32
      %add3A_183 = arith.addi %mul3A_180, %mul3A_182 : i32
      %dma_start3A_184 = arith.constant 0 : i32
      %dma_start3A_185 = tpu.memref_slice %arg5[%add3A_183, %dma_start3A_184] : memref<16384x128xf32, #tpu.memory_space<hbm>> -> memref<8x128xf32, #tpu.memory_space<hbm>>
      %dma_start3A_186 = arith.constant 0 : i32
      %dma_start3A_187 = tpu.memref_slice %arg5[%add3A_183, %dma_start3A_186] : memref<16384x128xf32, #tpu.memory_space<hbm>> -> memref<8x128xf32, #tpu.memory_space<hbm>>
      tpu.enqueue_dma source(%arg13 : memref<8x128xf32, #tpu.memory_space<vmem>>) target(%dma_start3A_187 : memref<8x128xf32, #tpu.memory_space<hbm>>) target_semaphore(%arg17 : memref<!tpu.dma_semaphore, #tpu.memory_space<semaphore_mem>>)
      %mul3A_188 = arith.constant 2 : i32
      %mul3A_189 = arith.muli %mul3A_188, %scan3A_101 : i32
      %add3A_190 = arith.constant 1 : i32
      %add3A_191 = arith.addi %mul3A_189, %add3A_190 : i32
      %lt3A_192 = arith.constant 63 : i32
      %lt3A_193 = arith.cmpi slt, %add3A_191, %lt3A_192 : i32
      %convert_element_type3A_194 = arith.extui %lt3A_193 : i1 to i32
      %cond3A_195 = arith.constant 0 : i32
      %cond3A_196 = arith.cmpi ne, %convert_element_type3A_194, %cond3A_195 : i32
      scf.if %cond3A_196 {
        %add3A_278 = arith.constant 1 : i32
        %add3A_279 = arith.addi %add3A_191, %add3A_278 : i32
        %mul3A_280 = arith.constant 256 : i32
        %mul3A_281 = arith.muli %add3A, %mul3A_280 : i32
        %mul3A_282 = arith.constant 4 : i32
        %mul3A_283 = arith.muli %add3A_279, %mul3A_282 : i32
        %add3A_284 = arith.addi %mul3A_281, %mul3A_283 : i32
        %dma_wait3A_285 = arith.constant 0 : i32
        %dma_wait3A_286 = tpu.memref_slice %arg2[%add3A_284, %dma_wait3A_285] : memref<8192x100xi32, #tpu.memory_space<hbm>> -> memref<4x100xi32, #tpu.memory_space<hbm>>
        %dma_wait3A_287 = arith.constant 0 : i32
        %dma_wait3A_288 = tpu.memref_slice %arg2[%add3A_284, %dma_wait3A_287] : memref<8192x100xi32, #tpu.memory_space<hbm>> -> memref<4x100xi32, #tpu.memory_space<hbm>>
        tpu.wait_dma2 semaphore(%arg15 : memref<!tpu.dma_semaphore, #tpu.memory_space<semaphore_mem>>) src(%dma_wait3A_288 : memref<4x100xi32, #tpu.memory_space<hbm>>) dst(%arg7 : memref<4x100xi32, #tpu.memory_space<vmem>>)
        %dma_start3A_289 = arith.constant 0 : i32
        %dma_start3A_290 = arith.constant 0 : i32
        %dma_start3A_291 = arith.constant 0 : i32
        %dma_start3A_292 = arith.constant 0 : i32
        %dma_start3A_293 = tpu.memref_slice %arg11[%dma_start3A_290, %dma_start3A_291, %dma_start3A_292] : memref<4x100x128xf32, #tpu.memory_space<vmem>> -> memref<1x100x128xf32, #tpu.memory_space<vmem>>
        %dma_start3A_294 = tpu.memref_squeeze %dma_start3A_293 : memref<1x100x128xf32, #tpu.memory_space<vmem>> -> memref<100x128xf32, #tpu.memory_space<vmem>>
        %dma_start3A_295 = arith.constant 0 : i32
        %dma_start3A_296 = tpu.memref_slice %arg7[%dma_start3A_289, %dma_start3A_295] : memref<4x100xi32, #tpu.memory_space<vmem>> -> memref<1x100xi32, #tpu.memory_space<vmem>>
        %dma_start3A_297 = tpu.memref_squeeze %dma_start3A_296 : memref<1x100xi32, #tpu.memory_space<vmem>> -> memref<100xi32, #tpu.memory_space<vmem>>
        %dma_start3A_298 = arith.constant 0 : i32
        %dma_start3A_299 = arith.constant 0 : i32
        %dma_start3A_300 = tpu.memref_slice %arg6[%dma_start3A_298, %dma_start3A_299] : memref<1024x128xf32, #tpu.memory_space<vmem_shared>> -> memref<1024x128xf32, #tpu.memory_space<vmem_shared>>
        tpu.enqueue_indirect_dma source(%dma_start3A_300 : memref<1024x128xf32, #tpu.memory_space<vmem_shared>>) target(%dma_start3A_294 : memref<100x128xf32, #tpu.memory_space<vmem>>) offsets(%dma_start3A_297 : memref<100xi32, #tpu.memory_space<vmem>>) semaphore(%arg18 : memref<!tpu.dma_semaphore, #tpu.memory_space<semaphore_mem>>)
        %dma_start3A_301 = arith.constant 1 : i32
        %dma_start3A_302 = arith.constant 1 : i32
        %dma_start3A_303 = arith.constant 0 : i32
        %dma_start3A_304 = arith.constant 0 : i32
        %dma_start3A_305 = tpu.memref_slice %arg11[%dma_start3A_302, %dma_start3A_303, %dma_start3A_304] : memref<4x100x128xf32, #tpu.memory_space<vmem>> -> memref<1x100x128xf32, #tpu.memory_space<vmem>>
        %dma_start3A_306 = tpu.memref_squeeze %dma_start3A_305 : memref<1x100x128xf32, #tpu.memory_space<vmem>> -> memref<100x128xf32, #tpu.memory_space<vmem>>
        %dma_start3A_307 = arith.constant 0 : i32
        %dma_start3A_308 = tpu.memref_slice %arg7[%dma_start3A_301, %dma_start3A_307] : memref<4x100xi32, #tpu.memory_space<vmem>> -> memref<1x100xi32, #tpu.memory_space<vmem>>
        %dma_start3A_309 = tpu.memref_squeeze %dma_start3A_308 : memref<1x100xi32, #tpu.memory_space<vmem>> -> memref<100xi32, #tpu.memory_space<vmem>>
        %dma_start3A_310 = arith.constant 0 : i32
        %dma_start3A_311 = arith.constant 0 : i32
        %dma_start3A_312 = tpu.memref_slice %arg6[%dma_start3A_310, %dma_start3A_311] : memref<1024x128xf32, #tpu.memory_space<vmem_shared>> -> memref<1024x128xf32, #tpu.memory_space<vmem_shared>>
        tpu.enqueue_indirect_dma source(%dma_start3A_312 : memref<1024x128xf32, #tpu.memory_space<vmem_shared>>) target(%dma_start3A_306 : memref<100x128xf32, #tpu.memory_space<vmem>>) offsets(%dma_start3A_309 : memref<100xi32, #tpu.memory_space<vmem>>) semaphore(%arg18 : memref<!tpu.dma_semaphore, #tpu.memory_space<semaphore_mem>>)
        %dma_start3A_313 = arith.constant 2 : i32
        %dma_start3A_314 = arith.constant 2 : i32
        %dma_start3A_315 = arith.constant 0 : i32
        %dma_start3A_316 = arith.constant 0 : i32
        %dma_start3A_317 = tpu.memref_slice %arg11[%dma_start3A_314, %dma_start3A_315, %dma_start3A_316] : memref<4x100x128xf32, #tpu.memory_space<vmem>> -> memref<1x100x128xf32, #tpu.memory_space<vmem>>
        %dma_start3A_318 = tpu.memref_squeeze %dma_start3A_317 : memref<1x100x128xf32, #tpu.memory_space<vmem>> -> memref<100x128xf32, #tpu.memory_space<vmem>>
        %dma_start3A_319 = arith.constant 0 : i32
        %dma_start3A_320 = tpu.memref_slice %arg7[%dma_start3A_313, %dma_start3A_319] : memref<4x100xi32, #tpu.memory_space<vmem>> -> memref<1x100xi32, #tpu.memory_space<vmem>>
        %dma_start3A_321 = tpu.memref_squeeze %dma_start3A_320 : memref<1x100xi32, #tpu.memory_space<vmem>> -> memref<100xi32, #tpu.memory_space<vmem>>
        %dma_start3A_322 = arith.constant 0 : i32
        %dma_start3A_323 = arith.constant 0 : i32
        %dma_start3A_324 = tpu.memref_slice %arg6[%dma_start3A_322, %dma_start3A_323] : memref<1024x128xf32, #tpu.memory_space<vmem_shared>> -> memref<1024x128xf32, #tpu.memory_space<vmem_shared>>
        tpu.enqueue_indirect_dma source(%dma_start3A_324 : memref<1024x128xf32, #tpu.memory_space<vmem_shared>>) target(%dma_start3A_318 : memref<100x128xf32, #tpu.memory_space<vmem>>) offsets(%dma_start3A_321 : memref<100xi32, #tpu.memory_space<vmem>>) semaphore(%arg18 : memref<!tpu.dma_semaphore, #tpu.memory_space<semaphore_mem>>)
        %dma_start3A_325 = arith.constant 3 : i32
        %dma_start3A_326 = arith.constant 3 : i32
        %dma_start3A_327 = arith.constant 0 : i32
        %dma_start3A_328 = arith.constant 0 : i32
        %dma_start3A_329 = tpu.memref_slice %arg11[%dma_start3A_326, %dma_start3A_327, %dma_start3A_328] : memref<4x100x128xf32, #tpu.memory_space<vmem>> -> memref<1x100x128xf32, #tpu.memory_space<vmem>>
        %dma_start3A_330 = tpu.memref_squeeze %dma_start3A_329 : memref<1x100x128xf32, #tpu.memory_space<vmem>> -> memref<100x128xf32, #tpu.memory_space<vmem>>
        %dma_start3A_331 = arith.constant 0 : i32
        %dma_start3A_332 = tpu.memref_slice %arg7[%dma_start3A_325, %dma_start3A_331] : memref<4x100xi32, #tpu.memory_space<vmem>> -> memref<1x100xi32, #tpu.memory_space<vmem>>
        %dma_start3A_333 = tpu.memref_squeeze %dma_start3A_332 : memref<1x100xi32, #tpu.memory_space<vmem>> -> memref<100xi32, #tpu.memory_space<vmem>>
        %dma_start3A_334 = arith.constant 0 : i32
        %dma_start3A_335 = arith.constant 0 : i32
        %dma_start3A_336 = tpu.memref_slice %arg6[%dma_start3A_334, %dma_start3A_335] : memref<1024x128xf32, #tpu.memory_space<vmem_shared>> -> memref<1024x128xf32, #tpu.memory_space<vmem_shared>>
        tpu.enqueue_indirect_dma source(%dma_start3A_336 : memref<1024x128xf32, #tpu.memory_space<vmem_shared>>) target(%dma_start3A_330 : memref<100x128xf32, #tpu.memory_space<vmem>>) offsets(%dma_start3A_333 : memref<100xi32, #tpu.memory_space<vmem>>) semaphore(%arg18 : memref<!tpu.dma_semaphore, #tpu.memory_space<semaphore_mem>>)
      } else {
      }
      %dma_wait3A_197 = arith.constant 0 : i32
      %dma_wait3A_198 = arith.constant 0 : i32
      %dma_wait3A_199 = arith.constant 0 : i32
      %dma_wait3A_200 = arith.constant 0 : i32
      %dma_wait3A_201 = tpu.memref_slice %arg12[%dma_wait3A_198, %dma_wait3A_199, %dma_wait3A_200] : memref<4x100x128xf32, #tpu.memory_space<vmem>> -> memref<1x100x128xf32, #tpu.memory_space<vmem>>
      %dma_wait3A_202 = tpu.memref_squeeze %dma_wait3A_201 : memref<1x100x128xf32, #tpu.memory_space<vmem>> -> memref<100x128xf32, #tpu.memory_space<vmem>>
      %dma_wait3A_203 = arith.constant 0 : i32
      %dma_wait3A_204 = tpu.memref_slice %arg8[%dma_wait3A_197, %dma_wait3A_203] : memref<4x100xi32, #tpu.memory_space<vmem>> -> memref<1x100xi32, #tpu.memory_space<vmem>>
      %dma_wait3A_205 = tpu.memref_squeeze %dma_wait3A_204 : memref<1x100xi32, #tpu.memory_space<vmem>> -> memref<100xi32, #tpu.memory_space<vmem>>
      %dma_wait3A_206 = arith.constant 0 : i32
      %dma_wait3A_207 = arith.constant 0 : i32
      %dma_wait3A_208 = tpu.memref_slice %arg6[%dma_wait3A_206, %dma_wait3A_207] : memref<1024x128xf32, #tpu.memory_space<vmem_shared>> -> memref<1024x128xf32, #tpu.memory_space<vmem_shared>>
      tpu.wait_indirect_dma semaphore(%arg19 : memref<!tpu.dma_semaphore, #tpu.memory_space<semaphore_mem>>) src(%dma_wait3A_208 : memref<1024x128xf32, #tpu.memory_space<vmem_shared>>) dst(%dma_wait3A_202 : memref<100x128xf32, #tpu.memory_space<vmem>>)
      %dma_wait3A_209 = arith.constant 1 : i32
      %dma_wait3A_210 = arith.constant 1 : i32
      %dma_wait3A_211 = arith.constant 0 : i32
      %dma_wait3A_212 = arith.constant 0 : i32
      %dma_wait3A_213 = tpu.memref_slice %arg12[%dma_wait3A_210, %dma_wait3A_211, %dma_wait3A_212] : memref<4x100x128xf32, #tpu.memory_space<vmem>> -> memref<1x100x128xf32, #tpu.memory_space<vmem>>
      %dma_wait3A_214 = tpu.memref_squeeze %dma_wait3A_213 : memref<1x100x128xf32, #tpu.memory_space<vmem>> -> memref<100x128xf32, #tpu.memory_space<vmem>>
      %dma_wait3A_215 = arith.constant 0 : i32
      %dma_wait3A_216 = tpu.memref_slice %arg8[%dma_wait3A_209, %dma_wait3A_215] : memref<4x100xi32, #tpu.memory_space<vmem>> -> memref<1x100xi32, #tpu.memory_space<vmem>>
      %dma_wait3A_217 = tpu.memref_squeeze %dma_wait3A_216 : memref<1x100xi32, #tpu.memory_space<vmem>> -> memref<100xi32, #tpu.memory_space<vmem>>
      %dma_wait3A_218 = arith.constant 0 : i32
      %dma_wait3A_219 = arith.constant 0 : i32
      %dma_wait3A_220 = tpu.memref_slice %arg6[%dma_wait3A_218, %dma_wait3A_219] : memref<1024x128xf32, #tpu.memory_space<vmem_shared>> -> memref<1024x128xf32, #tpu.memory_space<vmem_shared>>
      tpu.wait_indirect_dma semaphore(%arg19 : memref<!tpu.dma_semaphore, #tpu.memory_space<semaphore_mem>>) src(%dma_wait3A_220 : memref<1024x128xf32, #tpu.memory_space<vmem_shared>>) dst(%dma_wait3A_214 : memref<100x128xf32, #tpu.memory_space<vmem>>)
      %dma_wait3A_221 = arith.constant 2 : i32
      %dma_wait3A_222 = arith.constant 2 : i32
      %dma_wait3A_223 = arith.constant 0 : i32
      %dma_wait3A_224 = arith.constant 0 : i32
      %dma_wait3A_225 = tpu.memref_slice %arg12[%dma_wait3A_222, %dma_wait3A_223, %dma_wait3A_224] : memref<4x100x128xf32, #tpu.memory_space<vmem>> -> memref<1x100x128xf32, #tpu.memory_space<vmem>>
      %dma_wait3A_226 = tpu.memref_squeeze %dma_wait3A_225 : memref<1x100x128xf32, #tpu.memory_space<vmem>> -> memref<100x128xf32, #tpu.memory_space<vmem>>
      %dma_wait3A_227 = arith.constant 0 : i32
      %dma_wait3A_228 = tpu.memref_slice %arg8[%dma_wait3A_221, %dma_wait3A_227] : memref<4x100xi32, #tpu.memory_space<vmem>> -> memref<1x100xi32, #tpu.memory_space<vmem>>
      %dma_wait3A_229 = tpu.memref_squeeze %dma_wait3A_228 : memref<1x100xi32, #tpu.memory_space<vmem>> -> memref<100xi32, #tpu.memory_space<vmem>>
      %dma_wait3A_230 = arith.constant 0 : i32
      %dma_wait3A_231 = arith.constant 0 : i32
      %dma_wait3A_232 = tpu.memref_slice %arg6[%dma_wait3A_230, %dma_wait3A_231] : memref<1024x128xf32, #tpu.memory_space<vmem_shared>> -> memref<1024x128xf32, #tpu.memory_space<vmem_shared>>
      tpu.wait_indirect_dma semaphore(%arg19 : memref<!tpu.dma_semaphore, #tpu.memory_space<semaphore_mem>>) src(%dma_wait3A_232 : memref<1024x128xf32, #tpu.memory_space<vmem_shared>>) dst(%dma_wait3A_226 : memref<100x128xf32, #tpu.memory_space<vmem>>)
      %dma_wait3A_233 = arith.constant 3 : i32
      %dma_wait3A_234 = arith.constant 3 : i32
      %dma_wait3A_235 = arith.constant 0 : i32
      %dma_wait3A_236 = arith.constant 0 : i32
      %dma_wait3A_237 = tpu.memref_slice %arg12[%dma_wait3A_234, %dma_wait3A_235, %dma_wait3A_236] : memref<4x100x128xf32, #tpu.memory_space<vmem>> -> memref<1x100x128xf32, #tpu.memory_space<vmem>>
      %dma_wait3A_238 = tpu.memref_squeeze %dma_wait3A_237 : memref<1x100x128xf32, #tpu.memory_space<vmem>> -> memref<100x128xf32, #tpu.memory_space<vmem>>
      %dma_wait3A_239 = arith.constant 0 : i32
      %dma_wait3A_240 = tpu.memref_slice %arg8[%dma_wait3A_233, %dma_wait3A_239] : memref<4x100xi32, #tpu.memory_space<vmem>> -> memref<1x100xi32, #tpu.memory_space<vmem>>
      %dma_wait3A_241 = tpu.memref_squeeze %dma_wait3A_240 : memref<1x100xi32, #tpu.memory_space<vmem>> -> memref<100xi32, #tpu.memory_space<vmem>>
      %dma_wait3A_242 = arith.constant 0 : i32
      %dma_wait3A_243 = arith.constant 0 : i32
      %dma_wait3A_244 = tpu.memref_slice %arg6[%dma_wait3A_242, %dma_wait3A_243] : memref<1024x128xf32, #tpu.memory_space<vmem_shared>> -> memref<1024x128xf32, #tpu.memory_space<vmem_shared>>
      tpu.wait_indirect_dma semaphore(%arg19 : memref<!tpu.dma_semaphore, #tpu.memory_space<semaphore_mem>>) src(%dma_wait3A_244 : memref<1024x128xf32, #tpu.memory_space<vmem_shared>>) dst(%dma_wait3A_238 : memref<100x128xf32, #tpu.memory_space<vmem>>)
      %mul3A_245 = arith.constant 512 : i32
      %mul3A_246 = arith.muli %add3A, %mul3A_245 : i32
      %mul3A_247 = arith.constant 8 : i32
      %mul3A_248 = arith.muli %add3A_191, %mul3A_247 : i32
      %add3A_249 = arith.addi %mul3A_246, %mul3A_248 : i32
      %dma_wait3A_250 = arith.constant 0 : i32
      %dma_wait3A_251 = tpu.memref_slice %arg3[%add3A_249, %dma_wait3A_250] : memref<16384x16xf32, #tpu.memory_space<hbm>> -> memref<8x16xf32, #tpu.memory_space<hbm>>
      %dma_wait3A_252 = arith.constant 0 : i32
      %dma_wait3A_253 = tpu.memref_slice %arg3[%add3A_249, %dma_wait3A_252] : memref<16384x16xf32, #tpu.memory_space<hbm>> -> memref<8x16xf32, #tpu.memory_space<hbm>>
      tpu.wait_dma2 semaphore(%arg16 : memref<!tpu.dma_semaphore, #tpu.memory_space<semaphore_mem>>) src(%dma_wait3A_253 : memref<8x16xf32, #tpu.memory_space<hbm>>) dst(%arg10 : memref<8x16xf32, #tpu.memory_space<vmem>>)
      %scan3A_254 = arith.constant 0 : i32
      %scan3A_255 = arith.constant 4 : i32
      %scan3A_256 = arith.addi %scan3A_254, %scan3A_255 : i32
      %scan3A_257 = arith.constant 1 : i32
      scf.for %scan3A_278 = %scan3A_254 to %scan3A_256 step %scan3A_257  : i32 {
        %broadcast_in_dim3A = arith.constant 0.000000e+00 : f32
        %broadcast_in_dim3A_279 = vector.broadcast %broadcast_in_dim3A : f32 to vector<16xf32>
        %broadcast_in_dim3A_280 = arith.constant 0.000000e+00 : f32
        %broadcast_in_dim3A_281 = vector.broadcast %broadcast_in_dim3A_280 : f32 to vector<16xf32>
        %broadcast_in_dim3A_282 = arith.constant 0.000000e+00 : f32
        %broadcast_in_dim3A_283 = vector.broadcast %broadcast_in_dim3A_282 : f32 to vector<16xf32>
        %broadcast_in_dim3A_284 = arith.constant 0.000000e+00 : f32
        %broadcast_in_dim3A_285 = vector.broadcast %broadcast_in_dim3A_284 : f32 to vector<16xf32>
        %broadcast_in_dim3A_286 = arith.constant 0.000000e+00 : f32
        %broadcast_in_dim3A_287 = vector.broadcast %broadcast_in_dim3A_286 : f32 to vector<16xf32>
        %broadcast_in_dim3A_288 = arith.constant 0.000000e+00 : f32
        %broadcast_in_dim3A_289 = vector.broadcast %broadcast_in_dim3A_288 : f32 to vector<16xf32>
        %broadcast_in_dim3A_290 = arith.constant 0.000000e+00 : f32
        %broadcast_in_dim3A_291 = vector.broadcast %broadcast_in_dim3A_290 : f32 to vector<16xf32>
        %broadcast_in_dim3A_292 = arith.constant 0.000000e+00 : f32
        %broadcast_in_dim3A_293 = vector.broadcast %broadcast_in_dim3A_292 : f32 to vector<16xf32>
        %scan3A_294 = arith.constant 0 : i32
        %scan3A_295 = arith.constant 50 : i32
        %scan3A_296 = arith.addi %scan3A_294, %scan3A_295 : i32
        %scan3A_297 = arith.constant 5 : i32
        %scan3A_298:8 = scf.for %scan3A_418 = %scan3A_294 to %scan3A_296 step %scan3A_297 iter_args(%scan3A_419 = %broadcast_in_dim3A_279, %scan3A_420 = %broadcast_in_dim3A_281, %scan3A_421 = %broadcast_in_dim3A_283, %scan3A_422 = %broadcast_in_dim3A_285, %scan3A_423 = %broadcast_in_dim3A_287, %scan3A_424 = %broadcast_in_dim3A_289, %scan3A_425 = %broadcast_in_dim3A_291, %scan3A_426 = %broadcast_in_dim3A_293) -> (vector<16xf32>, vector<16xf32>, vector<16xf32>, vector<16xf32>, vector<16xf32>, vector<16xf32>, vector<16xf32>, vector<16xf32>)  : i32 {
          %add3A_427 = arith.constant 0 : i32
          %add3A_428 = arith.addi %add3A_427, %scan3A_418 : i32
          %get3A_429 = arith.index_cast %scan3A_278 : i32 to index
          %get3A_430 = arith.index_cast %add3A_428 : i32 to index
          %get3A_431 = arith.constant 0 : index
          %get3A_432 = tpu.vector_load %arg12[%get3A_429, %get3A_430, %get3A_431] {strides = array<i32>} : memref<4x100x128xf32, #tpu.memory_space<vmem>>, vector<1x1x16xf32>,
          %get3A_433 = vector.shape_cast %get3A_432 : vector<1x1x16xf32> to vector<16xf32>
          %add3A_434 = arith.addf %scan3A_419, %get3A_433 : vector<16xf32>
          %add3A_435 = arith.constant 0 : i32
          %add3A_436 = arith.addi %add3A_435, %scan3A_418 : i32
          %get3A_437 = arith.index_cast %scan3A_278 : i32 to index
          %get3A_438 = arith.index_cast %add3A_436 : i32 to index
          %get3A_439 = arith.constant 16 : index
          %get3A_440 = tpu.vector_load %arg12[%get3A_437, %get3A_438, %get3A_439] {strides = array<i32>} : memref<4x100x128xf32, #tpu.memory_space<vmem>>, vector<1x1x16xf32>,
          %get3A_441 = vector.shape_cast %get3A_440 : vector<1x1x16xf32> to vector<16xf32>
          %add3A_442 = arith.addf %scan3A_420, %get3A_441 : vector<16xf32>
          %add3A_443 = arith.constant 0 : i32
          %add3A_444 = arith.addi %add3A_443, %scan3A_418 : i32
          %get3A_445 = arith.index_cast %scan3A_278 : i32 to index
          %get3A_446 = arith.index_cast %add3A_444 : i32 to index
          %get3A_447 = arith.constant 32 : index
          %get3A_448 = tpu.vector_load %arg12[%get3A_445, %get3A_446, %get3A_447] {strides = array<i32>} : memref<4x100x128xf32, #tpu.memory_space<vmem>>, vector<1x1x16xf32>,
          %get3A_449 = vector.shape_cast %get3A_448 : vector<1x1x16xf32> to vector<16xf32>
          %add3A_450 = arith.addf %scan3A_421, %get3A_449 : vector<16xf32>
          %add3A_451 = arith.constant 0 : i32
          %add3A_452 = arith.addi %add3A_451, %scan3A_418 : i32
          %get3A_453 = arith.index_cast %scan3A_278 : i32 to index
          %get3A_454 = arith.index_cast %add3A_452 : i32 to index
          %get3A_455 = arith.constant 48 : index
          %get3A_456 = tpu.vector_load %arg12[%get3A_453, %get3A_454, %get3A_455] {strides = array<i32>} : memref<4x100x128xf32, #tpu.memory_space<vmem>>, vector<1x1x16xf32>,
          %get3A_457 = vector.shape_cast %get3A_456 : vector<1x1x16xf32> to vector<16xf32>
          %add3A_458 = arith.addf %scan3A_422, %get3A_457 : vector<16xf32>
          %add3A_459 = arith.constant 0 : i32
          %add3A_460 = arith.addi %add3A_459, %scan3A_418 : i32
          %get3A_461 = arith.index_cast %scan3A_278 : i32 to index
          %get3A_462 = arith.index_cast %add3A_460 : i32 to index
          %get3A_463 = arith.constant 64 : index
          %get3A_464 = tpu.vector_load %arg12[%get3A_461, %get3A_462, %get3A_463] {strides = array<i32>} : memref<4x100x128xf32, #tpu.memory_space<vmem>>, vector<1x1x16xf32>,
          %get3A_465 = vector.shape_cast %get3A_464 : vector<1x1x16xf32> to vector<16xf32>
          %add3A_466 = arith.addf %scan3A_423, %get3A_465 : vector<16xf32>
          %add3A_467 = arith.constant 0 : i32
          %add3A_468 = arith.addi %add3A_467, %scan3A_418 : i32
          %get3A_469 = arith.index_cast %scan3A_278 : i32 to index
          %get3A_470 = arith.index_cast %add3A_468 : i32 to index
          %get3A_471 = arith.constant 80 : index
          %get3A_472 = tpu.vector_load %arg12[%get3A_469, %get3A_470, %get3A_471] {strides = array<i32>} : memref<4x100x128xf32, #tpu.memory_space<vmem>>, vector<1x1x16xf32>,
          %get3A_473 = vector.shape_cast %get3A_472 : vector<1x1x16xf32> to vector<16xf32>
          %add3A_474 = arith.addf %scan3A_424, %get3A_473 : vector<16xf32>
          %add3A_475 = arith.constant 0 : i32
          %add3A_476 = arith.addi %add3A_475, %scan3A_418 : i32
          %get3A_477 = arith.index_cast %scan3A_278 : i32 to index
          %get3A_478 = arith.index_cast %add3A_476 : i32 to index
          %get3A_479 = arith.constant 96 : index
          %get3A_480 = tpu.vector_load %arg12[%get3A_477, %get3A_478, %get3A_479] {strides = array<i32>} : memref<4x100x128xf32, #tpu.memory_space<vmem>>, vector<1x1x16xf32>,
          %get3A_481 = vector.shape_cast %get3A_480 : vector<1x1x16xf32> to vector<16xf32>
          %add3A_482 = arith.addf %scan3A_425, %get3A_481 : vector<16xf32>
          %add3A_483 = arith.constant 0 : i32
          %add3A_484 = arith.addi %add3A_483, %scan3A_418 : i32
          %get3A_485 = arith.index_cast %scan3A_278 : i32 to index
          %get3A_486 = arith.index_cast %add3A_484 : i32 to index
          %get3A_487 = arith.constant 112 : index
          %get3A_488 = tpu.vector_load %arg12[%get3A_485, %get3A_486, %get3A_487] {strides = array<i32>} : memref<4x100x128xf32, #tpu.memory_space<vmem>>, vector<1x1x16xf32>,
          %get3A_489 = vector.shape_cast %get3A_488 : vector<1x1x16xf32> to vector<16xf32>
          %add3A_490 = arith.addf %scan3A_426, %get3A_489 : vector<16xf32>
          %scan3A_491 = arith.constant 1 : i32
          %scan3A_492 = arith.addi %scan3A_418, %scan3A_491 : i32
          %add3A_493 = arith.constant 0 : i32
          %add3A_494 = arith.addi %add3A_493, %scan3A_492 : i32
          %get3A_495 = arith.index_cast %scan3A_278 : i32 to index
          %get3A_496 = arith.index_cast %add3A_494 : i32 to index
          %get3A_497 = arith.constant 0 : index
          %get3A_498 = tpu.vector_load %arg12[%get3A_495, %get3A_496, %get3A_497] {strides = array<i32>} : memref<4x100x128xf32, #tpu.memory_space<vmem>>, vector<1x1x16xf32>,
          %get3A_499 = vector.shape_cast %get3A_498 : vector<1x1x16xf32> to vector<16xf32>
          %add3A_500 = arith.addf %add3A_434, %get3A_499 : vector<16xf32>
          %add3A_501 = arith.constant 0 : i32
          %add3A_502 = arith.addi %add3A_501, %scan3A_492 : i32
          %get3A_503 = arith.index_cast %scan3A_278 : i32 to index
          %get3A_504 = arith.index_cast %add3A_502 : i32 to index
          %get3A_505 = arith.constant 16 : index
          %get3A_506 = tpu.vector_load %arg12[%get3A_503, %get3A_504, %get3A_505] {strides = array<i32>} : memref<4x100x128xf32, #tpu.memory_space<vmem>>, vector<1x1x16xf32>,
          %get3A_507 = vector.shape_cast %get3A_506 : vector<1x1x16xf32> to vector<16xf32>
          %add3A_508 = arith.addf %add3A_442, %get3A_507 : vector<16xf32>
          %add3A_509 = arith.constant 0 : i32
          %add3A_510 = arith.addi %add3A_509, %scan3A_492 : i32
          %get3A_511 = arith.index_cast %scan3A_278 : i32 to index
          %get3A_512 = arith.index_cast %add3A_510 : i32 to index
          %get3A_513 = arith.constant 32 : index
          %get3A_514 = tpu.vector_load %arg12[%get3A_511, %get3A_512, %get3A_513] {strides = array<i32>} : memref<4x100x128xf32, #tpu.memory_space<vmem>>, vector<1x1x16xf32>,
          %get3A_515 = vector.shape_cast %get3A_514 : vector<1x1x16xf32> to vector<16xf32>
          %add3A_516 = arith.addf %add3A_450, %get3A_515 : vector<16xf32>
          %add3A_517 = arith.constant 0 : i32
          %add3A_518 = arith.addi %add3A_517, %scan3A_492 : i32
          %get3A_519 = arith.index_cast %scan3A_278 : i32 to index
          %get3A_520 = arith.index_cast %add3A_518 : i32 to index
          %get3A_521 = arith.constant 48 : index
          %get3A_522 = tpu.vector_load %arg12[%get3A_519, %get3A_520, %get3A_521] {strides = array<i32>} : memref<4x100x128xf32, #tpu.memory_space<vmem>>, vector<1x1x16xf32>,
          %get3A_523 = vector.shape_cast %get3A_522 : vector<1x1x16xf32> to vector<16xf32>
          %add3A_524 = arith.addf %add3A_458, %get3A_523 : vector<16xf32>
          %add3A_525 = arith.constant 0 : i32
          %add3A_526 = arith.addi %add3A_525, %scan3A_492 : i32
          %get3A_527 = arith.index_cast %scan3A_278 : i32 to index
          %get3A_528 = arith.index_cast %add3A_526 : i32 to index
          %get3A_529 = arith.constant 64 : index
          %get3A_530 = tpu.vector_load %arg12[%get3A_527, %get3A_528, %get3A_529] {strides = array<i32>} : memref<4x100x128xf32, #tpu.memory_space<vmem>>, vector<1x1x16xf32>,
          %get3A_531 = vector.shape_cast %get3A_530 : vector<1x1x16xf32> to vector<16xf32>
          %add3A_532 = arith.addf %add3A_466, %get3A_531 : vector<16xf32>
          %add3A_533 = arith.constant 0 : i32
          %add3A_534 = arith.addi %add3A_533, %scan3A_492 : i32
          %get3A_535 = arith.index_cast %scan3A_278 : i32 to index
          %get3A_536 = arith.index_cast %add3A_534 : i32 to index
          %get3A_537 = arith.constant 80 : index
          %get3A_538 = tpu.vector_load %arg12[%get3A_535, %get3A_536, %get3A_537] {strides = array<i32>} : memref<4x100x128xf32, #tpu.memory_space<vmem>>, vector<1x1x16xf32>,
          %get3A_539 = vector.shape_cast %get3A_538 : vector<1x1x16xf32> to vector<16xf32>
          %add3A_540 = arith.addf %add3A_474, %get3A_539 : vector<16xf32>
          %add3A_541 = arith.constant 0 : i32
          %add3A_542 = arith.addi %add3A_541, %scan3A_492 : i32
          %get3A_543 = arith.index_cast %scan3A_278 : i32 to index
          %get3A_544 = arith.index_cast %add3A_542 : i32 to index
          %get3A_545 = arith.constant 96 : index
          %get3A_546 = tpu.vector_load %arg12[%get3A_543, %get3A_544, %get3A_545] {strides = array<i32>} : memref<4x100x128xf32, #tpu.memory_space<vmem>>, vector<1x1x16xf32>,
          %get3A_547 = vector.shape_cast %get3A_546 : vector<1x1x16xf32> to vector<16xf32>
          %add3A_548 = arith.addf %add3A_482, %get3A_547 : vector<16xf32>
          %add3A_549 = arith.constant 0 : i32
          %add3A_550 = arith.addi %add3A_549, %scan3A_492 : i32
          %get3A_551 = arith.index_cast %scan3A_278 : i32 to index
          %get3A_552 = arith.index_cast %add3A_550 : i32 to index
          %get3A_553 = arith.constant 112 : index
          %get3A_554 = tpu.vector_load %arg12[%get3A_551, %get3A_552, %get3A_553] {strides = array<i32>} : memref<4x100x128xf32, #tpu.memory_space<vmem>>, vector<1x1x16xf32>,
          %get3A_555 = vector.shape_cast %get3A_554 : vector<1x1x16xf32> to vector<16xf32>
          %add3A_556 = arith.addf %add3A_490, %get3A_555 : vector<16xf32>
          %scan3A_557 = arith.constant 2 : i32
          %scan3A_558 = arith.addi %scan3A_418, %scan3A_557 : i32
          %add3A_559 = arith.constant 0 : i32
          %add3A_560 = arith.addi %add3A_559, %scan3A_558 : i32
          %get3A_561 = arith.index_cast %scan3A_278 : i32 to index
          %get3A_562 = arith.index_cast %add3A_560 : i32 to index
          %get3A_563 = arith.constant 0 : index
          %get3A_564 = tpu.vector_load %arg12[%get3A_561, %get3A_562, %get3A_563] {strides = array<i32>} : memref<4x100x128xf32, #tpu.memory_space<vmem>>, vector<1x1x16xf32>,
          %get3A_565 = vector.shape_cast %get3A_564 : vector<1x1x16xf32> to vector<16xf32>
          %add3A_566 = arith.addf %add3A_500, %get3A_565 : vector<16xf32>
          %add3A_567 = arith.constant 0 : i32
          %add3A_568 = arith.addi %add3A_567, %scan3A_558 : i32
          %get3A_569 = arith.index_cast %scan3A_278 : i32 to index
          %get3A_570 = arith.index_cast %add3A_568 : i32 to index
          %get3A_571 = arith.constant 16 : index
          %get3A_572 = tpu.vector_load %arg12[%get3A_569, %get3A_570, %get3A_571] {strides = array<i32>} : memref<4x100x128xf32, #tpu.memory_space<vmem>>, vector<1x1x16xf32>,
          %get3A_573 = vector.shape_cast %get3A_572 : vector<1x1x16xf32> to vector<16xf32>
          %add3A_574 = arith.addf %add3A_508, %get3A_573 : vector<16xf32>
          %add3A_575 = arith.constant 0 : i32
          %add3A_576 = arith.addi %add3A_575, %scan3A_558 : i32
          %get3A_577 = arith.index_cast %scan3A_278 : i32 to index
          %get3A_578 = arith.index_cast %add3A_576 : i32 to index
          %get3A_579 = arith.constant 32 : index
          %get3A_580 = tpu.vector_load %arg12[%get3A_577, %get3A_578, %get3A_579] {strides = array<i32>} : memref<4x100x128xf32, #tpu.memory_space<vmem>>, vector<1x1x16xf32>,
          %get3A_581 = vector.shape_cast %get3A_580 : vector<1x1x16xf32> to vector<16xf32>
          %add3A_582 = arith.addf %add3A_516, %get3A_581 : vector<16xf32>
          %add3A_583 = arith.constant 0 : i32
          %add3A_584 = arith.addi %add3A_583, %scan3A_558 : i32
          %get3A_585 = arith.index_cast %scan3A_278 : i32 to index
          %get3A_586 = arith.index_cast %add3A_584 : i32 to index
          %get3A_587 = arith.constant 48 : index
          %get3A_588 = tpu.vector_load %arg12[%get3A_585, %get3A_586, %get3A_587] {strides = array<i32>} : memref<4x100x128xf32, #tpu.memory_space<vmem>>, vector<1x1x16xf32>,
          %get3A_589 = vector.shape_cast %get3A_588 : vector<1x1x16xf32> to vector<16xf32>
          %add3A_590 = arith.addf %add3A_524, %get3A_589 : vector<16xf32>
          %add3A_591 = arith.constant 0 : i32
          %add3A_592 = arith.addi %add3A_591, %scan3A_558 : i32
          %get3A_593 = arith.index_cast %scan3A_278 : i32 to index
          %get3A_594 = arith.index_cast %add3A_592 : i32 to index
          %get3A_595 = arith.constant 64 : index
          %get3A_596 = tpu.vector_load %arg12[%get3A_593, %get3A_594, %get3A_595] {strides = array<i32>} : memref<4x100x128xf32, #tpu.memory_space<vmem>>, vector<1x1x16xf32>,
          %get3A_597 = vector.shape_cast %get3A_596 : vector<1x1x16xf32> to vector<16xf32>
          %add3A_598 = arith.addf %add3A_532, %get3A_597 : vector<16xf32>
          %add3A_599 = arith.constant 0 : i32
          %add3A_600 = arith.addi %add3A_599, %scan3A_558 : i32
          %get3A_601 = arith.index_cast %scan3A_278 : i32 to index
          %get3A_602 = arith.index_cast %add3A_600 : i32 to index
          %get3A_603 = arith.constant 80 : index
          %get3A_604 = tpu.vector_load %arg12[%get3A_601, %get3A_602, %get3A_603] {strides = array<i32>} : memref<4x100x128xf32, #tpu.memory_space<vmem>>, vector<1x1x16xf32>,
          %get3A_605 = vector.shape_cast %get3A_604 : vector<1x1x16xf32> to vector<16xf32>
          %add3A_606 = arith.addf %add3A_540, %get3A_605 : vector<16xf32>
          %add3A_607 = arith.constant 0 : i32
          %add3A_608 = arith.addi %add3A_607, %scan3A_558 : i32
          %get3A_609 = arith.index_cast %scan3A_278 : i32 to index
          %get3A_610 = arith.index_cast %add3A_608 : i32 to index
          %get3A_611 = arith.constant 96 : index
          %get3A_612 = tpu.vector_load %arg12[%get3A_609, %get3A_610, %get3A_611] {strides = array<i32>} : memref<4x100x128xf32, #tpu.memory_space<vmem>>, vector<1x1x16xf32>,
          %get3A_613 = vector.shape_cast %get3A_612 : vector<1x1x16xf32> to vector<16xf32>
          %add3A_614 = arith.addf %add3A_548, %get3A_613 : vector<16xf32>
          %add3A_615 = arith.constant 0 : i32
          %add3A_616 = arith.addi %add3A_615, %scan3A_558 : i32
          %get3A_617 = arith.index_cast %scan3A_278 : i32 to index
          %get3A_618 = arith.index_cast %add3A_616 : i32 to index
          %get3A_619 = arith.constant 112 : index
          %get3A_620 = tpu.vector_load %arg12[%get3A_617, %get3A_618, %get3A_619] {strides = array<i32>} : memref<4x100x128xf32, #tpu.memory_space<vmem>>, vector<1x1x16xf32>,
          %get3A_621 = vector.shape_cast %get3A_620 : vector<1x1x16xf32> to vector<16xf32>
          %add3A_622 = arith.addf %add3A_556, %get3A_621 : vector<16xf32>
          %scan3A_623 = arith.constant 3 : i32
          %scan3A_624 = arith.addi %scan3A_418, %scan3A_623 : i32
          %add3A_625 = arith.constant 0 : i32
          %add3A_626 = arith.addi %add3A_625, %scan3A_624 : i32
          %get3A_627 = arith.index_cast %scan3A_278 : i32 to index
          %get3A_628 = arith.index_cast %add3A_626 : i32 to index
          %get3A_629 = arith.constant 0 : index
          %get3A_630 = tpu.vector_load %arg12[%get3A_627, %get3A_628, %get3A_629] {strides = array<i32>} : memref<4x100x128xf32, #tpu.memory_space<vmem>>, vector<1x1x16xf32>,
          %get3A_631 = vector.shape_cast %get3A_630 : vector<1x1x16xf32> to vector<16xf32>
          %add3A_632 = arith.addf %add3A_566, %get3A_631 : vector<16xf32>
          %add3A_633 = arith.constant 0 : i32
          %add3A_634 = arith.addi %add3A_633, %scan3A_624 : i32
          %get3A_635 = arith.index_cast %scan3A_278 : i32 to index
          %get3A_636 = arith.index_cast %add3A_634 : i32 to index
          %get3A_637 = arith.constant 16 : index
          %get3A_638 = tpu.vector_load %arg12[%get3A_635, %get3A_636, %get3A_637] {strides = array<i32>} : memref<4x100x128xf32, #tpu.memory_space<vmem>>, vector<1x1x16xf32>,
          %get3A_639 = vector.shape_cast %get3A_638 : vector<1x1x16xf32> to vector<16xf32>
          %add3A_640 = arith.addf %add3A_574, %get3A_639 : vector<16xf32>
          %add3A_641 = arith.constant 0 : i32
          %add3A_642 = arith.addi %add3A_641, %scan3A_624 : i32
          %get3A_643 = arith.index_cast %scan3A_278 : i32 to index
          %get3A_644 = arith.index_cast %add3A_642 : i32 to index
          %get3A_645 = arith.constant 32 : index
          %get3A_646 = tpu.vector_load %arg12[%get3A_643, %get3A_644, %get3A_645] {strides = array<i32>} : memref<4x100x128xf32, #tpu.memory_space<vmem>>, vector<1x1x16xf32>,
          %get3A_647 = vector.shape_cast %get3A_646 : vector<1x1x16xf32> to vector<16xf32>
          %add3A_648 = arith.addf %add3A_582, %get3A_647 : vector<16xf32>
          %add3A_649 = arith.constant 0 : i32
          %add3A_650 = arith.addi %add3A_649, %scan3A_624 : i32
          %get3A_651 = arith.index_cast %scan3A_278 : i32 to index
          %get3A_652 = arith.index_cast %add3A_650 : i32 to index
          %get3A_653 = arith.constant 48 : index
          %get3A_654 = tpu.vector_load %arg12[%get3A_651, %get3A_652, %get3A_653] {strides = array<i32>} : memref<4x100x128xf32, #tpu.memory_space<vmem>>, vector<1x1x16xf32>,
          %get3A_655 = vector.shape_cast %get3A_654 : vector<1x1x16xf32> to vector<16xf32>
          %add3A_656 = arith.addf %add3A_590, %get3A_655 : vector<16xf32>
          %add3A_657 = arith.constant 0 : i32
          %add3A_658 = arith.addi %add3A_657, %scan3A_624 : i32
          %get3A_659 = arith.index_cast %scan3A_278 : i32 to index
          %get3A_660 = arith.index_cast %add3A_658 : i32 to index
          %get3A_661 = arith.constant 64 : index
          %get3A_662 = tpu.vector_load %arg12[%get3A_659, %get3A_660, %get3A_661] {strides = array<i32>} : memref<4x100x128xf32, #tpu.memory_space<vmem>>, vector<1x1x16xf32>,
          %get3A_663 = vector.shape_cast %get3A_662 : vector<1x1x16xf32> to vector<16xf32>
          %add3A_664 = arith.addf %add3A_598, %get3A_663 : vector<16xf32>
          %add3A_665 = arith.constant 0 : i32
          %add3A_666 = arith.addi %add3A_665, %scan3A_624 : i32
          %get3A_667 = arith.index_cast %scan3A_278 : i32 to index
          %get3A_668 = arith.index_cast %add3A_666 : i32 to index
          %get3A_669 = arith.constant 80 : index
          %get3A_670 = tpu.vector_load %arg12[%get3A_667, %get3A_668, %get3A_669] {strides = array<i32>} : memref<4x100x128xf32, #tpu.memory_space<vmem>>, vector<1x1x16xf32>,
          %get3A_671 = vector.shape_cast %get3A_670 : vector<1x1x16xf32> to vector<16xf32>
          %add3A_672 = arith.addf %add3A_606, %get3A_671 : vector<16xf32>
          %add3A_673 = arith.constant 0 : i32
          %add3A_674 = arith.addi %add3A_673, %scan3A_624 : i32
          %get3A_675 = arith.index_cast %scan3A_278 : i32 to index
          %get3A_676 = arith.index_cast %add3A_674 : i32 to index
          %get3A_677 = arith.constant 96 : index
          %get3A_678 = tpu.vector_load %arg12[%get3A_675, %get3A_676, %get3A_677] {strides = array<i32>} : memref<4x100x128xf32, #tpu.memory_space<vmem>>, vector<1x1x16xf32>,
          %get3A_679 = vector.shape_cast %get3A_678 : vector<1x1x16xf32> to vector<16xf32>
          %add3A_680 = arith.addf %add3A_614, %get3A_679 : vector<16xf32>
          %add3A_681 = arith.constant 0 : i32
          %add3A_682 = arith.addi %add3A_681, %scan3A_624 : i32
          %get3A_683 = arith.index_cast %scan3A_278 : i32 to index
          %get3A_684 = arith.index_cast %add3A_682 : i32 to index
          %get3A_685 = arith.constant 112 : index
          %get3A_686 = tpu.vector_load %arg12[%get3A_683, %get3A_684, %get3A_685] {strides = array<i32>} : memref<4x100x128xf32, #tpu.memory_space<vmem>>, vector<1x1x16xf32>,
          %get3A_687 = vector.shape_cast %get3A_686 : vector<1x1x16xf32> to vector<16xf32>
          %add3A_688 = arith.addf %add3A_622, %get3A_687 : vector<16xf32>
          %scan3A_689 = arith.constant 4 : i32
          %scan3A_690 = arith.addi %scan3A_418, %scan3A_689 : i32
          %add3A_691 = arith.constant 0 : i32
          %add3A_692 = arith.addi %add3A_691, %scan3A_690 : i32
          %get3A_693 = arith.index_cast %scan3A_278 : i32 to index
          %get3A_694 = arith.index_cast %add3A_692 : i32 to index
          %get3A_695 = arith.constant 0 : index
          %get3A_696 = tpu.vector_load %arg12[%get3A_693, %get3A_694, %get3A_695] {strides = array<i32>} : memref<4x100x128xf32, #tpu.memory_space<vmem>>, vector<1x1x16xf32>,
          %get3A_697 = vector.shape_cast %get3A_696 : vector<1x1x16xf32> to vector<16xf32>
          %add3A_698 = arith.addf %add3A_632, %get3A_697 : vector<16xf32>
          %add3A_699 = arith.constant 0 : i32
          %add3A_700 = arith.addi %add3A_699, %scan3A_690 : i32
          %get3A_701 = arith.index_cast %scan3A_278 : i32 to index
          %get3A_702 = arith.index_cast %add3A_700 : i32 to index
          %get3A_703 = arith.constant 16 : index
          %get3A_704 = tpu.vector_load %arg12[%get3A_701, %get3A_702, %get3A_703] {strides = array<i32>} : memref<4x100x128xf32, #tpu.memory_space<vmem>>, vector<1x1x16xf32>,
          %get3A_705 = vector.shape_cast %get3A_704 : vector<1x1x16xf32> to vector<16xf32>
          %add3A_706 = arith.addf %add3A_640, %get3A_705 : vector<16xf32>
          %add3A_707 = arith.constant 0 : i32
          %add3A_708 = arith.addi %add3A_707, %scan3A_690 : i32
          %get3A_709 = arith.index_cast %scan3A_278 : i32 to index
          %get3A_710 = arith.index_cast %add3A_708 : i32 to index
          %get3A_711 = arith.constant 32 : index
          %get3A_712 = tpu.vector_load %arg12[%get3A_709, %get3A_710, %get3A_711] {strides = array<i32>} : memref<4x100x128xf32, #tpu.memory_space<vmem>>, vector<1x1x16xf32>,
          %get3A_713 = vector.shape_cast %get3A_712 : vector<1x1x16xf32> to vector<16xf32>
          %add3A_714 = arith.addf %add3A_648, %get3A_713 : vector<16xf32>
          %add3A_715 = arith.constant 0 : i32
          %add3A_716 = arith.addi %add3A_715, %scan3A_690 : i32
          %get3A_717 = arith.index_cast %scan3A_278 : i32 to index
          %get3A_718 = arith.index_cast %add3A_716 : i32 to index
          %get3A_719 = arith.constant 48 : index
          %get3A_720 = tpu.vector_load %arg12[%get3A_717, %get3A_718, %get3A_719] {strides = array<i32>} : memref<4x100x128xf32, #tpu.memory_space<vmem>>, vector<1x1x16xf32>,
          %get3A_721 = vector.shape_cast %get3A_720 : vector<1x1x16xf32> to vector<16xf32>
          %add3A_722 = arith.addf %add3A_656, %get3A_721 : vector<16xf32>
          %add3A_723 = arith.constant 0 : i32
          %add3A_724 = arith.addi %add3A_723, %scan3A_690 : i32
          %get3A_725 = arith.index_cast %scan3A_278 : i32 to index
          %get3A_726 = arith.index_cast %add3A_724 : i32 to index
          %get3A_727 = arith.constant 64 : index
          %get3A_728 = tpu.vector_load %arg12[%get3A_725, %get3A_726, %get3A_727] {strides = array<i32>} : memref<4x100x128xf32, #tpu.memory_space<vmem>>, vector<1x1x16xf32>,
          %get3A_729 = vector.shape_cast %get3A_728 : vector<1x1x16xf32> to vector<16xf32>
          %add3A_730 = arith.addf %add3A_664, %get3A_729 : vector<16xf32>
          %add3A_731 = arith.constant 0 : i32
          %add3A_732 = arith.addi %add3A_731, %scan3A_690 : i32
          %get3A_733 = arith.index_cast %scan3A_278 : i32 to index
          %get3A_734 = arith.index_cast %add3A_732 : i32 to index
          %get3A_735 = arith.constant 80 : index
          %get3A_736 = tpu.vector_load %arg12[%get3A_733, %get3A_734, %get3A_735] {strides = array<i32>} : memref<4x100x128xf32, #tpu.memory_space<vmem>>, vector<1x1x16xf32>,
          %get3A_737 = vector.shape_cast %get3A_736 : vector<1x1x16xf32> to vector<16xf32>
          %add3A_738 = arith.addf %add3A_672, %get3A_737 : vector<16xf32>
          %add3A_739 = arith.constant 0 : i32
          %add3A_740 = arith.addi %add3A_739, %scan3A_690 : i32
          %get3A_741 = arith.index_cast %scan3A_278 : i32 to index
          %get3A_742 = arith.index_cast %add3A_740 : i32 to index
          %get3A_743 = arith.constant 96 : index
          %get3A_744 = tpu.vector_load %arg12[%get3A_741, %get3A_742, %get3A_743] {strides = array<i32>} : memref<4x100x128xf32, #tpu.memory_space<vmem>>, vector<1x1x16xf32>,
          %get3A_745 = vector.shape_cast %get3A_744 : vector<1x1x16xf32> to vector<16xf32>
          %add3A_746 = arith.addf %add3A_680, %get3A_745 : vector<16xf32>
          %add3A_747 = arith.constant 0 : i32
          %add3A_748 = arith.addi %add3A_747, %scan3A_690 : i32
          %get3A_749 = arith.index_cast %scan3A_278 : i32 to index
          %get3A_750 = arith.index_cast %add3A_748 : i32 to index
          %get3A_751 = arith.constant 112 : index
          %get3A_752 = tpu.vector_load %arg12[%get3A_749, %get3A_750, %get3A_751] {strides = array<i32>} : memref<4x100x128xf32, #tpu.memory_space<vmem>>, vector<1x1x16xf32>,
          %get3A_753 = vector.shape_cast %get3A_752 : vector<1x1x16xf32> to vector<16xf32>
          %add3A_754 = arith.addf %add3A_688, %get3A_753 : vector<16xf32>
          scf.yield %add3A_698, %add3A_706, %add3A_714, %add3A_722, %add3A_730, %add3A_738, %add3A_746, %add3A_754 : vector<16xf32>, vector<16xf32>, vector<16xf32>, vector<16xf32>, vector<16xf32>, vector<16xf32>, vector<16xf32>, vector<16xf32>
        }
        %scan3A_299 = arith.constant 50 : i32
        %mul3A_300 = arith.constant 2 : i32
        %mul3A_301 = arith.muli %scan3A_278, %mul3A_300 : i32
        %add3A_302 = arith.constant 0 : i32
        %add3A_303 = arith.addi %mul3A_301, %add3A_302 : i32
        %get3A = arith.index_cast %add3A_303 : i32 to index
        %get3A_304 = arith.constant 0 : index
        %get3A_305 = tpu.vector_load %arg10[%get3A, %get3A_304] {strides = array<i32>} : memref<8x16xf32, #tpu.memory_space<vmem>>, vector<1x16xf32>,
        %get3A_306 = vector.shape_cast %get3A_305 : vector<1x16xf32> to vector<16xf32>
        %add3A_307 = arith.addf %scan3A_298#7, %get3A_306 : vector<16xf32>
        %swap3A = arith.index_cast %add3A_303 : i32 to index
        %swap3A_308 = arith.constant 0 : index
        %swap3A_309 = tpu.vector_load %arg14[%swap3A, %swap3A_308] {strides = array<i32>} : memref<8x128xf32, #tpu.memory_space<vmem>>, vector<1x16xf32>,
        %swap3A_310 = vector.shape_cast %swap3A_309 : vector<1x16xf32> to vector<16xf32>
        %swap3A_311 = vector.shape_cast %scan3A_298#0 : vector<16xf32> to vector<1x16xf32>
        tpu.vector_store %arg14[%swap3A, %swap3A_308], %swap3A_311 {strides = array<i32>} : memref<8x128xf32, #tpu.memory_space<vmem>>, vector<1x16xf32>,
        %swap3A_312 = arith.index_cast %add3A_303 : i32 to index
        %swap3A_313 = arith.constant 16 : index
        %swap3A_314 = tpu.vector_load %arg14[%swap3A_312, %swap3A_313] {strides = array<i32>} : memref<8x128xf32, #tpu.memory_space<vmem>>, vector<1x16xf32>,
        %swap3A_315 = vector.shape_cast %swap3A_314 : vector<1x16xf32> to vector<16xf32>
        %swap3A_316 = vector.shape_cast %scan3A_298#1 : vector<16xf32> to vector<1x16xf32>
        tpu.vector_store %arg14[%swap3A_312, %swap3A_313], %swap3A_316 {strides = array<i32>} : memref<8x128xf32, #tpu.memory_space<vmem>>, vector<1x16xf32>,
        %swap3A_317 = arith.index_cast %add3A_303 : i32 to index
        %swap3A_318 = arith.constant 32 : index
        %swap3A_319 = tpu.vector_load %arg14[%swap3A_317, %swap3A_318] {strides = array<i32>} : memref<8x128xf32, #tpu.memory_space<vmem>>, vector<1x16xf32>,
        %swap3A_320 = vector.shape_cast %swap3A_319 : vector<1x16xf32> to vector<16xf32>
        %swap3A_321 = vector.shape_cast %scan3A_298#2 : vector<16xf32> to vector<1x16xf32>
        tpu.vector_store %arg14[%swap3A_317, %swap3A_318], %swap3A_321 {strides = array<i32>} : memref<8x128xf32, #tpu.memory_space<vmem>>, vector<1x16xf32>,
        %swap3A_322 = arith.index_cast %add3A_303 : i32 to index
        %swap3A_323 = arith.constant 48 : index
        %swap3A_324 = tpu.vector_load %arg14[%swap3A_322, %swap3A_323] {strides = array<i32>} : memref<8x128xf32, #tpu.memory_space<vmem>>, vector<1x16xf32>,
        %swap3A_325 = vector.shape_cast %swap3A_324 : vector<1x16xf32> to vector<16xf32>
        %swap3A_326 = vector.shape_cast %scan3A_298#3 : vector<16xf32> to vector<1x16xf32>
        tpu.vector_store %arg14[%swap3A_322, %swap3A_323], %swap3A_326 {strides = array<i32>} : memref<8x128xf32, #tpu.memory_space<vmem>>, vector<1x16xf32>,
        %swap3A_327 = arith.index_cast %add3A_303 : i32 to index
        %swap3A_328 = arith.constant 64 : index
        %swap3A_329 = tpu.vector_load %arg14[%swap3A_327, %swap3A_328] {strides = array<i32>} : memref<8x128xf32, #tpu.memory_space<vmem>>, vector<1x16xf32>,
        %swap3A_330 = vector.shape_cast %swap3A_329 : vector<1x16xf32> to vector<16xf32>
        %swap3A_331 = vector.shape_cast %scan3A_298#4 : vector<16xf32> to vector<1x16xf32>
        tpu.vector_store %arg14[%swap3A_327, %swap3A_328], %swap3A_331 {strides = array<i32>} : memref<8x128xf32, #tpu.memory_space<vmem>>, vector<1x16xf32>,
        %swap3A_332 = arith.index_cast %add3A_303 : i32 to index
        %swap3A_333 = arith.constant 80 : index
        %swap3A_334 = tpu.vector_load %arg14[%swap3A_332, %swap3A_333] {strides = array<i32>} : memref<8x128xf32, #tpu.memory_space<vmem>>, vector<1x16xf32>,
        %swap3A_335 = vector.shape_cast %swap3A_334 : vector<1x16xf32> to vector<16xf32>
        %swap3A_336 = vector.shape_cast %scan3A_298#5 : vector<16xf32> to vector<1x16xf32>
        tpu.vector_store %arg14[%swap3A_332, %swap3A_333], %swap3A_336 {strides = array<i32>} : memref<8x128xf32, #tpu.memory_space<vmem>>, vector<1x16xf32>,
        %swap3A_337 = arith.index_cast %add3A_303 : i32 to index
        %swap3A_338 = arith.constant 96 : index
        %swap3A_339 = tpu.vector_load %arg14[%swap3A_337, %swap3A_338] {strides = array<i32>} : memref<8x128xf32, #tpu.memory_space<vmem>>, vector<1x16xf32>,
        %swap3A_340 = vector.shape_cast %swap3A_339 : vector<1x16xf32> to vector<16xf32>
        %swap3A_341 = vector.shape_cast %scan3A_298#6 : vector<16xf32> to vector<1x16xf32>
        tpu.vector_store %arg14[%swap3A_337, %swap3A_338], %swap3A_341 {strides = array<i32>} : memref<8x128xf32, #tpu.memory_space<vmem>>, vector<1x16xf32>,
        %swap3A_342 = arith.index_cast %add3A_303 : i32 to index
        %swap3A_343 = arith.constant 112 : index
        %swap3A_344 = tpu.vector_load %arg14[%swap3A_342, %swap3A_343] {strides = array<i32>} : memref<8x128xf32, #tpu.memory_space<vmem>>, vector<1x16xf32>,
        %swap3A_345 = vector.shape_cast %swap3A_344 : vector<1x16xf32> to vector<16xf32>
        %swap3A_346 = vector.shape_cast %add3A_307 : vector<16xf32> to vector<1x16xf32>
        tpu.vector_store %arg14[%swap3A_342, %swap3A_343], %swap3A_346 {strides = array<i32>} : memref<8x128xf32, #tpu.memory_space<vmem>>, vector<1x16xf32>,
        %broadcast_in_dim3A_347 = arith.constant 0.000000e+00 : f32
        %broadcast_in_dim3A_348 = vector.broadcast %broadcast_in_dim3A_347 : f32 to vector<16xf32>
        %broadcast_in_dim3A_349 = arith.constant 0.000000e+00 : f32
        %broadcast_in_dim3A_350 = vector.broadcast %broadcast_in_dim3A_349 : f32 to vector<16xf32>
        %broadcast_in_dim3A_351 = arith.constant 0.000000e+00 : f32
        %broadcast_in_dim3A_352 = vector.broadcast %broadcast_in_dim3A_351 : f32 to vector<16xf32>
        %broadcast_in_dim3A_353 = arith.constant 0.000000e+00 : f32
        %broadcast_in_dim3A_354 = vector.broadcast %broadcast_in_dim3A_353 : f32 to vector<16xf32>
        %broadcast_in_dim3A_355 = arith.constant 0.000000e+00 : f32
        %broadcast_in_dim3A_356 = vector.broadcast %broadcast_in_dim3A_355 : f32 to vector<16xf32>
        %broadcast_in_dim3A_357 = arith.constant 0.000000e+00 : f32
        %broadcast_in_dim3A_358 = vector.broadcast %broadcast_in_dim3A_357 : f32 to vector<16xf32>
        %broadcast_in_dim3A_359 = arith.constant 0.000000e+00 : f32
        %broadcast_in_dim3A_360 = vector.broadcast %broadcast_in_dim3A_359 : f32 to vector<16xf32>
        %broadcast_in_dim3A_361 = arith.constant 0.000000e+00 : f32
        %broadcast_in_dim3A_362 = vector.broadcast %broadcast_in_dim3A_361 : f32 to vector<16xf32>
        %scan3A_363 = arith.constant 0 : i32
        %scan3A_364 = arith.constant 50 : i32
        %scan3A_365 = arith.addi %scan3A_363, %scan3A_364 : i32
        %scan3A_366 = arith.constant 5 : i32
        %scan3A_367:8 = scf.for %scan3A_418 = %scan3A_363 to %scan3A_365 step %scan3A_366 iter_args(%scan3A_419 = %broadcast_in_dim3A_348, %scan3A_420 = %broadcast_in_dim3A_350, %scan3A_421 = %broadcast_in_dim3A_352, %scan3A_422 = %broadcast_in_dim3A_354, %scan3A_423 = %broadcast_in_dim3A_356, %scan3A_424 = %broadcast_in_dim3A_358, %scan3A_425 = %broadcast_in_dim3A_360, %scan3A_426 = %broadcast_in_dim3A_362) -> (vector<16xf32>, vector<16xf32>, vector<16xf32>, vector<16xf32>, vector<16xf32>, vector<16xf32>, vector<16xf32>, vector<16xf32>)  : i32 {
          %add3A_427 = arith.constant 50 : i32
          %add3A_428 = arith.addi %add3A_427, %scan3A_418 : i32
          %get3A_429 = arith.index_cast %scan3A_278 : i32 to index
          %get3A_430 = arith.index_cast %add3A_428 : i32 to index
          %get3A_431 = arith.constant 0 : index
          %get3A_432 = tpu.vector_load %arg12[%get3A_429, %get3A_430, %get3A_431] {strides = array<i32>} : memref<4x100x128xf32, #tpu.memory_space<vmem>>, vector<1x1x16xf32>,
          %get3A_433 = vector.shape_cast %get3A_432 : vector<1x1x16xf32> to vector<16xf32>
          %add3A_434 = arith.addf %scan3A_419, %get3A_433 : vector<16xf32>
          %add3A_435 = arith.constant 50 : i32
          %add3A_436 = arith.addi %add3A_435, %scan3A_418 : i32
          %get3A_437 = arith.index_cast %scan3A_278 : i32 to index
          %get3A_438 = arith.index_cast %add3A_436 : i32 to index
          %get3A_439 = arith.constant 16 : index
          %get3A_440 = tpu.vector_load %arg12[%get3A_437, %get3A_438, %get3A_439] {strides = array<i32>} : memref<4x100x128xf32, #tpu.memory_space<vmem>>, vector<1x1x16xf32>,
          %get3A_441 = vector.shape_cast %get3A_440 : vector<1x1x16xf32> to vector<16xf32>
          %add3A_442 = arith.addf %scan3A_420, %get3A_441 : vector<16xf32>
          %add3A_443 = arith.constant 50 : i32
          %add3A_444 = arith.addi %add3A_443, %scan3A_418 : i32
          %get3A_445 = arith.index_cast %scan3A_278 : i32 to index
          %get3A_446 = arith.index_cast %add3A_444 : i32 to index
          %get3A_447 = arith.constant 32 : index
          %get3A_448 = tpu.vector_load %arg12[%get3A_445, %get3A_446, %get3A_447] {strides = array<i32>} : memref<4x100x128xf32, #tpu.memory_space<vmem>>, vector<1x1x16xf32>,
          %get3A_449 = vector.shape_cast %get3A_448 : vector<1x1x16xf32> to vector<16xf32>
          %add3A_450 = arith.addf %scan3A_421, %get3A_449 : vector<16xf32>
          %add3A_451 = arith.constant 50 : i32
          %add3A_452 = arith.addi %add3A_451, %scan3A_418 : i32
          %get3A_453 = arith.index_cast %scan3A_278 : i32 to index
          %get3A_454 = arith.index_cast %add3A_452 : i32 to index
          %get3A_455 = arith.constant 48 : index
          %get3A_456 = tpu.vector_load %arg12[%get3A_453, %get3A_454, %get3A_455] {strides = array<i32>} : memref<4x100x128xf32, #tpu.memory_space<vmem>>, vector<1x1x16xf32>,
          %get3A_457 = vector.shape_cast %get3A_456 : vector<1x1x16xf32> to vector<16xf32>
          %add3A_458 = arith.addf %scan3A_422, %get3A_457 : vector<16xf32>
          %add3A_459 = arith.constant 50 : i32
          %add3A_460 = arith.addi %add3A_459, %scan3A_418 : i32
          %get3A_461 = arith.index_cast %scan3A_278 : i32 to index
          %get3A_462 = arith.index_cast %add3A_460 : i32 to index
          %get3A_463 = arith.constant 64 : index
          %get3A_464 = tpu.vector_load %arg12[%get3A_461, %get3A_462, %get3A_463] {strides = array<i32>} : memref<4x100x128xf32, #tpu.memory_space<vmem>>, vector<1x1x16xf32>,
          %get3A_465 = vector.shape_cast %get3A_464 : vector<1x1x16xf32> to vector<16xf32>
          %add3A_466 = arith.addf %scan3A_423, %get3A_465 : vector<16xf32>
          %add3A_467 = arith.constant 50 : i32
          %add3A_468 = arith.addi %add3A_467, %scan3A_418 : i32
          %get3A_469 = arith.index_cast %scan3A_278 : i32 to index
          %get3A_470 = arith.index_cast %add3A_468 : i32 to index
          %get3A_471 = arith.constant 80 : index
          %get3A_472 = tpu.vector_load %arg12[%get3A_469, %get3A_470, %get3A_471] {strides = array<i32>} : memref<4x100x128xf32, #tpu.memory_space<vmem>>, vector<1x1x16xf32>,
          %get3A_473 = vector.shape_cast %get3A_472 : vector<1x1x16xf32> to vector<16xf32>
          %add3A_474 = arith.addf %scan3A_424, %get3A_473 : vector<16xf32>
          %add3A_475 = arith.constant 50 : i32
          %add3A_476 = arith.addi %add3A_475, %scan3A_418 : i32
          %get3A_477 = arith.index_cast %scan3A_278 : i32 to index
          %get3A_478 = arith.index_cast %add3A_476 : i32 to index
          %get3A_479 = arith.constant 96 : index
          %get3A_480 = tpu.vector_load %arg12[%get3A_477, %get3A_478, %get3A_479] {strides = array<i32>} : memref<4x100x128xf32, #tpu.memory_space<vmem>>, vector<1x1x16xf32>,
          %get3A_481 = vector.shape_cast %get3A_480 : vector<1x1x16xf32> to vector<16xf32>
          %add3A_482 = arith.addf %scan3A_425, %get3A_481 : vector<16xf32>
          %add3A_483 = arith.constant 50 : i32
          %add3A_484 = arith.addi %add3A_483, %scan3A_418 : i32
          %get3A_485 = arith.index_cast %scan3A_278 : i32 to index
          %get3A_486 = arith.index_cast %add3A_484 : i32 to index
          %get3A_487 = arith.constant 112 : index
          %get3A_488 = tpu.vector_load %arg12[%get3A_485, %get3A_486, %get3A_487] {strides = array<i32>} : memref<4x100x128xf32, #tpu.memory_space<vmem>>, vector<1x1x16xf32>,
          %get3A_489 = vector.shape_cast %get3A_488 : vector<1x1x16xf32> to vector<16xf32>
          %add3A_490 = arith.addf %scan3A_426, %get3A_489 : vector<16xf32>
          %scan3A_491 = arith.constant 1 : i32
          %scan3A_492 = arith.addi %scan3A_418, %scan3A_491 : i32
          %add3A_493 = arith.constant 50 : i32
          %add3A_494 = arith.addi %add3A_493, %scan3A_492 : i32
          %get3A_495 = arith.index_cast %scan3A_278 : i32 to index
          %get3A_496 = arith.index_cast %add3A_494 : i32 to index
          %get3A_497 = arith.constant 0 : index
          %get3A_498 = tpu.vector_load %arg12[%get3A_495, %get3A_496, %get3A_497] {strides = array<i32>} : memref<4x100x128xf32, #tpu.memory_space<vmem>>, vector<1x1x16xf32>,
          %get3A_499 = vector.shape_cast %get3A_498 : vector<1x1x16xf32> to vector<16xf32>
          %add3A_500 = arith.addf %add3A_434, %get3A_499 : vector<16xf32>
          %add3A_501 = arith.constant 50 : i32
          %add3A_502 = arith.addi %add3A_501, %scan3A_492 : i32
          %get3A_503 = arith.index_cast %scan3A_278 : i32 to index
          %get3A_504 = arith.index_cast %add3A_502 : i32 to index
          %get3A_505 = arith.constant 16 : index
          %get3A_506 = tpu.vector_load %arg12[%get3A_503, %get3A_504, %get3A_505] {strides = array<i32>} : memref<4x100x128xf32, #tpu.memory_space<vmem>>, vector<1x1x16xf32>,
          %get3A_507 = vector.shape_cast %get3A_506 : vector<1x1x16xf32> to vector<16xf32>
          %add3A_508 = arith.addf %add3A_442, %get3A_507 : vector<16xf32>
          %add3A_509 = arith.constant 50 : i32
          %add3A_510 = arith.addi %add3A_509, %scan3A_492 : i32
          %get3A_511 = arith.index_cast %scan3A_278 : i32 to index
          %get3A_512 = arith.index_cast %add3A_510 : i32 to index
          %get3A_513 = arith.constant 32 : index
          %get3A_514 = tpu.vector_load %arg12[%get3A_511, %get3A_512, %get3A_513] {strides = array<i32>} : memref<4x100x128xf32, #tpu.memory_space<vmem>>, vector<1x1x16xf32>,
          %get3A_515 = vector.shape_cast %get3A_514 : vector<1x1x16xf32> to vector<16xf32>
          %add3A_516 = arith.addf %add3A_450, %get3A_515 : vector<16xf32>
          %add3A_517 = arith.constant 50 : i32
          %add3A_518 = arith.addi %add3A_517, %scan3A_492 : i32
          %get3A_519 = arith.index_cast %scan3A_278 : i32 to index
          %get3A_520 = arith.index_cast %add3A_518 : i32 to index
          %get3A_521 = arith.constant 48 : index
          %get3A_522 = tpu.vector_load %arg12[%get3A_519, %get3A_520, %get3A_521] {strides = array<i32>} : memref<4x100x128xf32, #tpu.memory_space<vmem>>, vector<1x1x16xf32>,
          %get3A_523 = vector.shape_cast %get3A_522 : vector<1x1x16xf32> to vector<16xf32>
          %add3A_524 = arith.addf %add3A_458, %get3A_523 : vector<16xf32>
          %add3A_525 = arith.constant 50 : i32
          %add3A_526 = arith.addi %add3A_525, %scan3A_492 : i32
          %get3A_527 = arith.index_cast %scan3A_278 : i32 to index
          %get3A_528 = arith.index_cast %add3A_526 : i32 to index
          %get3A_529 = arith.constant 64 : index
          %get3A_530 = tpu.vector_load %arg12[%get3A_527, %get3A_528, %get3A_529] {strides = array<i32>} : memref<4x100x128xf32, #tpu.memory_space<vmem>>, vector<1x1x16xf32>,
          %get3A_531 = vector.shape_cast %get3A_530 : vector<1x1x16xf32> to vector<16xf32>
          %add3A_532 = arith.addf %add3A_466, %get3A_531 : vector<16xf32>
          %add3A_533 = arith.constant 50 : i32
          %add3A_534 = arith.addi %add3A_533, %scan3A_492 : i32
          %get3A_535 = arith.index_cast %scan3A_278 : i32 to index
          %get3A_536 = arith.index_cast %add3A_534 : i32 to index
          %get3A_537 = arith.constant 80 : index
          %get3A_538 = tpu.vector_load %arg12[%get3A_535, %get3A_536, %get3A_537] {strides = array<i32>} : memref<4x100x128xf32, #tpu.memory_space<vmem>>, vector<1x1x16xf32>,
          %get3A_539 = vector.shape_cast %get3A_538 : vector<1x1x16xf32> to vector<16xf32>
          %add3A_540 = arith.addf %add3A_474, %get3A_539 : vector<16xf32>
          %add3A_541 = arith.constant 50 : i32
          %add3A_542 = arith.addi %add3A_541, %scan3A_492 : i32
          %get3A_543 = arith.index_cast %scan3A_278 : i32 to index
          %get3A_544 = arith.index_cast %add3A_542 : i32 to index
          %get3A_545 = arith.constant 96 : index
          %get3A_546 = tpu.vector_load %arg12[%get3A_543, %get3A_544, %get3A_545] {strides = array<i32>} : memref<4x100x128xf32, #tpu.memory_space<vmem>>, vector<1x1x16xf32>,
          %get3A_547 = vector.shape_cast %get3A_546 : vector<1x1x16xf32> to vector<16xf32>
          %add3A_548 = arith.addf %add3A_482, %get3A_547 : vector<16xf32>
          %add3A_549 = arith.constant 50 : i32
          %add3A_550 = arith.addi %add3A_549, %scan3A_492 : i32
          %get3A_551 = arith.index_cast %scan3A_278 : i32 to index
          %get3A_552 = arith.index_cast %add3A_550 : i32 to index
          %get3A_553 = arith.constant 112 : index
          %get3A_554 = tpu.vector_load %arg12[%get3A_551, %get3A_552, %get3A_553] {strides = array<i32>} : memref<4x100x128xf32, #tpu.memory_space<vmem>>, vector<1x1x16xf32>,
          %get3A_555 = vector.shape_cast %get3A_554 : vector<1x1x16xf32> to vector<16xf32>
          %add3A_556 = arith.addf %add3A_490, %get3A_555 : vector<16xf32>
          %scan3A_557 = arith.constant 2 : i32
          %scan3A_558 = arith.addi %scan3A_418, %scan3A_557 : i32
          %add3A_559 = arith.constant 50 : i32
          %add3A_560 = arith.addi %add3A_559, %scan3A_558 : i32
          %get3A_561 = arith.index_cast %scan3A_278 : i32 to index
          %get3A_562 = arith.index_cast %add3A_560 : i32 to index
          %get3A_563 = arith.constant 0 : index
          %get3A_564 = tpu.vector_load %arg12[%get3A_561, %get3A_562, %get3A_563] {strides = array<i32>} : memref<4x100x128xf32, #tpu.memory_space<vmem>>, vector<1x1x16xf32>,
          %get3A_565 = vector.shape_cast %get3A_564 : vector<1x1x16xf32> to vector<16xf32>
          %add3A_566 = arith.addf %add3A_500, %get3A_565 : vector<16xf32>
          %add3A_567 = arith.constant 50 : i32
          %add3A_568 = arith.addi %add3A_567, %scan3A_558 : i32
          %get3A_569 = arith.index_cast %scan3A_278 : i32 to index
          %get3A_570 = arith.index_cast %add3A_568 : i32 to index
          %get3A_571 = arith.constant 16 : index
          %get3A_572 = tpu.vector_load %arg12[%get3A_569, %get3A_570, %get3A_571] {strides = array<i32>} : memref<4x100x128xf32, #tpu.memory_space<vmem>>, vector<1x1x16xf32>,
          %get3A_573 = vector.shape_cast %get3A_572 : vector<1x1x16xf32> to vector<16xf32>
          %add3A_574 = arith.addf %add3A_508, %get3A_573 : vector<16xf32>
          %add3A_575 = arith.constant 50 : i32
          %add3A_576 = arith.addi %add3A_575, %scan3A_558 : i32
          %get3A_577 = arith.index_cast %scan3A_278 : i32 to index
          %get3A_578 = arith.index_cast %add3A_576 : i32 to index
          %get3A_579 = arith.constant 32 : index
          %get3A_580 = tpu.vector_load %arg12[%get3A_577, %get3A_578, %get3A_579] {strides = array<i32>} : memref<4x100x128xf32, #tpu.memory_space<vmem>>, vector<1x1x16xf32>,
          %get3A_581 = vector.shape_cast %get3A_580 : vector<1x1x16xf32> to vector<16xf32>
          %add3A_582 = arith.addf %add3A_516, %get3A_581 : vector<16xf32>
          %add3A_583 = arith.constant 50 : i32
          %add3A_584 = arith.addi %add3A_583, %scan3A_558 : i32
          %get3A_585 = arith.index_cast %scan3A_278 : i32 to index
          %get3A_586 = arith.index_cast %add3A_584 : i32 to index
          %get3A_587 = arith.constant 48 : index
          %get3A_588 = tpu.vector_load %arg12[%get3A_585, %get3A_586, %get3A_587] {strides = array<i32>} : memref<4x100x128xf32, #tpu.memory_space<vmem>>, vector<1x1x16xf32>,
          %get3A_589 = vector.shape_cast %get3A_588 : vector<1x1x16xf32> to vector<16xf32>
          %add3A_590 = arith.addf %add3A_524, %get3A_589 : vector<16xf32>
          %add3A_591 = arith.constant 50 : i32
          %add3A_592 = arith.addi %add3A_591, %scan3A_558 : i32
          %get3A_593 = arith.index_cast %scan3A_278 : i32 to index
          %get3A_594 = arith.index_cast %add3A_592 : i32 to index
          %get3A_595 = arith.constant 64 : index
          %get3A_596 = tpu.vector_load %arg12[%get3A_593, %get3A_594, %get3A_595] {strides = array<i32>} : memref<4x100x128xf32, #tpu.memory_space<vmem>>, vector<1x1x16xf32>,
          %get3A_597 = vector.shape_cast %get3A_596 : vector<1x1x16xf32> to vector<16xf32>
          %add3A_598 = arith.addf %add3A_532, %get3A_597 : vector<16xf32>
          %add3A_599 = arith.constant 50 : i32
          %add3A_600 = arith.addi %add3A_599, %scan3A_558 : i32
          %get3A_601 = arith.index_cast %scan3A_278 : i32 to index
          %get3A_602 = arith.index_cast %add3A_600 : i32 to index
          %get3A_603 = arith.constant 80 : index
          %get3A_604 = tpu.vector_load %arg12[%get3A_601, %get3A_602, %get3A_603] {strides = array<i32>} : memref<4x100x128xf32, #tpu.memory_space<vmem>>, vector<1x1x16xf32>,
          %get3A_605 = vector.shape_cast %get3A_604 : vector<1x1x16xf32> to vector<16xf32>
          %add3A_606 = arith.addf %add3A_540, %get3A_605 : vector<16xf32>
          %add3A_607 = arith.constant 50 : i32
          %add3A_608 = arith.addi %add3A_607, %scan3A_558 : i32
          %get3A_609 = arith.index_cast %scan3A_278 : i32 to index
          %get3A_610 = arith.index_cast %add3A_608 : i32 to index
          %get3A_611 = arith.constant 96 : index
          %get3A_612 = tpu.vector_load %arg12[%get3A_609, %get3A_610, %get3A_611] {strides = array<i32>} : memref<4x100x128xf32, #tpu.memory_space<vmem>>, vector<1x1x16xf32>,
          %get3A_613 = vector.shape_cast %get3A_612 : vector<1x1x16xf32> to vector<16xf32>
          %add3A_614 = arith.addf %add3A_548, %get3A_613 : vector<16xf32>
          %add3A_615 = arith.constant 50 : i32
          %add3A_616 = arith.addi %add3A_615, %scan3A_558 : i32
          %get3A_617 = arith.index_cast %scan3A_278 : i32 to index
          %get3A_618 = arith.index_cast %add3A_616 : i32 to index
          %get3A_619 = arith.constant 112 : index
          %get3A_620 = tpu.vector_load %arg12[%get3A_617, %get3A_618, %get3A_619] {strides = array<i32>} : memref<4x100x128xf32, #tpu.memory_space<vmem>>, vector<1x1x16xf32>,
          %get3A_621 = vector.shape_cast %get3A_620 : vector<1x1x16xf32> to vector<16xf32>
          %add3A_622 = arith.addf %add3A_556, %get3A_621 : vector<16xf32>
          %scan3A_623 = arith.constant 3 : i32
          %scan3A_624 = arith.addi %scan3A_418, %scan3A_623 : i32
          %add3A_625 = arith.constant 50 : i32
          %add3A_626 = arith.addi %add3A_625, %scan3A_624 : i32
          %get3A_627 = arith.index_cast %scan3A_278 : i32 to index
          %get3A_628 = arith.index_cast %add3A_626 : i32 to index
          %get3A_629 = arith.constant 0 : index
          %get3A_630 = tpu.vector_load %arg12[%get3A_627, %get3A_628, %get3A_629] {strides = array<i32>} : memref<4x100x128xf32, #tpu.memory_space<vmem>>, vector<1x1x16xf32>,
          %get3A_631 = vector.shape_cast %get3A_630 : vector<1x1x16xf32> to vector<16xf32>
          %add3A_632 = arith.addf %add3A_566, %get3A_631 : vector<16xf32>
          %add3A_633 = arith.constant 50 : i32
          %add3A_634 = arith.addi %add3A_633, %scan3A_624 : i32
          %get3A_635 = arith.index_cast %scan3A_278 : i32 to index
          %get3A_636 = arith.index_cast %add3A_634 : i32 to index
          %get3A_637 = arith.constant 16 : index
          %get3A_638 = tpu.vector_load %arg12[%get3A_635, %get3A_636, %get3A_637] {strides = array<i32>} : memref<4x100x128xf32, #tpu.memory_space<vmem>>, vector<1x1x16xf32>,
          %get3A_639 = vector.shape_cast %get3A_638 : vector<1x1x16xf32> to vector<16xf32>
          %add3A_640 = arith.addf %add3A_574, %get3A_639 : vector<16xf32>
          %add3A_641 = arith.constant 50 : i32
          %add3A_642 = arith.addi %add3A_641, %scan3A_624 : i32
          %get3A_643 = arith.index_cast %scan3A_278 : i32 to index
          %get3A_644 = arith.index_cast %add3A_642 : i32 to index
          %get3A_645 = arith.constant 32 : index
          %get3A_646 = tpu.vector_load %arg12[%get3A_643, %get3A_644, %get3A_645] {strides = array<i32>} : memref<4x100x128xf32, #tpu.memory_space<vmem>>, vector<1x1x16xf32>,
          %get3A_647 = vector.shape_cast %get3A_646 : vector<1x1x16xf32> to vector<16xf32>
          %add3A_648 = arith.addf %add3A_582, %get3A_647 : vector<16xf32>
          %add3A_649 = arith.constant 50 : i32
          %add3A_650 = arith.addi %add3A_649, %scan3A_624 : i32
          %get3A_651 = arith.index_cast %scan3A_278 : i32 to index
          %get3A_652 = arith.index_cast %add3A_650 : i32 to index
          %get3A_653 = arith.constant 48 : index
          %get3A_654 = tpu.vector_load %arg12[%get3A_651, %get3A_652, %get3A_653] {strides = array<i32>} : memref<4x100x128xf32, #tpu.memory_space<vmem>>, vector<1x1x16xf32>,
          %get3A_655 = vector.shape_cast %get3A_654 : vector<1x1x16xf32> to vector<16xf32>
          %add3A_656 = arith.addf %add3A_590, %get3A_655 : vector<16xf32>
          %add3A_657 = arith.constant 50 : i32
          %add3A_658 = arith.addi %add3A_657, %scan3A_624 : i32
          %get3A_659 = arith.index_cast %scan3A_278 : i32 to index
          %get3A_660 = arith.index_cast %add3A_658 : i32 to index
          %get3A_661 = arith.constant 64 : index
          %get3A_662 = tpu.vector_load %arg12[%get3A_659, %get3A_660, %get3A_661] {strides = array<i32>} : memref<4x100x128xf32, #tpu.memory_space<vmem>>, vector<1x1x16xf32>,
          %get3A_663 = vector.shape_cast %get3A_662 : vector<1x1x16xf32> to vector<16xf32>
          %add3A_664 = arith.addf %add3A_598, %get3A_663 : vector<16xf32>
          %add3A_665 = arith.constant 50 : i32
          %add3A_666 = arith.addi %add3A_665, %scan3A_624 : i32
          %get3A_667 = arith.index_cast %scan3A_278 : i32 to index
          %get3A_668 = arith.index_cast %add3A_666 : i32 to index
          %get3A_669 = arith.constant 80 : index
          %get3A_670 = tpu.vector_load %arg12[%get3A_667, %get3A_668, %get3A_669] {strides = array<i32>} : memref<4x100x128xf32, #tpu.memory_space<vmem>>, vector<1x1x16xf32>,
          %get3A_671 = vector.shape_cast %get3A_670 : vector<1x1x16xf32> to vector<16xf32>
          %add3A_672 = arith.addf %add3A_606, %get3A_671 : vector<16xf32>
          %add3A_673 = arith.constant 50 : i32
          %add3A_674 = arith.addi %add3A_673, %scan3A_624 : i32
          %get3A_675 = arith.index_cast %scan3A_278 : i32 to index
          %get3A_676 = arith.index_cast %add3A_674 : i32 to index
          %get3A_677 = arith.constant 96 : index
          %get3A_678 = tpu.vector_load %arg12[%get3A_675, %get3A_676, %get3A_677] {strides = array<i32>} : memref<4x100x128xf32, #tpu.memory_space<vmem>>, vector<1x1x16xf32>,
          %get3A_679 = vector.shape_cast %get3A_678 : vector<1x1x16xf32> to vector<16xf32>
          %add3A_680 = arith.addf %add3A_614, %get3A_679 : vector<16xf32>
          %add3A_681 = arith.constant 50 : i32
          %add3A_682 = arith.addi %add3A_681, %scan3A_624 : i32
          %get3A_683 = arith.index_cast %scan3A_278 : i32 to index
          %get3A_684 = arith.index_cast %add3A_682 : i32 to index
          %get3A_685 = arith.constant 112 : index
          %get3A_686 = tpu.vector_load %arg12[%get3A_683, %get3A_684, %get3A_685] {strides = array<i32>} : memref<4x100x128xf32, #tpu.memory_space<vmem>>, vector<1x1x16xf32>,
          %get3A_687 = vector.shape_cast %get3A_686 : vector<1x1x16xf32> to vector<16xf32>
          %add3A_688 = arith.addf %add3A_622, %get3A_687 : vector<16xf32>
          %scan3A_689 = arith.constant 4 : i32
          %scan3A_690 = arith.addi %scan3A_418, %scan3A_689 : i32
          %add3A_691 = arith.constant 50 : i32
          %add3A_692 = arith.addi %add3A_691, %scan3A_690 : i32
          %get3A_693 = arith.index_cast %scan3A_278 : i32 to index
          %get3A_694 = arith.index_cast %add3A_692 : i32 to index
          %get3A_695 = arith.constant 0 : index
          %get3A_696 = tpu.vector_load %arg12[%get3A_693, %get3A_694, %get3A_695] {strides = array<i32>} : memref<4x100x128xf32, #tpu.memory_space<vmem>>, vector<1x1x16xf32>,
          %get3A_697 = vector.shape_cast %get3A_696 : vector<1x1x16xf32> to vector<16xf32>
          %add3A_698 = arith.addf %add3A_632, %get3A_697 : vector<16xf32>
          %add3A_699 = arith.constant 50 : i32
          %add3A_700 = arith.addi %add3A_699, %scan3A_690 : i32
          %get3A_701 = arith.index_cast %scan3A_278 : i32 to index
          %get3A_702 = arith.index_cast %add3A_700 : i32 to index
          %get3A_703 = arith.constant 16 : index
          %get3A_704 = tpu.vector_load %arg12[%get3A_701, %get3A_702, %get3A_703] {strides = array<i32>} : memref<4x100x128xf32, #tpu.memory_space<vmem>>, vector<1x1x16xf32>,
          %get3A_705 = vector.shape_cast %get3A_704 : vector<1x1x16xf32> to vector<16xf32>
          %add3A_706 = arith.addf %add3A_640, %get3A_705 : vector<16xf32>
          %add3A_707 = arith.constant 50 : i32
          %add3A_708 = arith.addi %add3A_707, %scan3A_690 : i32
          %get3A_709 = arith.index_cast %scan3A_278 : i32 to index
          %get3A_710 = arith.index_cast %add3A_708 : i32 to index
          %get3A_711 = arith.constant 32 : index
          %get3A_712 = tpu.vector_load %arg12[%get3A_709, %get3A_710, %get3A_711] {strides = array<i32>} : memref<4x100x128xf32, #tpu.memory_space<vmem>>, vector<1x1x16xf32>,
          %get3A_713 = vector.shape_cast %get3A_712 : vector<1x1x16xf32> to vector<16xf32>
          %add3A_714 = arith.addf %add3A_648, %get3A_713 : vector<16xf32>
          %add3A_715 = arith.constant 50 : i32
          %add3A_716 = arith.addi %add3A_715, %scan3A_690 : i32
          %get3A_717 = arith.index_cast %scan3A_278 : i32 to index
          %get3A_718 = arith.index_cast %add3A_716 : i32 to index
          %get3A_719 = arith.constant 48 : index
          %get3A_720 = tpu.vector_load %arg12[%get3A_717, %get3A_718, %get3A_719] {strides = array<i32>} : memref<4x100x128xf32, #tpu.memory_space<vmem>>, vector<1x1x16xf32>,
          %get3A_721 = vector.shape_cast %get3A_720 : vector<1x1x16xf32> to vector<16xf32>
          %add3A_722 = arith.addf %add3A_656, %get3A_721 : vector<16xf32>
          %add3A_723 = arith.constant 50 : i32
          %add3A_724 = arith.addi %add3A_723, %scan3A_690 : i32
          %get3A_725 = arith.index_cast %scan3A_278 : i32 to index
          %get3A_726 = arith.index_cast %add3A_724 : i32 to index
          %get3A_727 = arith.constant 64 : index
          %get3A_728 = tpu.vector_load %arg12[%get3A_725, %get3A_726, %get3A_727] {strides = array<i32>} : memref<4x100x128xf32, #tpu.memory_space<vmem>>, vector<1x1x16xf32>,
          %get3A_729 = vector.shape_cast %get3A_728 : vector<1x1x16xf32> to vector<16xf32>
          %add3A_730 = arith.addf %add3A_664, %get3A_729 : vector<16xf32>
          %add3A_731 = arith.constant 50 : i32
          %add3A_732 = arith.addi %add3A_731, %scan3A_690 : i32
          %get3A_733 = arith.index_cast %scan3A_278 : i32 to index
          %get3A_734 = arith.index_cast %add3A_732 : i32 to index
          %get3A_735 = arith.constant 80 : index
          %get3A_736 = tpu.vector_load %arg12[%get3A_733, %get3A_734, %get3A_735] {strides = array<i32>} : memref<4x100x128xf32, #tpu.memory_space<vmem>>, vector<1x1x16xf32>,
          %get3A_737 = vector.shape_cast %get3A_736 : vector<1x1x16xf32> to vector<16xf32>
          %add3A_738 = arith.addf %add3A_672, %get3A_737 : vector<16xf32>
          %add3A_739 = arith.constant 50 : i32
          %add3A_740 = arith.addi %add3A_739, %scan3A_690 : i32
          %get3A_741 = arith.index_cast %scan3A_278 : i32 to index
          %get3A_742 = arith.index_cast %add3A_740 : i32 to index
          %get3A_743 = arith.constant 96 : index
          %get3A_744 = tpu.vector_load %arg12[%get3A_741, %get3A_742, %get3A_743] {strides = array<i32>} : memref<4x100x128xf32, #tpu.memory_space<vmem>>, vector<1x1x16xf32>,
          %get3A_745 = vector.shape_cast %get3A_744 : vector<1x1x16xf32> to vector<16xf32>
          %add3A_746 = arith.addf %add3A_680, %get3A_745 : vector<16xf32>
          %add3A_747 = arith.constant 50 : i32
          %add3A_748 = arith.addi %add3A_747, %scan3A_690 : i32
          %get3A_749 = arith.index_cast %scan3A_278 : i32 to index
          %get3A_750 = arith.index_cast %add3A_748 : i32 to index
          %get3A_751 = arith.constant 112 : index
          %get3A_752 = tpu.vector_load %arg12[%get3A_749, %get3A_750, %get3A_751] {strides = array<i32>} : memref<4x100x128xf32, #tpu.memory_space<vmem>>, vector<1x1x16xf32>,
          %get3A_753 = vector.shape_cast %get3A_752 : vector<1x1x16xf32> to vector<16xf32>
          %add3A_754 = arith.addf %add3A_688, %get3A_753 : vector<16xf32>
          scf.yield %add3A_698, %add3A_706, %add3A_714, %add3A_722, %add3A_730, %add3A_738, %add3A_746, %add3A_754 : vector<16xf32>, vector<16xf32>, vector<16xf32>, vector<16xf32>, vector<16xf32>, vector<16xf32>, vector<16xf32>, vector<16xf32>
        }
        %scan3A_368 = arith.constant 50 : i32
        %mul3A_369 = arith.constant 2 : i32
        %mul3A_370 = arith.muli %scan3A_278, %mul3A_369 : i32
        %add3A_371 = arith.constant 1 : i32
        %add3A_372 = arith.addi %mul3A_370, %add3A_371 : i32
        %get3A_373 = arith.index_cast %add3A_372 : i32 to index
        %get3A_374 = arith.constant 0 : index
        %get3A_375 = tpu.vector_load %arg10[%get3A_373, %get3A_374] {strides = array<i32>} : memref<8x16xf32, #tpu.memory_space<vmem>>, vector<1x16xf32>,
        %get3A_376 = vector.shape_cast %get3A_375 : vector<1x16xf32> to vector<16xf32>
        %add3A_377 = arith.addf %scan3A_367#7, %get3A_376 : vector<16xf32>
        %swap3A_378 = arith.index_cast %add3A_372 : i32 to index
        %swap3A_379 = arith.constant 0 : index
        %swap3A_380 = tpu.vector_load %arg14[%swap3A_378, %swap3A_379] {strides = array<i32>} : memref<8x128xf32, #tpu.memory_space<vmem>>, vector<1x16xf32>,
        %swap3A_381 = vector.shape_cast %swap3A_380 : vector<1x16xf32> to vector<16xf32>
        %swap3A_382 = vector.shape_cast %scan3A_367#0 : vector<16xf32> to vector<1x16xf32>
        tpu.vector_store %arg14[%swap3A_378, %swap3A_379], %swap3A_382 {strides = array<i32>} : memref<8x128xf32, #tpu.memory_space<vmem>>, vector<1x16xf32>,
        %swap3A_383 = arith.index_cast %add3A_372 : i32 to index
        %swap3A_384 = arith.constant 16 : index
        %swap3A_385 = tpu.vector_load %arg14[%swap3A_383, %swap3A_384] {strides = array<i32>} : memref<8x128xf32, #tpu.memory_space<vmem>>, vector<1x16xf32>,
        %swap3A_386 = vector.shape_cast %swap3A_385 : vector<1x16xf32> to vector<16xf32>
        %swap3A_387 = vector.shape_cast %scan3A_367#1 : vector<16xf32> to vector<1x16xf32>
        tpu.vector_store %arg14[%swap3A_383, %swap3A_384], %swap3A_387 {strides = array<i32>} : memref<8x128xf32, #tpu.memory_space<vmem>>, vector<1x16xf32>,
        %swap3A_388 = arith.index_cast %add3A_372 : i32 to index
        %swap3A_389 = arith.constant 32 : index
        %swap3A_390 = tpu.vector_load %arg14[%swap3A_388, %swap3A_389] {strides = array<i32>} : memref<8x128xf32, #tpu.memory_space<vmem>>, vector<1x16xf32>,
        %swap3A_391 = vector.shape_cast %swap3A_390 : vector<1x16xf32> to vector<16xf32>
        %swap3A_392 = vector.shape_cast %scan3A_367#2 : vector<16xf32> to vector<1x16xf32>
        tpu.vector_store %arg14[%swap3A_388, %swap3A_389], %swap3A_392 {strides = array<i32>} : memref<8x128xf32, #tpu.memory_space<vmem>>, vector<1x16xf32>,
        %swap3A_393 = arith.index_cast %add3A_372 : i32 to index
        %swap3A_394 = arith.constant 48 : index
        %swap3A_395 = tpu.vector_load %arg14[%swap3A_393, %swap3A_394] {strides = array<i32>} : memref<8x128xf32, #tpu.memory_space<vmem>>, vector<1x16xf32>,
        %swap3A_396 = vector.shape_cast %swap3A_395 : vector<1x16xf32> to vector<16xf32>
        %swap3A_397 = vector.shape_cast %scan3A_367#3 : vector<16xf32> to vector<1x16xf32>
        tpu.vector_store %arg14[%swap3A_393, %swap3A_394], %swap3A_397 {strides = array<i32>} : memref<8x128xf32, #tpu.memory_space<vmem>>, vector<1x16xf32>,
        %swap3A_398 = arith.index_cast %add3A_372 : i32 to index
        %swap3A_399 = arith.constant 64 : index
        %swap3A_400 = tpu.vector_load %arg14[%swap3A_398, %swap3A_399] {strides = array<i32>} : memref<8x128xf32, #tpu.memory_space<vmem>>, vector<1x16xf32>,
        %swap3A_401 = vector.shape_cast %swap3A_400 : vector<1x16xf32> to vector<16xf32>
        %swap3A_402 = vector.shape_cast %scan3A_367#4 : vector<16xf32> to vector<1x16xf32>
        tpu.vector_store %arg14[%swap3A_398, %swap3A_399], %swap3A_402 {strides = array<i32>} : memref<8x128xf32, #tpu.memory_space<vmem>>, vector<1x16xf32>,
        %swap3A_403 = arith.index_cast %add3A_372 : i32 to index
        %swap3A_404 = arith.constant 80 : index
        %swap3A_405 = tpu.vector_load %arg14[%swap3A_403, %swap3A_404] {strides = array<i32>} : memref<8x128xf32, #tpu.memory_space<vmem>>, vector<1x16xf32>,
        %swap3A_406 = vector.shape_cast %swap3A_405 : vector<1x16xf32> to vector<16xf32>
        %swap3A_407 = vector.shape_cast %scan3A_367#5 : vector<16xf32> to vector<1x16xf32>
        tpu.vector_store %arg14[%swap3A_403, %swap3A_404], %swap3A_407 {strides = array<i32>} : memref<8x128xf32, #tpu.memory_space<vmem>>, vector<1x16xf32>,
        %swap3A_408 = arith.index_cast %add3A_372 : i32 to index
        %swap3A_409 = arith.constant 96 : index
        %swap3A_410 = tpu.vector_load %arg14[%swap3A_408, %swap3A_409] {strides = array<i32>} : memref<8x128xf32, #tpu.memory_space<vmem>>, vector<1x16xf32>,
        %swap3A_411 = vector.shape_cast %swap3A_410 : vector<1x16xf32> to vector<16xf32>
        %swap3A_412 = vector.shape_cast %scan3A_367#6 : vector<16xf32> to vector<1x16xf32>
        tpu.vector_store %arg14[%swap3A_408, %swap3A_409], %swap3A_412 {strides = array<i32>} : memref<8x128xf32, #tpu.memory_space<vmem>>, vector<1x16xf32>,
        %swap3A_413 = arith.index_cast %add3A_372 : i32 to index
        %swap3A_414 = arith.constant 112 : index
        %swap3A_415 = tpu.vector_load %arg14[%swap3A_413, %swap3A_414] {strides = array<i32>} : memref<8x128xf32, #tpu.memory_space<vmem>>, vector<1x16xf32>,
        %swap3A_416 = vector.shape_cast %swap3A_415 : vector<1x16xf32> to vector<16xf32>
        %swap3A_417 = vector.shape_cast %add3A_377 : vector<16xf32> to vector<1x16xf32>
        tpu.vector_store %arg14[%swap3A_413, %swap3A_414], %swap3A_417 {strides = array<i32>} : memref<8x128xf32, #tpu.memory_space<vmem>>, vector<1x16xf32>,
      }
      %scan3A_258 = arith.constant 4 : i32
      %lt3A_259 = arith.constant 62 : i32
      %lt3A_260 = arith.cmpi slt, %add3A_191, %lt3A_259 : i32
      %convert_element_type3A_261 = arith.extui %lt3A_260 : i1 to i32
      %cond3A_262 = arith.constant 0 : i32
      %cond3A_263 = arith.cmpi ne, %convert_element_type3A_261, %cond3A_262 : i32
      scf.if %cond3A_263 {
        %add3A_278 = arith.constant 2 : i32
        %add3A_279 = arith.addi %add3A_191, %add3A_278 : i32
        %mul3A_280 = arith.constant 256 : i32
        %mul3A_281 = arith.muli %add3A, %mul3A_280 : i32
        %mul3A_282 = arith.constant 4 : i32
        %mul3A_283 = arith.muli %add3A_279, %mul3A_282 : i32
        %add3A_284 = arith.addi %mul3A_281, %mul3A_283 : i32
        %dma_start3A_285 = arith.constant 0 : i32
        %dma_start3A_286 = tpu.memref_slice %arg2[%add3A_284, %dma_start3A_285] : memref<8192x100xi32, #tpu.memory_space<hbm>> -> memref<4x100xi32, #tpu.memory_space<hbm>>
        %dma_start3A_287 = arith.constant 0 : i32
        %dma_start3A_288 = tpu.memref_slice %arg2[%add3A_284, %dma_start3A_287] : memref<8192x100xi32, #tpu.memory_space<hbm>> -> memref<4x100xi32, #tpu.memory_space<hbm>>
        tpu.enqueue_dma source(%dma_start3A_288 : memref<4x100xi32, #tpu.memory_space<hbm>>) target(%arg8 : memref<4x100xi32, #tpu.memory_space<vmem>>) target_semaphore(%arg15 : memref<!tpu.dma_semaphore, #tpu.memory_space<semaphore_mem>>)
        %add3A_289 = arith.constant 2 : i32
        %add3A_290 = arith.addi %add3A_191, %add3A_289 : i32
        %mul3A_291 = arith.constant 512 : i32
        %mul3A_292 = arith.muli %add3A, %mul3A_291 : i32
        %mul3A_293 = arith.constant 8 : i32
        %mul3A_294 = arith.muli %add3A_290, %mul3A_293 : i32
        %add3A_295 = arith.addi %mul3A_292, %mul3A_294 : i32
        %dma_start3A_296 = arith.constant 0 : i32
        %dma_start3A_297 = tpu.memref_slice %arg3[%add3A_295, %dma_start3A_296] : memref<16384x16xf32, #tpu.memory_space<hbm>> -> memref<8x16xf32, #tpu.memory_space<hbm>>
        %dma_start3A_298 = arith.constant 0 : i32
        %dma_start3A_299 = tpu.memref_slice %arg3[%add3A_295, %dma_start3A_298] : memref<16384x16xf32, #tpu.memory_space<hbm>> -> memref<8x16xf32, #tpu.memory_space<hbm>>
        tpu.enqueue_dma source(%dma_start3A_299 : memref<8x16xf32, #tpu.memory_space<hbm>>) target(%arg10 : memref<8x16xf32, #tpu.memory_space<vmem>>) target_semaphore(%arg16 : memref<!tpu.dma_semaphore, #tpu.memory_space<semaphore_mem>>)
      } else {
      }
      %gt3A_264 = arith.constant 0 : i32
      %gt3A_265 = arith.cmpi sgt, %add3A_191, %gt3A_264 : i32
      %convert_element_type3A_266 = arith.extui %gt3A_265 : i1 to i32
      %cond3A_267 = arith.constant 0 : i32
      %cond3A_268 = arith.cmpi ne, %convert_element_type3A_266, %cond3A_267 : i32
      scf.if %cond3A_268 {
        %sub3A = arith.constant 1 : i32
        %sub3A_278 = arith.subi %add3A_191, %sub3A : i32
        %mul3A_279 = arith.constant 512 : i32
        %mul3A_280 = arith.muli %add3A, %mul3A_279 : i32
        %mul3A_281 = arith.constant 8 : i32
        %mul3A_282 = arith.muli %sub3A_278, %mul3A_281 : i32
        %add3A_283 = arith.addi %mul3A_280, %mul3A_282 : i32
        %dma_wait3A_284 = arith.constant 0 : i32
        %dma_wait3A_285 = tpu.memref_slice %arg5[%add3A_283, %dma_wait3A_284] : memref<16384x128xf32, #tpu.memory_space<hbm>> -> memref<8x128xf32, #tpu.memory_space<hbm>>
        %dma_wait3A_286 = arith.constant 0 : i32
        %dma_wait3A_287 = tpu.memref_slice %arg5[%add3A_283, %dma_wait3A_286] : memref<16384x128xf32, #tpu.memory_space<hbm>> -> memref<8x128xf32, #tpu.memory_space<hbm>>
        tpu.wait_dma2 semaphore(%arg17 : memref<!tpu.dma_semaphore, #tpu.memory_space<semaphore_mem>>) src(%arg13 : memref<8x128xf32, #tpu.memory_space<vmem>>) dst(%dma_wait3A_287 : memref<8x128xf32, #tpu.memory_space<hbm>>)
      } else {
      }
      %mul3A_269 = arith.constant 512 : i32
      %mul3A_270 = arith.muli %add3A, %mul3A_269 : i32
      %mul3A_271 = arith.constant 8 : i32
      %mul3A_272 = arith.muli %add3A_191, %mul3A_271 : i32
      %add3A_273 = arith.addi %mul3A_270, %mul3A_272 : i32
      %dma_start3A_274 = arith.constant 0 : i32
      %dma_start3A_275 = tpu.memref_slice %arg5[%add3A_273, %dma_start3A_274] : memref<16384x128xf32, #tpu.memory_space<hbm>> -> memref<8x128xf32, #tpu.memory_space<hbm>>
      %dma_start3A_276 = arith.constant 0 : i32
      %dma_start3A_277 = tpu.memref_slice %arg5[%add3A_273, %dma_start3A_276] : memref<16384x128xf32, #tpu.memory_space<hbm>> -> memref<8x128xf32, #tpu.memory_space<hbm>>
      tpu.enqueue_dma source(%arg14 : memref<8x128xf32, #tpu.memory_space<vmem>>) target(%dma_start3A_277 : memref<8x128xf32, #tpu.memory_space<hbm>>) target_semaphore(%arg17 : memref<!tpu.dma_semaphore, #tpu.memory_space<semaphore_mem>>)
    }
    %scan3A_92 = arith.constant 32 : i32
    %mul3A_93 = arith.constant 512 : i32
    %mul3A_94 = arith.muli %add3A, %mul3A_93 : i32
    %add3A_95 = arith.constant 504 : i32
    %add3A_96 = arith.addi %mul3A_94, %add3A_95 : i32
    %dma_wait3A_97 = arith.constant 0 : i32
    %dma_wait3A_98 = tpu.memref_slice %arg5[%add3A_96, %dma_wait3A_97] : memref<16384x128xf32, #tpu.memory_space<hbm>> -> memref<8x128xf32, #tpu.memory_space<hbm>>
    %dma_wait3A_99 = arith.constant 0 : i32
    %dma_wait3A_100 = tpu.memref_slice %arg5[%add3A_96, %dma_wait3A_99] : memref<16384x128xf32, #tpu.memory_space<hbm>> -> memref<8x128xf32, #tpu.memory_space<hbm>>
    tpu.wait_dma2 semaphore(%arg17 : memref<!tpu.dma_semaphore, #tpu.memory_space<semaphore_mem>>) src(%arg14 : memref<8x128xf32, #tpu.memory_space<vmem>>) dst(%dma_wait3A_100 : memref<8x128xf32, #tpu.memory_space<hbm>>)
    return
  }
}

</mosaic_0001>

<sc_bundles>
// kernel: _sc_pool.3.cloned.1.call-start
scs
__scs_entry_jumppad:
0x0: {  	(pc) =	sbr.rel $0x88, $3  }
0x1: {  	(tag) =	ssettag $0x0;
	lr =	simm.s32 $0x1  }
0x2: {  	[smem:$0x3F9E] =	sst lr;
	_ =	strace $0xD0000000  }
0x3: {  	_ = 	snop  }
0x4: {  	_ = 	snop  }
0x5: {  	_ = 	snop  }
0x6: {  	_ = 	snop  }
0x7: {  	_ = 	snop  }
__scs_overlays_trampoline_lowered:
0x8: {  	[smem:$0x3FAD] =	sst s0  }
0x9: {  	[smem:$0x3FAE] =	sst s1  }
0xa: {  	[smem:$0x3FAF] =	sst s2  }
0xb: {  	[smem:$0x3FB0] =	sst s3  }
0xc: {  	[smem:$0x3FB1] =	sst s4  }
0xd: {  	[smem:$0x3FB2] =	sst s5  }
0xe: {  	[smem:$0x3FB3] =	sst s6  }
0xf: {  	[smem:$0x3FB4] =	sst s7  }
0x10: {  	[smem:$0x3FB5] =	sst s8  }
0x11: {  	[smem:$0x3FB6] =	sst s9;
	s0 =	simm.s32 @!p0 $0x0  }
0x12: {  	s1 =	sld [smem:$0x3F9C];
	s0 =	simm.s32 @p0 $0x1  }
0x13: {  	[smem:$0x3FB7] =	sst s0;
	s0 =	simm.s32 @!p1 $0x0  }
0x14: {  	s2 =	sld [smem:$0x3F9B];
	s0 =	simm.s32 @p1 $0x1  }
0x15: {  	[smem:$0x3FB8] =	sst s0;
	s0 =	simm.s32 @!p2 $0x0  }
0x16: {  	s3 =	sld [smem:$0x3FDB];
	s0 =	simm.s32 @p2 $0x1  }
0x17: {  	s4 =	simm.s32 $0x1BF5;
	[smem:$0x3FBA] =	sst s0  }
0x18: {  	s0 =	sld [smem:$0x3F9D];
	_ =	swait.ge [sflag:s4], $0x0  }
0x19: {  	s7 =	sld [smem:$0x3F9E]  }
0x1a: {  	s8 =	sadd.s32 $0xFFFFE003, lr  }
0x1b: {  	s9 =	sadd.s32 $0xFFFFFEF7, lr;
	s5 =	simm.s32 $0xFFFFFFFF;
	p2 =	slt.u32 s8, $0xFFFFF086  }
0x1c: {  	p1 =	slt.u32 s9, $0xF7A;
	s5 =	simm.s32 @!p2 $0x0  }
0x1d: {  	s5 =	simm.s32 @p1 $0x1;
	p0 =	seq.s32 s7, s2  }
0x1e: {  	s7 =	smul.u32 @!p0 $0xF7A, s2;
	p2 =	seq.s32 @!p0 s5, $0x0  }
0x1f: {  	s9 =	smul.u32 $0xF7A, s1;
	s8 =	simm.s32 @!p0 $0x1BF5;
	p2 =	por !p2, p0  }
0x20: {  	[sflag:s8] =	ssyncset.s32 @!p0 $0xFFFFF086;
	s6 =	sadd.s32 @!p0 s3, s7;
	s7 =	simm.s32 @!p0 $0x108  }
0x21: {  	s3 =	sadd.s32 s3, s9;
	s6 =	sadd.s32 @!p0 $0x88, s6;
	s7 =	simm.s32 @p2 $0x1082  }
0x22: {  	[simem:s7], [sflag:s8] =	dma.local @!p0 [hbm:s6], $0xF7A  }
0x23: {  	s9 =	sor.u32 $0xD0000000, s2;
	s6 =	simm.s32 $0x108;
	_ =	swait.ge @!p0 [sflag:s8], $0x0  }
0x24: {  	s3 =	sadd.s32 $0x88, s3;
	s6 =	simm.s32 @!p1 $0x1082;
	[sflag:s4] =	ssyncset.s32 $0xFFFFF086  }
0x25: {  	[simem:s6], [sflag:s4] =	dma.local [hbm:s3], $0xF7A  }
0x26: {  	[smem:$0x3F9E] =	sst s1;
	(tag) =	ssettag s2;
	_ =	strace s9  }
0x27: {  	s1 =	sld [smem:$0x3FAE]  }
0x28: {  	s2 =	sld [smem:$0x3FAF]  }
0x29: {  	s4 =	sld [smem:$0x3FB1]  }
0x2a: {  	p0 =	seq.s32 s5, $0x0;
	s5 =	sld [smem:$0x3FB2]  }
0x2b: {  	s6 =	sld [smem:$0x3FB3]  }
0x2c: {  	s7 =	sld [smem:$0x3FB4]  }
0x2d: {  	s3 =	simm.s32 $0x108;
	s8 =	sld [smem:$0x3FB5]  }
0x2e: {  	s3 =	simm.s32 @!p0 $0x1082;
	s9 =	sld [smem:$0x3FB6]  }
0x2f: {  	lr =	sadd.s32 s0, s3;
	s0 =	sld [smem:$0x3FAD]  }
0x30: {  	s3 =	sld [smem:$0x3FB0]  }
0x31: {  	[smem:$0x3FB9] =	sst s10  }
0x32: {  	s10 =	sld [smem:$0x3FB7];
	_ =	sdelay $0x3  }
0x33: {  	p0 =	seq.s32 s10, $0x1;
	s10 =	sld [smem:$0x3FB9];
	_ =	sdelay $0x3  }
0x34: {  	[smem:$0x3FB9] =	sst s10  }
0x35: {  	s10 =	sld [smem:$0x3FB8];
	_ =	sdelay $0x3  }
0x36: {  	p1 =	seq.s32 s10, $0x1;
	s10 =	sld [smem:$0x3FB9];
	_ =	sdelay $0x3  }
0x37: {  	[smem:$0x3FB9] =	sst s10  }
0x38: {  	s10 =	sld [smem:$0x3FBA]  }
0x39: {  	_ = 	snop;
	(pc) =	sbr.ind lr, $3  }
0x3a: {  	_ = 	snop  }
0x3b: {  	_ = 	snop  }
0x3c: {  	p2 =	seq.s32 s10, $0x1;
	s10 =	sld [smem:$0x3FB9]  }
0x3d: {  	_ =	shalt  }
0x3e: {  	_ =	shalt  }
0x3f: {  	_ =	shalt  }
0x40: {  	_ =	shalt  }
0x41: {  	_ =	shalt  }
0x42: {  	_ =	shalt  }
0x43: {  	_ =	shalt  }
0x44: {  	_ =	shalt  }
0x45: {  	_ =	shalt  }
0x46: {  	_ =	shalt  }
0x47: {  	_ =	shalt  }
0x48: {  	_ =	shalt  }
0x49: {  	_ =	shalt  }
0x4a: {  	_ =	shalt  }
0x4b: {  	_ =	shalt  }
0x4c: {  	_ =	shalt  }
0x4d: {  	_ =	shalt  }
0x4e: {  	_ =	shalt  }
0x4f: {  	_ =	shalt  }
0x50: {  	_ =	shalt  }
0x51: {  	_ =	shalt  }
0x52: {  	_ =	shalt  }
0x53: {  	_ =	shalt  }
0x54: {  	_ =	shalt  }
0x55: {  	_ =	shalt  }
0x56: {  	_ =	shalt  }
0x57: {  	_ =	shalt  }
0x58: {  	_ =	shalt  }
0x59: {  	_ =	shalt  }
0x5a: {  	_ =	shalt  }
0x5b: {  	_ =	shalt  }
0x5c: {  	_ =	shalt  }
0x5d: {  	_ =	shalt  }
0x5e: {  	_ =	shalt  }
0x5f: {  	_ =	shalt  }
0x60: {  	_ =	shalt  }
0x61: {  	_ =	shalt  }
0x62: {  	_ =	shalt  }
0x63: {  	_ =	shalt  }
0x64: {  	_ =	shalt  }
0x65: {  	_ =	shalt  }
0x66: {  	_ =	shalt  }
0x67: {  	_ =	shalt  }
0x68: {  	_ =	shalt  }
0x69: {  	_ =	shalt  }
0x6a: {  	_ =	shalt  }
0x6b: {  	_ =	shalt  }
0x6c: {  	_ =	shalt  }
0x6d: {  	_ =	shalt  }
0x6e: {  	_ =	shalt  }
0x6f: {  	_ =	shalt  }
0x70: {  	_ =	shalt  }
0x71: {  	_ =	shalt  }
0x72: {  	_ =	shalt  }
0x73: {  	_ =	shalt  }
0x74: {  	_ =	shalt  }
0x75: {  	_ =	shalt  }
0x76: {  	_ =	shalt  }
0x77: {  	_ =	shalt  }
0x78: {  	_ =	shalt  }
0x79: {  	_ =	shalt  }
0x7a: {  	_ =	shalt  }
0x7b: {  	_ =	shalt  }
0x7c: {  	_ =	shalt  }
0x7d: {  	_ =	shalt  }
0x7e: {  	_ =	shalt  }
0x7f: {  	_ =	shalt  }
0x80: {  	_ =	shalt  }
0x81: {  	_ =	shalt  }
0x82: {  	_ =	shalt  }
0x83: {  	_ =	shalt  }
0x84: {  	_ =	shalt  }
0x85: {  	_ =	shalt  }
0x86: {  	_ =	shalt  }
0x87: {  	_ =	shalt  }
.Lfunc_end0:
.L_simem_size_0:
called_computation_lowered:
.L_overlay_start_0:
0x88: {  	s2 =	sld [smem:$0x3FD9]  }
0x89: {  	s3 =	sld [smem:$0x3FFE];
	_ =	sdelay $0x1  }
0x8a: {  	s1 =	srdreg.scid  }
0x8b: {  	s0 =	sand.u32 $0x1, s1  }
0x8c: {  	s17 =	sshll.u32 s0, $0xA;
	s2 =	sadd.s32 s3, s2  }
0x8d: {  	s2 =	sadd.s32 s2, s17  }
0x8e: {  	[smem:$0x3FC5] =	sst s2  }
0x8f: {  	_ = 	snop  }
0x90: {  	s2 =	sld [smem:$0x3FC7]  }
0x91: {  	s18 =	sld [smem:$0x3FD0];
	(tm) =	ssettm $0x1  }
0x92: {  	s4 =	sld [smem:$0x3FFB];
	_ =	sdelay $0x3  }
0x93: {  	_ =	strace s4  }
0x94: {  	s4 =	sld [smem:$0x3FFC];
	_ =	sdelay $0x3  }
0x95: {  	_ =	strace s4  }
0x96: {  	s4 =	sld [smem:$0x3FFD];
	_ =	sdelay $0x3  }
0x97: {  	_ =	strace s4  }
0x98: {  	_ =	strace $0x8FFFFFFF  }
0x99: {  	s19 =	sld [smem:$0x3FDB];
	_ =	sdelay $0x1  }
0x9a: {  	s5 =	simm.s32 $_scs_section_size  }
0x9b: {  	s6 =	simm.s32 $_size__tile_overlayer_lowered;
	s7 =	simm.s32 $_tile_overlayer_lowered  }
0x9c: {  	s22 =	simm.s32 $0x1BFF;
	s21 =	sshll.u32 s7, $0x1;
	s4 =	sadd.s32 s5, s19  }
0x9d: {  	s8 =	simm.s32 $0x0;
	s20 =	sshll.u32 s6, $0x1;
	s6 =	sadd.s32 s21, s4  }
0x9e: {  	[timem:s8], [sflag:s22] =	dma.local [hbm:s6], s20  }
0x9f: {  	_ =	swait.ge [sflag:s22], s20  }
0xa0: {  	s5 =	ssub.s32 $0x0, s20;
	[sflag:s22] =	ssyncset.done $0x0  }
0xa1: {  	[sflag:s22] =	ssyncadd.s32 s5;
	_ =	sdelay $0x1  }
0xa2: {  	s23 =	simm.s32 $0x1B8B  }
0xa3: {  	_ =	swait.ge [sflag:s23], $0x1  }
0xa4: {  	[sflag:s23] =	ssyncset.done $0x0  }
0xa5: {  	s25 =	simm.s32 $0x1B8E;
	s24 =	sld [smem:$0x3FFE];
	[sflag:s23] =	ssyncadd.s32 $0xFFFFFFFF  }
0xa6: {  	s26 =	simm.s32 $execute0_lowered;
	[smem:$0x3FD2] =	sst s25  }
0xa7: {  	s6 =	sshll.u32 s26, $0x1;
	_ =	strace $0x80000046;
	[dreg:$0x1] =	wrdreg $0xFFFFFFFF  }
0xa8: {  	s28 =	simm.s32 $_size_execute0_lowered;
	s4 =	sadd.s32 s4, s6;
	[dreg:$0x0] =	wrdreg $0x0  }
0xa9: {  	s6 =	sshll.u32 s28, $0x1;
	[dreg:$0x2] =	wrdreg s4  }
0xaa: {  	[dreg:$0x3] =	wrdreg s6  }
0xab: {  	[dreg:$0x4] =	wrdreg $0xC0  }
0xac: {  	_ =	task [dreg:s8], $0x5FFFF  }
0xad: {  	[dreg:$0x1] =	wrdreg $0xFFFFFFFF  }
0xae: {  	[dreg:$0x0] =	wrdreg $0x60  }
0xaf: {  	[dreg:$0x2] =	wrdreg s24  }
0xb0: {  	[dreg:$0x3] =	wrdreg s2  }
0xb1: {  	[dreg:$0x4] =	wrdreg s18  }
0xb2: {  	[dreg:$0x5] =	wrdreg $0x0  }
0xb3: {  	[dreg:$0x6] =	wrdreg $0x9  }
0xb4: {  	_ =	task.clear_ibuf [dreg:s8], $0x7FFFF;
	_ =	strace $0x90000046  }
0xb5: {  	s29 =	simm.s32 $0x9;
	_ =	strace $0x80000048  }
0xb6: {  	_ =	swait.ge [sflag:s29], $0x1  }
0xb7: {  	[sflag:s29] =	ssyncadd.s32 $0xFFFFFFFF  }
0xb8: {  	_ =	strace $0x90000048  }
0xb9: {  	_ =	sfence  }
0xba: {  	s30 =	sld [smem:$0x0];
	_ =	sdelay $0x2  }
0xbb: {  	s31 =	sshll.u32 s1, $0xD;
	s1 =	sshrl.u32 s1, $0x2  }
0xbc: {  	s3 =	sand.u32 $0x4000, s31;
	s1 =	sadd.s32 s1, s30  }
0xbd: {  	s0 =	sor.u32 s3, s0;
	s1 =	sshll.u32 s1, $0x11  }
0xbe: {  	s0 =	sor.u32 s1, s0  }
0xbf: {  	s0 =	sadd.s32 $0x8F2B, s0  }
0xc0: {  	[sflag:s0] =	ssyncadd.remote.s32 $0x1  }
0xc1: {  	_ =	sfence.sel $0xFFFF  }
0xc2: {  	[dreg:$0x0] =	wrdreg $0xFFFFFFFF;
	(pc) =	sbr.abs _section_cstart, $3  }
0xc3: {  	[dreg:$0x1] =	wrdreg $0xFFFFFFFF  }
0xc4: {  	_ =	task.clear_ibuf [dreg:s8], $0x2FFFF;
	_ =	strace $0x9FFFFFFF  }
0xc5: {  	(tm) =	ssettm $0x7FFFFFFF  }
tec
execute0_lowered:
.L_overlay_start_1:
0x0: {  	(tag) =	ssettag $0x1  }
0x1: {  	s0 =	rddreg [dreg:$0x0]  }
0x2: {  	s1 =	rddreg [dreg:$0x2]  }
0x3: {  	s2 =	rddreg [dreg:$0x3];
	s3 =	simm.s32 $0x0;
	s4 =	srdreg.scid  }
0x4: {  	s6 =	stileid.u32;
	s13 =	simm.s32 $0x1;
	s14 =	simm.s32 $0x64  }
0x5: {  	s22 =	simm.s32 $0x2200;
	s24 =	simm.s32 $0xFC00;
	s28 =	simm.s32 $0x2300  }
0x6: {  	s29 =	simm.s32 $0x16400;
	s30 =	simm.s32 $0x2380;
	s31 =	simm.s32 $0x19800  }
0x7: {  	s12 =	simm.s32 $0x1CC00;
	s15 =	simm.s32 $0x5;
	s16 =	simm.s32 $0x3  }
0x8: {  	s17 =	simm.s32 $0x1D000;
	s18 =	simm.s32 $0x0;
	[smem:$0x7FF] =	sst s3  }
0x9: {  	s4 =	sand.u32 $0x1, s4;
	s5 =	sshll.u32 s6, $0x1;
	p0 =	sne.s32 s6, $0x0  }
0xa: {  	_ =	strace $0x80000047;
	s5 =	sor.u32 s4, s5;
	s4 =	ssub.s32 $0x2, s4  }
0xb: {  	s7 =	sshll.u32 s5, $0xC;
	s8 =	sshll.u32 s5, $0xD;
	s25 =	sshrl.u32 s4, $0x1  }
0xc: {  	s7 =	sadd.s32 s7, s0;
	s0 =	sadd.s32 s8, s0;
	s9 =	ssub.s32 s4, s25  }
0xd: {  	s8 =	sadd.s32 s1, s8;
	s4 =	sadd.s32 $0x400, s7;
	s7 =	sadd.s32 $0x440, s7  }
0xe: {  	s5 =	sadd.s32 $0x20400, s0;
	s0 =	sadd.s32 $0x20480, s0;
	[dreg:$0x5] =	wrdreg s7  }
0xf: {  	s25 =	simm.s32 $0x2280;
	s26 =	smax.u32 s9, $0x1;
	[dreg:$0x6] =	wrdreg s0  }
0x10: {  	s1 =	simm.s32 $0x2;
	[dreg:$0x7] =	wrdreg s26;
	s0 =	sshrl.u32 @!p0 s2, $0x3  }
0x11: {  	s26 =	simm.s32 $0x13000;
	[dreg:$0x8] =	wrdreg s0;
	s0 =	simm.s32 $0x4  }
.LBB2_1:
0x12: {  	s7 =	rddreg [dreg:$0x1]  }
0x13: {  	s6 =	simm.s32 @!p0 $0x1C06;
	s9 =	rddreg [dreg:$0x8]  }
0x14: {  	[spmem:s9], [sflag:s6] =	dma.local @!p0 [hbm:s7], $0x4000  }
0x15: {  	s6 =	simm.s32 @!p0 $0x6  }
0x16: {  	_ =	swait.ge @!p0 [sflag:s6], $0x4000  }
0x17: {  	[sflag:s6] =	ssyncset.done @!p0 $0x0  }
0x18: {  	[sflag:s6] =	ssyncadd.s32 @!p0 $0xFFFFC000  }
0x19: {  	s11 =	simm.s32 $0x2000;
	[bflag:$0x0] =	sbarrier.arrive $0xFFFF  }
0x1a: {  	[tilespmem:s11], [sflag:$0x1] =	stream.linear.gather [hbm4b:s4+s3], $0x200, $0x38;
	[tilespmem:$0x1D400] =	vst v63  }
0x1b: {  	s19 =	simm.s32 $0x2400  }
0x1c: {  	[tilespmem:s19], [sflag:$0x2] =	stream.linear.gather [hbm4b:s5+s3], $0x400, $0x38;
	[tilespmem:$0x1D400] =	vst v63  }
0x1d: {  	_ =	swait.ge [sflag:s13], $0x200  }
0x1e: {  	[sflag:s13] =	ssyncset.done $0x0  }
0x1f: {  	s20 =	simm.s32 $0x2C00;
	[sflag:s13] =	ssyncadd.s32 $0xFFFFFE00  }
0x20: {  	[tilespmem:s20], [sflag:$0x4] =	stream.indirect.gather [spmem:s2], $0x80, s11, s14, $0xb8;
	[tilespmem:$0x1D400] =	vst v63  }
0x21: {  	s21 =	simm.s32 $0x2080;
	s23 =	simm.s32 $0x6000  }
0x22: {  	[tilespmem:s23], [sflag:$0x4] =	stream.indirect.gather [spmem:s2], $0x80, s21, s14, $0xb8;
	[tilespmem:$0x1D400] =	vst v63  }
0x23: {  	s10 =	simm.s32 $0x9400;
	s9 =	simm.s32 $0x2100  }
0x24: {  	[tilespmem:s10], [sflag:$0x4] =	stream.indirect.gather [spmem:s2], $0x80, s9, s14, $0xb8;
	[tilespmem:$0x1D400] =	vst v63  }
0x25: {  	s19 =	simm.s32 $0xC800;
	s11 =	simm.s32 $0x2180  }
0x26: {  	[tilespmem:s19], [sflag:$0x4] =	stream.indirect.gather [spmem:s2], $0x80, s11, s14, $0xb8;
	[tilespmem:$0x1D400] =	vst v63  }
0x27: {  	s20 =	rddreg [dreg:$0x5]  }
0x28: {  	[tilespmem:s22], [sflag:$0x1] =	stream.linear.gather [hbm4b:s20+s3], $0x200, $0x38;
	[tilespmem:$0x1D400] =	vst v63  }
0x29: {  	s21 =	rddreg [dreg:$0x6];
	s23 =	simm.s32 $0x2800;
	s19 =	simm.s32 $0x0  }
0x2a: {  	[tilespmem:s23], [sflag:$0x2] =	stream.linear.gather [hbm4b:s21+s3], $0x400, $0x38;
	[tilespmem:$0x1D400] =	vst v63  }
.LBB2_2:
0x2b: {  	_ =	swait.ge [sflag:s13], $0x200  }
0x2c: {  	[sflag:s13] =	ssyncset.done $0x0  }
0x2d: {  	[sflag:s13] =	ssyncadd.s32 $0xFFFFFE00  }
0x2e: {  	[tilespmem:s24], [sflag:$0x5] =	stream.indirect.gather [spmem:s2], $0x80, s22, s14, $0xb8;
	[tilespmem:$0x1D400] =	vst v63  }
0x2f: {  	_ = 	snop  }
0x30: {  	[tilespmem:s26], [sflag:$0x5] =	stream.indirect.gather [spmem:s2], $0x80, s25, s14, $0xb8;
	[tilespmem:$0x1D400] =	vst v63  }
0x31: {  	_ = 	snop  }
0x32: {  	[tilespmem:s29], [sflag:$0x5] =	stream.indirect.gather [spmem:s2], $0x80, s28, s14, $0xb8;
	[tilespmem:$0x1D400] =	vst v63  }
0x33: {  	_ = 	snop  }
0x34: {  	[tilespmem:s31], [sflag:$0x5] =	stream.indirect.gather [spmem:s2], $0x80, s30, s14, $0xb8;
	[tilespmem:$0x1D400] =	vst v63  }
0x35: {  	_ =	swait.ge [sflag:s0], $0x3200  }
0x36: {  	[sflag:s0] =	ssyncset.done $0x0  }
0x37: {  	[sflag:s0] =	ssyncadd.s32 $0xFFFFCE00  }
0x38: {  	_ =	swait.ge [sflag:s0], $0x3200  }
0x39: {  	[sflag:s0] =	ssyncset.done $0x0  }
0x3a: {  	[sflag:s0] =	ssyncadd.s32 $0xFFFFCE00  }
0x3b: {  	_ =	swait.ge [sflag:s0], $0x3200  }
0x3c: {  	[sflag:s0] =	ssyncset.done $0x0  }
0x3d: {  	[sflag:s0] =	ssyncadd.s32 $0xFFFFCE00  }
0x3e: {  	_ =	swait.ge [sflag:s0], $0x3200  }
0x3f: {  	[sflag:s0] =	ssyncset.done $0x0  }
0x40: {  	[sflag:s0] =	ssyncadd.s32 $0xFFFFCE00  }
0x41: {  	_ =	swait.ge [sflag:s1], $0x400  }
0x42: {  	s20 =	simm.s32 $0x0;
	[sflag:s1] =	ssyncset.done $0x0  }
0x43: {  	s21 =	simm.s32 $0x2D40;
	s11 =	simm.s32 $0x4770;
	[sflag:s1] =	ssyncadd.s32 $0xFFFFFC00  }
.LBB2_3:
0x44: {  	v4 =	vld [tilespmem:s21+$0xC0]  }
0x45: {  	v5 =	vld [tilespmem:s21+$0xD0]  }
0x46: {  	v9 =	vld [tilespmem:s21+$0xE0]  }
0x47: {  	v10 =	vld [tilespmem:s21+$0xF0]  }
0x48: {  	v0 =	vld [tilespmem:s21+$0x100]  }
0x49: {  	v1 =	vld [tilespmem:s21+$0x110]  }
0x4a: {  	v6 =	vld [tilespmem:s21+$0x40]  }
0x4b: {  	v7 =	vld [tilespmem:s21+$0x50]  }
0x4c: {  	v8 =	vld [tilespmem:s21+$0x60]  }
0x4d: {  	v11 =	vld [tilespmem:s21+$0x70]  }
0x4e: {  	v3 =	vld [tilespmem:s21+$0x80]  }
0x4f: {  	v2 =	vld [tilespmem:s21+$0x90]  }
0x50: {  	v12 =	vld [tilespmem:s21+$0xFFFFFFC0]  }
0x51: {  	v13 =	vld [tilespmem:s21+$0xFFFFFFD0]  }
0x52: {  	v14 =	vld [tilespmem:s21+$0xFFFFFFE0]  }
0x53: {  	v15 =	vld [tilespmem:s21+$0xFFFFFFF0]  }
0x54: {  	v16 =	vld [tilespmem:s21+$0xFFFFFF40]  }
0x55: {  	v17 =	vld [tilespmem:s21+$0xFFFFFF50]  }
0x56: {  	v18 =	vld [tilespmem:s21+$0xFFFFFEC0]  }
0x57: {  	v19 =	vld [tilespmem:s21+$0xFFFFFED0]  }
0x58: {  	v20 =	vld [tilespmem:s21+$0xFFFFFEE0]  }
0x59: {  	v21 =	vld [tilespmem:s21+$0xFFFFFEF0]  }
0x5a: {  	v22 =	vld [tilespmem:s21+$0xFFFFFF60]  }
0x5b: {  	v23 =	vld [tilespmem:s21+$0xFFFFFF70]  }
0x5c: {  	v24 =	vimm.f32 $0.0e+00;
	v25 =	vld [tilespmem:s21+$0x0]  }
0x5d: {  	v26 =	vld [tilespmem:s21+$0x10];
	v18 =	vadd.f32 v18, v24;
	v19 =	vadd.f32 v19, v24  }
0x5e: {  	v27 =	vld [tilespmem:s21+$0xFFFFFF80];
	v20 =	vadd.f32 v20, v24;
	v21 =	vadd.f32 v21, v24  }
0x5f: {  	v63 =	vld [tilespmem:s21+$0xFFFFFF10];
	v16 =	vadd.f32 v16, v18;
	v17 =	vadd.f32 v17, v19  }
0x60: {  	v18 =	vld [tilespmem:s21+$0xFFFFFF90];
	v20 =	vadd.f32 v22, v20;
	v21 =	vadd.f32 v23, v21  }
0x61: {  	v19 =	vld [tilespmem:s21+$0xFFFFFF00];
	v12 =	vadd.f32 v12, v16;
	v13 =	vadd.f32 v13, v17  }
0x62: {  	v16 =	vld [tilespmem:s21+$0xFFFFFF20];
	v14 =	vadd.f32 v14, v20;
	v15 =	vadd.f32 v15, v21  }
0x63: {  	v17 =	vld [tilespmem:s21+$0xFFFFFF30];
	v6 =	vadd.f32 v6, v12;
	v12 =	vadd.f32 v7, v13  }
0x64: {  	v13 =	vld [tilespmem:s21+$0xFFFFFFA0];
	v14 =	vadd.f32 v8, v14;
	v11 =	vadd.f32 v11, v15  }
0x65: {  	v15 =	vld [tilespmem:s21+$0xFFFFFFB0];
	v7 =	vadd.f32 v4, v6;
	v6 =	vadd.f32 v5, v12  }
0x66: {  	v8 =	vld [tilespmem:s21+$0x20];
	v5 =	vadd.f32 v9, v14;
	v4 =	vadd.f32 v10, v11  }
0x67: {  	v10 =	vadd.f32 v19, v24;
	v11 =	vadd.f32 v63, v24;
	v12 =	vld [tilespmem:s21+$0x30]  }
0x68: {  	v9 =	vld [tilespmem:s21+$0xA0];
	v14 =	vadd.f32 v16, v24;
	v16 =	vadd.f32 v17, v24  }
0x69: {  	v17 =	vadd.f32 v27, v10;
	v18 =	vadd.f32 v18, v11;
	v11 =	vld [tilespmem:s21+$0xB0]  }
0x6a: {  	v10 =	vld [tilespmem:s21+$0x120];
	v14 =	vadd.f32 v13, v14;
	v16 =	vadd.f32 v15, v16  }
0x6b: {  	s6 =	simm.s32 $0x0;
	s7 =	sadd.s32 $0x280, s21;
	v13 =	vld [tilespmem:s21+$0x130];
	v17 =	vadd.f32 v25, v17;
	v15 =	vadd.f32 v26, v18  }
.LBB2_4:
0x6c: {  	v18 =	vld [tilespmem:s7+$0xC0];
	v8 =	vadd.f32 v8, v14;
	v12 =	vadd.f32 v12, v16  }
0x6d: {  	v14 =	vld [tilespmem:s7+$0xD0];
	v3 =	vadd.f32 v3, v17;
	v2 =	vadd.f32 v2, v15  }
0x6e: {  	v15 =	vld [tilespmem:s7+$0xE0];
	v8 =	vadd.f32 v9, v8;
	v9 =	vadd.f32 v11, v12  }
0x6f: {  	v11 =	vld [tilespmem:s7+$0xF0];
	v12 =	vadd.f32 v0, v3;
	v16 =	vadd.f32 v1, v2  }
0x70: {  	v0 =	vld [tilespmem:s7+$0x100];
	v10 =	vadd.f32 v10, v8;
	v9 =	vadd.f32 v13, v9  }
0x71: {  	v1 =	vld [tilespmem:s7+$0x110]  }
0x72: {  	v8 =	vld [tilespmem:s7+$0x40]  }
0x73: {  	v13 =	vld [tilespmem:s7+$0x50]  }
0x74: {  	v17 =	vld [tilespmem:s7+$0x60]  }
0x75: {  	v19 =	vld [tilespmem:s7+$0x70]  }
0x76: {  	v3 =	vld [tilespmem:s7+$0x80]  }
0x77: {  	v2 =	vld [tilespmem:s7+$0x90]  }
0x78: {  	v20 =	vld [tilespmem:s7+$0xFFFFFFC0]  }
0x79: {  	v21 =	vld [tilespmem:s7+$0xFFFFFFD0]  }
0x7a: {  	v22 =	vld [tilespmem:s7+$0xFFFFFFE0]  }
0x7b: {  	v23 =	vld [tilespmem:s7+$0xFFFFFFF0]  }
0x7c: {  	v24 =	vld [tilespmem:s7+$0xFFFFFF40]  }
0x7d: {  	v25 =	vld [tilespmem:s7+$0xFFFFFF50]  }
0x7e: {  	v26 =	vld [tilespmem:s7+$0xFFFFFEC0]  }
0x7f: {  	v27 =	vld [tilespmem:s7+$0xFFFFFED0]  }
0x80: {  	v28 =	vld [tilespmem:s7+$0xFFFFFEE0]  }
0x81: {  	v29 =	vld [tilespmem:s7+$0xFFFFFEF0]  }
0x82: {  	v30 =	vld [tilespmem:s7+$0xFFFFFF60]  }
0x83: {  	v31 =	vld [tilespmem:s7+$0xFFFFFF70]  }
0x84: {  	v32 =	vld [tilespmem:s7+$0x0]  }
0x85: {  	v7 =	vadd.f32 v26, v7;
	v6 =	vadd.f32 v27, v6;
	v26 =	vld [tilespmem:s7+$0x10]  }
0x86: {  	v5 =	vadd.f32 v28, v5;
	v4 =	vadd.f32 v29, v4;
	v27 =	vld [tilespmem:s7+$0xFFFFFF80]  }
0x87: {  	v7 =	vadd.f32 v24, v7;
	v6 =	vadd.f32 v25, v6;
	v24 =	vld [tilespmem:s7+$0xFFFFFF90]  }
0x88: {  	v5 =	vadd.f32 v30, v5;
	v25 =	vld [tilespmem:s7+$0xFFFFFF00];
	v4 =	vadd.f32 v31, v4  }
0x89: {  	v7 =	vadd.f32 v20, v7;
	v6 =	vadd.f32 v21, v6;
	v28 =	vld [tilespmem:s7+$0xFFFFFF10]  }
0x8a: {  	v5 =	vadd.f32 v22, v5;
	v20 =	vld [tilespmem:s7+$0xFFFFFF20];
	v4 =	vadd.f32 v23, v4  }
0x8b: {  	s6 =	sadd.s32 $0x5, s6;
	v7 =	vadd.f32 v8, v7;
	v6 =	vadd.f32 v13, v6;
	v21 =	vld [tilespmem:s7+$0xFFFFFF30]  }
0x8c: {  	p1 =	slt.u32 s6, $0x2D;
	v5 =	vadd.f32 v17, v5;
	v13 =	vld [tilespmem:s7+$0xFFFFFFA0];
	v4 =	vadd.f32 v19, v4  }
0x8d: {  	v7 =	vadd.f32 v18, v7;
	v6 =	vadd.f32 v14, v6;
	v17 =	vld [tilespmem:s7+$0xFFFFFFB0]  }
0x8e: {  	v5 =	vadd.f32 v15, v5;
	v8 =	vld [tilespmem:s7+$0x20];
	v4 =	vadd.f32 v11, v4  }
.Ltmp0:
0x8f: {  	v11 =	vadd.f32 v25, v12;
	v14 =	vadd.f32 v28, v16;
	v12 =	vld [tilespmem:s7+$0x30];
	(pc) =	sbr.rel @p1 .LBB2_4-.Ltmp0, $4  }
0x90: {  	v10 =	vadd.f32 v20, v10;
	v15 =	vadd.f32 v21, v9;
	v9 =	vld [tilespmem:s7+$0xA0]  }
0x91: {  	v18 =	vadd.f32 v27, v11;
	v19 =	vadd.f32 v24, v14;
	v11 =	vld [tilespmem:s7+$0xB0]  }
0x92: {  	v14 =	vadd.f32 v13, v10;
	v16 =	vadd.f32 v17, v15;
	v10 =	vld [tilespmem:s7+$0x120]  }
0x93: {  	v17 =	vadd.f32 v32, v18;
	v15 =	vadd.f32 v26, v19;
	v13 =	vld [tilespmem:s7+$0x130];
	s7 =	sadd.s32 $0x280, s7  }
0x94: {  	v12 =	vadd.f32 v12, v16;
	s6 =	sshll.u32 s20, $0x8  }
0x95: {  	v8 =	vadd.f32 v8, v14;
	v3 =	vadd.f32 v3, v17;
	v14 =	vld [tilespmem:s6+$0x2400];
	[tilespmem:s6+$0x1CC00] =	vst v7  }
0x96: {  	v2 =	vadd.f32 v2, v15;
	[tilespmem:s6+$0x1CC10] =	vst v6;
	v7 =	vadd.f32 v11, v12  }
0x97: {  	[tilespmem:s6+$0x1CC20] =	vst v5;
	v6 =	vadd.f32 v9, v8;
	v0 =	vadd.f32 v0, v3  }
0x98: {  	[tilespmem:s6+$0x1CC30] =	vst v4;
	v1 =	vadd.f32 v1, v2;
	v2 =	vadd.f32 v13, v7  }
0x99: {  	v3 =	vadd.f32 v10, v6;
	[tilespmem:s6+$0x1CC40] =	vst v0  }
0x9a: {  	[tilespmem:s6+$0x1CC50] =	vst v1;
	v0 =	vadd.f32 v14, v2  }
0x9b: {  	[tilespmem:s6+$0x1CC60] =	vst v3  }
0x9c: {  	[tilespmem:s6+$0x1CC70] =	vst v0  }
0x9d: {  	v4 =	vld [tilespmem:s11+$0xFFFFFF90]  }
0x9e: {  	v5 =	vld [tilespmem:s11+$0xFFFFFFA0]  }
0x9f: {  	v9 =	vld [tilespmem:s11+$0xFFFFFFB0]  }
0xa0: {  	v10 =	vld [tilespmem:s11+$0xFFFFFFC0]  }
0xa1: {  	v0 =	vld [tilespmem:s11+$0xFFFFFFD0]  }
0xa2: {  	v1 =	vld [tilespmem:s11+$0xFFFFFFE0]  }
0xa3: {  	v6 =	vld [tilespmem:s11+$0xFFFFFF10]  }
0xa4: {  	v7 =	vld [tilespmem:s11+$0xFFFFFF20]  }
0xa5: {  	v8 =	vld [tilespmem:s11+$0xFFFFFF30]  }
0xa6: {  	v11 =	vld [tilespmem:s11+$0xFFFFFF40]  }
0xa7: {  	v3 =	vld [tilespmem:s11+$0xFFFFFF50]  }
0xa8: {  	v2 =	vld [tilespmem:s11+$0xFFFFFF60]  }
0xa9: {  	v12 =	vld [tilespmem:s11+$0xFFFFFE90]  }
0xaa: {  	v13 =	vld [tilespmem:s11+$0xFFFFFEA0]  }
0xab: {  	v14 =	vld [tilespmem:s11+$0xFFFFFEB0]  }
0xac: {  	v15 =	vld [tilespmem:s11+$0xFFFFFEC0]  }
0xad: {  	v16 =	vld [tilespmem:s11+$0xFFFFFE10]  }
0xae: {  	v17 =	vld [tilespmem:s11+$0xFFFFFE20]  }
0xaf: {  	v18 =	vld [tilespmem:s11+$0xFFFFFD90]  }
0xb0: {  	v19 =	vld [tilespmem:s11+$0xFFFFFDA0]  }
0xb1: {  	v20 =	vld [tilespmem:s11+$0xFFFFFDB0]  }
0xb2: {  	v21 =	vld [tilespmem:s11+$0xFFFFFDC0]  }
0xb3: {  	v22 =	vld [tilespmem:s11+$0xFFFFFE30]  }
0xb4: {  	v23 =	vld [tilespmem:s11+$0xFFFFFE40]  }
0xb5: {  	v24 =	vimm.f32 $0.0e+00;
	v25 =	vld [tilespmem:s11+$0xFFFFFED0]  }
0xb6: {  	v26 =	vld [tilespmem:s11+$0xFFFFFEE0];
	v18 =	vadd.f32 v18, v24;
	v19 =	vadd.f32 v19, v24  }
0xb7: {  	v27 =	vld [tilespmem:s11+$0xFFFFFE50];
	v20 =	vadd.f32 v20, v24;
	v21 =	vadd.f32 v21, v24  }
0xb8: {  	v63 =	vld [tilespmem:s11+$0xFFFFFDE0];
	v16 =	vadd.f32 v16, v18;
	v17 =	vadd.f32 v17, v19  }
0xb9: {  	v18 =	vld [tilespmem:s11+$0xFFFFFE60];
	v20 =	vadd.f32 v22, v20;
	v21 =	vadd.f32 v23, v21  }
0xba: {  	v19 =	vld [tilespmem:s11+$0xFFFFFDD0];
	v12 =	vadd.f32 v12, v16;
	v13 =	vadd.f32 v13, v17  }
0xbb: {  	v16 =	vld [tilespmem:s11+$0xFFFFFDF0];
	v14 =	vadd.f32 v14, v20;
	v15 =	vadd.f32 v15, v21  }
0xbc: {  	v17 =	vld [tilespmem:s11+$0xFFFFFE00];
	v6 =	vadd.f32 v6, v12;
	v12 =	vadd.f32 v7, v13  }
0xbd: {  	v13 =	vld [tilespmem:s11+$0xFFFFFE70];
	v14 =	vadd.f32 v8, v14;
	v11 =	vadd.f32 v11, v15  }
0xbe: {  	v15 =	vld [tilespmem:s11+$0xFFFFFE80];
	v7 =	vadd.f32 v4, v6;
	v6 =	vadd.f32 v5, v12  }
0xbf: {  	v8 =	vld [tilespmem:s11+$0xFFFFFEF0];
	v5 =	vadd.f32 v9, v14;
	v4 =	vadd.f32 v10, v11  }
0xc0: {  	v10 =	vadd.f32 v19, v24;
	v12 =	vadd.f32 v63, v24;
	v11 =	vld [tilespmem:s11+$0xFFFFFF00]  }
0xc1: {  	v9 =	vld [tilespmem:s11+$0xFFFFFF70];
	v14 =	vadd.f32 v16, v24;
	v16 =	vadd.f32 v17, v24  }
0xc2: {  	v17 =	vadd.f32 v27, v10;
	v18 =	vadd.f32 v18, v12;
	v12 =	vld [tilespmem:s11+$0xFFFFFF80]  }
0xc3: {  	v10 =	vld [tilespmem:s11+$0xFFFFFFF0];
	v14 =	vadd.f32 v13, v14;
	v16 =	vadd.f32 v15, v16  }
0xc4: {  	s7 =	simm.s32 $0x0;
	s9 =	sadd.s32 $0x280, s11;
	v13 =	vld [tilespmem:s11+$0x0];
	v17 =	vadd.f32 v25, v17;
	v15 =	vadd.f32 v26, v18  }
.LBB2_6:
0xc5: {  	v18 =	vld [tilespmem:s9+$0xFFFFFF90];
	v8 =	vadd.f32 v8, v14;
	v11 =	vadd.f32 v11, v16  }
0xc6: {  	v14 =	vld [tilespmem:s9+$0xFFFFFFA0];
	v3 =	vadd.f32 v3, v17;
	v2 =	vadd.f32 v2, v15  }
0xc7: {  	v15 =	vld [tilespmem:s9+$0xFFFFFFB0];
	v8 =	vadd.f32 v9, v8;
	v9 =	vadd.f32 v12, v11  }
0xc8: {  	v11 =	vld [tilespmem:s9+$0xFFFFFFC0];
	v12 =	vadd.f32 v0, v3;
	v16 =	vadd.f32 v1, v2  }
0xc9: {  	v0 =	vld [tilespmem:s9+$0xFFFFFFD0];
	v10 =	vadd.f32 v10, v8;
	v9 =	vadd.f32 v13, v9  }
0xca: {  	v1 =	vld [tilespmem:s9+$0xFFFFFFE0]  }
0xcb: {  	v8 =	vld [tilespmem:s9+$0xFFFFFF10]  }
0xcc: {  	v13 =	vld [tilespmem:s9+$0xFFFFFF20]  }
0xcd: {  	v17 =	vld [tilespmem:s9+$0xFFFFFF30]  }
0xce: {  	v19 =	vld [tilespmem:s9+$0xFFFFFF40]  }
0xcf: {  	v3 =	vld [tilespmem:s9+$0xFFFFFF50]  }
0xd0: {  	v2 =	vld [tilespmem:s9+$0xFFFFFF60]  }
0xd1: {  	v20 =	vld [tilespmem:s9+$0xFFFFFE90]  }
0xd2: {  	v21 =	vld [tilespmem:s9+$0xFFFFFEA0]  }
0xd3: {  	v22 =	vld [tilespmem:s9+$0xFFFFFEB0]  }
0xd4: {  	v23 =	vld [tilespmem:s9+$0xFFFFFEC0]  }
0xd5: {  	v24 =	vld [tilespmem:s9+$0xFFFFFE10]  }
0xd6: {  	v25 =	vld [tilespmem:s9+$0xFFFFFE20]  }
0xd7: {  	v26 =	vld [tilespmem:s9+$0xFFFFFD90]  }
0xd8: {  	v27 =	vld [tilespmem:s9+$0xFFFFFDA0]  }
0xd9: {  	v28 =	vld [tilespmem:s9+$0xFFFFFDB0]  }
0xda: {  	v29 =	vld [tilespmem:s9+$0xFFFFFDC0]  }
0xdb: {  	v30 =	vld [tilespmem:s9+$0xFFFFFE30]  }
0xdc: {  	v31 =	vld [tilespmem:s9+$0xFFFFFE40]  }
0xdd: {  	v32 =	vld [tilespmem:s9+$0xFFFFFED0]  }
0xde: {  	v7 =	vadd.f32 v26, v7;
	v6 =	vadd.f32 v27, v6;
	v26 =	vld [tilespmem:s9+$0xFFFFFEE0]  }
0xdf: {  	v5 =	vadd.f32 v28, v5;
	v4 =	vadd.f32 v29, v4;
	v27 =	vld [tilespmem:s9+$0xFFFFFE50]  }
0xe0: {  	v7 =	vadd.f32 v24, v7;
	v6 =	vadd.f32 v25, v6;
	v24 =	vld [tilespmem:s9+$0xFFFFFE60]  }
0xe1: {  	v5 =	vadd.f32 v30, v5;
	v25 =	vld [tilespmem:s9+$0xFFFFFDD0];
	v4 =	vadd.f32 v31, v4  }
0xe2: {  	v7 =	vadd.f32 v20, v7;
	v6 =	vadd.f32 v21, v6;
	v28 =	vld [tilespmem:s9+$0xFFFFFDE0]  }
0xe3: {  	v5 =	vadd.f32 v22, v5;
	v20 =	vld [tilespmem:s9+$0xFFFFFDF0];
	v4 =	vadd.f32 v23, v4  }
0xe4: {  	s7 =	sadd.s32 $0x5, s7;
	v7 =	vadd.f32 v8, v7;
	v6 =	vadd.f32 v13, v6;
	v21 =	vld [tilespmem:s9+$0xFFFFFE00]  }
0xe5: {  	p1 =	slt.u32 s7, $0x2D;
	v5 =	vadd.f32 v17, v5;
	v13 =	vld [tilespmem:s9+$0xFFFFFE70];
	v4 =	vadd.f32 v19, v4  }
0xe6: {  	v7 =	vadd.f32 v18, v7;
	v6 =	vadd.f32 v14, v6;
	v17 =	vld [tilespmem:s9+$0xFFFFFE80]  }
0xe7: {  	v5 =	vadd.f32 v15, v5;
	v8 =	vld [tilespmem:s9+$0xFFFFFEF0];
	v4 =	vadd.f32 v11, v4  }
.Ltmp1:
0xe8: {  	v12 =	vadd.f32 v25, v12;
	v14 =	vadd.f32 v28, v16;
	v11 =	vld [tilespmem:s9+$0xFFFFFF00];
	(pc) =	sbr.rel @p1 .LBB2_6-.Ltmp1, $4  }
0xe9: {  	v10 =	vadd.f32 v20, v10;
	v15 =	vadd.f32 v21, v9;
	v9 =	vld [tilespmem:s9+$0xFFFFFF70]  }
0xea: {  	v18 =	vadd.f32 v27, v12;
	v19 =	vadd.f32 v24, v14;
	v12 =	vld [tilespmem:s9+$0xFFFFFF80]  }
0xeb: {  	v14 =	vadd.f32 v13, v10;
	v16 =	vadd.f32 v17, v15;
	v10 =	vld [tilespmem:s9+$0xFFFFFFF0]  }
0xec: {  	v17 =	vadd.f32 v32, v18;
	v15 =	vadd.f32 v26, v19;
	v13 =	vld [tilespmem:s9+$0x0];
	s9 =	sadd.s32 $0x280, s9  }
0xed: {  	v11 =	vadd.f32 v11, v16  }
0xee: {  	v8 =	vadd.f32 v8, v14;
	v58 =	vld [tilespmem:s6+$0x2480];
	[tilespmem:s6+$0x1CC80] =	vst v7;
	v3 =	vadd.f32 v3, v17  }
0xef: {  	[tilespmem:s6+$0x1CC90] =	vst v6;
	s20 =	sadd.s32 $0x1, s20;
	v2 =	vadd.f32 v2, v15;
	v59 =	vadd.f32 v12, v11  }
0xf0: {  	[tilespmem:s6+$0x1CCA0] =	vst v5;
	p1 =	sne.s32 s20, $0x4;
	v60 =	vadd.f32 v9, v8;
	v0 =	vadd.f32 v0, v3  }
.Ltmp2:
0xf1: {  	[tilespmem:s6+$0x1CCB0] =	vst v4;
	v1 =	vadd.f32 v1, v2;
	v61 =	vadd.f32 v13, v59;
	(pc) =	sbr.rel @p1 .LBB2_3-.Ltmp2, $4  }
0xf2: {  	v62 =	vadd.f32 v10, v60;
	[tilespmem:s6+$0x1CCC0] =	vst v0  }
0xf3: {  	[tilespmem:s6+$0x1CCD0] =	vst v1;
	v63 =	vadd.f32 v58, v61  }
0xf4: {  	[tilespmem:s6+$0x1CCE0] =	vst v62  }
0xf5: {  	s21 =	sadd.s32 $0x3400, s21;
	s11 =	sadd.s32 $0x3400, s11;
	[tilespmem:s6+$0x1CCF0] =	vst v63  }
0xf6: {  	s20 =	sshll.u32 s19, $0x1;
	p1 =	seq.s32 s19, $0x1F  }
0xf7: {  	s6 =	sadd.s32 @!p1 $0x2, s20  }
0xf8: {  	s9 =	simm.s32 @!p1 $0x0;
	s10 =	simm.s32 @!p1 $0x2000;
	s7 =	sshll.u32 @!p1 s6, $0x6  }
0xf9: {  	p2 =	seq.s32 @!p1 s19, $0x0;
	s6 =	sshll.u32 @!p1 s6, $0x7;
	s7 =	sadd.s32 @!p1 s7, s4  }
0xfa: {  	[tilespmem:s10], [sflag:$0x1] =	stream.linear.gather @!p1 [hbm4b:s7+s9], $0x200, $0x38;
	[tilespmem:$0x1D400] =	vst v63  }
0xfb: {  	p2 =	por p1, !p2;
	s6 =	sadd.s32 @!p1 s6, s5;
	s7 =	simm.s32 @!p1 $0x2400  }
0xfc: {  	[tilespmem:s7], [sflag:$0x2] =	stream.linear.gather @!p1 [hbm4b:s6+s9], $0x400, $0x38;
	[tilespmem:$0x1D400] =	vst v63  }
0xfd: {  	_ =	swait.ge @p2 [sflag:s16], $0x400  }
0xfe: {  	s23 =	sshll.u32 s19, $0x8;
	s21 =	sor.u32 $0x1, s20;
	[sflag:s16] =	ssyncset.done @p2 $0x0  }
0xff: {  	s6 =	sadd.s32 s23, s8;
	[sflag:s16] =	ssyncadd.s32 @p2 $0xFFFFFC00;
	p2 =	sgt.u32 s21, $0x3E  }
0x100: {  	[hbm4b:s6+s3] =	stream.linear.scatter [tilespmem:s12], [sflag:$0x3], $0x400, $0x38;
	[tilespmem:$0x1D400] =	vst v63  }
0x101: {  	s6 =	simm.s32 @!p2 $0x1  }
0x102: {  	_ =	swait.ge @!p2 [sflag:s6], $0x200  }
0x103: {  	s7 =	simm.s32 @!p2 $0x2000;
	[sflag:s6] =	ssyncset.done @!p2 $0x0  }
0x104: {  	s9 =	simm.s32 @!p2 $0x2C00;
	[sflag:s6] =	ssyncadd.s32 @!p2 $0xFFFFFE00;
	s6 =	simm.s32 @!p2 $0x64  }
0x105: {  	[tilespmem:s9], [sflag:$0x4] =	stream.indirect.gather @!p2 [spmem:s2], $0x80, s7, s6, $0xb8;
	[tilespmem:$0x1D400] =	vst v63  }
0x106: {  	s7 =	simm.s32 @!p2 $0x2080;
	s9 =	simm.s32 @!p2 $0x6000  }
0x107: {  	[tilespmem:s9], [sflag:$0x4] =	stream.indirect.gather @!p2 [spmem:s2], $0x80, s7, s6, $0xb8;
	[tilespmem:$0x1D400] =	vst v63  }
0x108: {  	s7 =	simm.s32 @!p2 $0x2100;
	s9 =	simm.s32 @!p2 $0x9400  }
0x109: {  	[tilespmem:s9], [sflag:$0x4] =	stream.indirect.gather @!p2 [spmem:s2], $0x80, s7, s6, $0xb8;
	[tilespmem:$0x1D400] =	vst v63  }
0x10a: {  	s7 =	simm.s32 @!p2 $0x2180;
	s9 =	simm.s32 @!p2 $0xC800  }
0x10b: {  	[tilespmem:s9], [sflag:$0x4] =	stream.indirect.gather @!p2 [spmem:s2], $0x80, s7, s6, $0xb8;
	[tilespmem:$0x1D400] =	vst v63  }
0x10c: {  	_ =	swait.ge [sflag:s15], $0x3200  }
0x10d: {  	[sflag:s15] =	ssyncset.done $0x0  }
0x10e: {  	[sflag:s15] =	ssyncadd.s32 $0xFFFFCE00  }
0x10f: {  	_ =	swait.ge [sflag:s15], $0x3200  }
0x110: {  	[sflag:s15] =	ssyncset.done $0x0  }
0x111: {  	[sflag:s15] =	ssyncadd.s32 $0xFFFFCE00  }
0x112: {  	_ =	swait.ge [sflag:s15], $0x3200  }
0x113: {  	[sflag:s15] =	ssyncset.done $0x0  }
0x114: {  	[sflag:s15] =	ssyncadd.s32 $0xFFFFCE00  }
0x115: {  	_ =	swait.ge [sflag:s15], $0x3200  }
0x116: {  	[sflag:s15] =	ssyncset.done $0x0  }
0x117: {  	[sflag:s15] =	ssyncadd.s32 $0xFFFFCE00  }
0x118: {  	_ =	swait.ge [sflag:s1], $0x400  }
0x119: {  	s11 =	simm.s32 $0xFD40;
	[sflag:s1] =	ssyncset.done $0x0  }
0x11a: {  	s23 =	simm.s32 $0x0;
	s6 =	simm.s32 $0x11770;
	[sflag:s1] =	ssyncadd.s32 $0xFFFFFC00  }
.LBB2_9:
0x11b: {  	v4 =	vld [tilespmem:s11+$0xC0]  }
0x11c: {  	v5 =	vld [tilespmem:s11+$0xD0]  }
0x11d: {  	v9 =	vld [tilespmem:s11+$0xE0]  }
0x11e: {  	v10 =	vld [tilespmem:s11+$0xF0]  }
0x11f: {  	v0 =	vld [tilespmem:s11+$0x100]  }
0x120: {  	v1 =	vld [tilespmem:s11+$0x110]  }
0x121: {  	v6 =	vld [tilespmem:s11+$0x40]  }
0x122: {  	v7 =	vld [tilespmem:s11+$0x50]  }
0x123: {  	v8 =	vld [tilespmem:s11+$0x60]  }
0x124: {  	v11 =	vld [tilespmem:s11+$0x70]  }
0x125: {  	v3 =	vld [tilespmem:s11+$0x80]  }
0x126: {  	v2 =	vld [tilespmem:s11+$0x90]  }
0x127: {  	v12 =	vld [tilespmem:s11+$0xFFFFFFC0]  }
0x128: {  	v13 =	vld [tilespmem:s11+$0xFFFFFFD0]  }
0x129: {  	v14 =	vld [tilespmem:s11+$0xFFFFFFE0]  }
0x12a: {  	v15 =	vld [tilespmem:s11+$0xFFFFFFF0]  }
0x12b: {  	v16 =	vld [tilespmem:s11+$0xFFFFFF40]  }
0x12c: {  	v17 =	vld [tilespmem:s11+$0xFFFFFF50]  }
0x12d: {  	v18 =	vld [tilespmem:s11+$0xFFFFFEC0]  }
0x12e: {  	v19 =	vld [tilespmem:s11+$0xFFFFFED0]  }
0x12f: {  	v20 =	vld [tilespmem:s11+$0xFFFFFEE0]  }
0x130: {  	v21 =	vld [tilespmem:s11+$0xFFFFFEF0]  }
0x131: {  	v22 =	vld [tilespmem:s11+$0xFFFFFF60]  }
0x132: {  	v23 =	vld [tilespmem:s11+$0xFFFFFF70]  }
0x133: {  	v24 =	vimm.f32 $0.0e+00;
	v25 =	vld [tilespmem:s11+$0x0]  }
0x134: {  	v26 =	vld [tilespmem:s11+$0x10];
	v18 =	vadd.f32 v18, v24;
	v19 =	vadd.f32 v19, v24  }
0x135: {  	v27 =	vld [tilespmem:s11+$0xFFFFFF80];
	v20 =	vadd.f32 v20, v24;
	v21 =	vadd.f32 v21, v24  }
0x136: {  	v63 =	vld [tilespmem:s11+$0xFFFFFF10];
	v16 =	vadd.f32 v16, v18;
	v17 =	vadd.f32 v17, v19  }
0x137: {  	v18 =	vld [tilespmem:s11+$0xFFFFFF90];
	v20 =	vadd.f32 v22, v20;
	v21 =	vadd.f32 v23, v21  }
0x138: {  	v19 =	vld [tilespmem:s11+$0xFFFFFF00];
	v12 =	vadd.f32 v12, v16;
	v13 =	vadd.f32 v13, v17  }
0x139: {  	v16 =	vld [tilespmem:s11+$0xFFFFFF20];
	v14 =	vadd.f32 v14, v20;
	v15 =	vadd.f32 v15, v21  }
0x13a: {  	v17 =	vld [tilespmem:s11+$0xFFFFFF30];
	v6 =	vadd.f32 v6, v12;
	v12 =	vadd.f32 v7, v13  }
0x13b: {  	v13 =	vld [tilespmem:s11+$0xFFFFFFA0];
	v14 =	vadd.f32 v8, v14;
	v11 =	vadd.f32 v11, v15  }
0x13c: {  	v15 =	vld [tilespmem:s11+$0xFFFFFFB0];
	v7 =	vadd.f32 v4, v6;
	v6 =	vadd.f32 v5, v12  }
0x13d: {  	v8 =	vld [tilespmem:s11+$0x20];
	v5 =	vadd.f32 v9, v14;
	v4 =	vadd.f32 v10, v11  }
0x13e: {  	v10 =	vadd.f32 v19, v24;
	v11 =	vadd.f32 v63, v24;
	v12 =	vld [tilespmem:s11+$0x30]  }
0x13f: {  	v9 =	vld [tilespmem:s11+$0xA0];
	v14 =	vadd.f32 v16, v24;
	v16 =	vadd.f32 v17, v24  }
0x140: {  	v17 =	vadd.f32 v27, v10;
	v18 =	vadd.f32 v18, v11;
	v11 =	vld [tilespmem:s11+$0xB0]  }
0x141: {  	v10 =	vld [tilespmem:s11+$0x120];
	v14 =	vadd.f32 v13, v14;
	v16 =	vadd.f32 v15, v16  }
0x142: {  	s7 =	simm.s32 $0x0;
	s9 =	sadd.s32 $0x280, s11;
	v13 =	vld [tilespmem:s11+$0x130];
	v17 =	vadd.f32 v25, v17;
	v15 =	vadd.f32 v26, v18  }
.LBB2_10:
0x143: {  	v18 =	vld [tilespmem:s9+$0xC0];
	v8 =	vadd.f32 v8, v14;
	v12 =	vadd.f32 v12, v16  }
0x144: {  	v14 =	vld [tilespmem:s9+$0xD0];
	v3 =	vadd.f32 v3, v17;
	v2 =	vadd.f32 v2, v15  }
0x145: {  	v15 =	vld [tilespmem:s9+$0xE0];
	v8 =	vadd.f32 v9, v8;
	v9 =	vadd.f32 v11, v12  }
0x146: {  	v11 =	vld [tilespmem:s9+$0xF0];
	v12 =	vadd.f32 v0, v3;
	v16 =	vadd.f32 v1, v2  }
0x147: {  	v0 =	vld [tilespmem:s9+$0x100];
	v10 =	vadd.f32 v10, v8;
	v9 =	vadd.f32 v13, v9  }
0x148: {  	v1 =	vld [tilespmem:s9+$0x110]  }
0x149: {  	v8 =	vld [tilespmem:s9+$0x40]  }
0x14a: {  	v13 =	vld [tilespmem:s9+$0x50]  }
0x14b: {  	v17 =	vld [tilespmem:s9+$0x60]  }
0x14c: {  	v19 =	vld [tilespmem:s9+$0x70]  }
0x14d: {  	v3 =	vld [tilespmem:s9+$0x80]  }
0x14e: {  	v2 =	vld [tilespmem:s9+$0x90]  }
0x14f: {  	v20 =	vld [tilespmem:s9+$0xFFFFFFC0]  }
0x150: {  	v21 =	vld [tilespmem:s9+$0xFFFFFFD0]  }
0x151: {  	v22 =	vld [tilespmem:s9+$0xFFFFFFE0]  }
0x152: {  	v23 =	vld [tilespmem:s9+$0xFFFFFFF0]  }
0x153: {  	v24 =	vld [tilespmem:s9+$0xFFFFFF40]  }
0x154: {  	v25 =	vld [tilespmem:s9+$0xFFFFFF50]  }
0x155: {  	v26 =	vld [tilespmem:s9+$0xFFFFFEC0]  }
0x156: {  	v27 =	vld [tilespmem:s9+$0xFFFFFED0]  }
0x157: {  	v28 =	vld [tilespmem:s9+$0xFFFFFEE0]  }
0x158: {  	v29 =	vld [tilespmem:s9+$0xFFFFFEF0]  }
0x159: {  	v30 =	vld [tilespmem:s9+$0xFFFFFF60]  }
0x15a: {  	v31 =	vld [tilespmem:s9+$0xFFFFFF70]  }
0x15b: {  	v32 =	vld [tilespmem:s9+$0x0]  }
0x15c: {  	v7 =	vadd.f32 v26, v7;
	v6 =	vadd.f32 v27, v6;
	v26 =	vld [tilespmem:s9+$0x10]  }
0x15d: {  	v5 =	vadd.f32 v28, v5;
	v4 =	vadd.f32 v29, v4;
	v27 =	vld [tilespmem:s9+$0xFFFFFF80]  }
0x15e: {  	v7 =	vadd.f32 v24, v7;
	v6 =	vadd.f32 v25, v6;
	v24 =	vld [tilespmem:s9+$0xFFFFFF90]  }
0x15f: {  	v5 =	vadd.f32 v30, v5;
	v25 =	vld [tilespmem:s9+$0xFFFFFF00];
	v4 =	vadd.f32 v31, v4  }
0x160: {  	v7 =	vadd.f32 v20, v7;
	v6 =	vadd.f32 v21, v6;
	v28 =	vld [tilespmem:s9+$0xFFFFFF10]  }
0x161: {  	v5 =	vadd.f32 v22, v5;
	v20 =	vld [tilespmem:s9+$0xFFFFFF20];
	v4 =	vadd.f32 v23, v4  }
0x162: {  	s7 =	sadd.s32 $0x5, s7;
	v7 =	vadd.f32 v8, v7;
	v6 =	vadd.f32 v13, v6;
	v21 =	vld [tilespmem:s9+$0xFFFFFF30]  }
0x163: {  	p2 =	slt.u32 s7, $0x2D;
	v5 =	vadd.f32 v17, v5;
	v13 =	vld [tilespmem:s9+$0xFFFFFFA0];
	v4 =	vadd.f32 v19, v4  }
0x164: {  	v7 =	vadd.f32 v18, v7;
	v6 =	vadd.f32 v14, v6;
	v17 =	vld [tilespmem:s9+$0xFFFFFFB0]  }
0x165: {  	v5 =	vadd.f32 v15, v5;
	v8 =	vld [tilespmem:s9+$0x20];
	v4 =	vadd.f32 v11, v4  }
.Ltmp3:
0x166: {  	v11 =	vadd.f32 v25, v12;
	v14 =	vadd.f32 v28, v16;
	v12 =	vld [tilespmem:s9+$0x30];
	(pc) =	sbr.rel @p2 .LBB2_10-.Ltmp3, $4  }
0x167: {  	v10 =	vadd.f32 v20, v10;
	v15 =	vadd.f32 v21, v9;
	v9 =	vld [tilespmem:s9+$0xA0]  }
0x168: {  	v18 =	vadd.f32 v27, v11;
	v19 =	vadd.f32 v24, v14;
	v11 =	vld [tilespmem:s9+$0xB0]  }
0x169: {  	v14 =	vadd.f32 v13, v10;
	v16 =	vadd.f32 v17, v15;
	v10 =	vld [tilespmem:s9+$0x120]  }
0x16a: {  	v17 =	vadd.f32 v32, v18;
	v15 =	vadd.f32 v26, v19;
	v13 =	vld [tilespmem:s9+$0x130];
	s9 =	sadd.s32 $0x280, s9  }
0x16b: {  	v12 =	vadd.f32 v12, v16;
	s7 =	sshll.u32 s23, $0x8  }
0x16c: {  	v8 =	vadd.f32 v8, v14;
	v3 =	vadd.f32 v3, v17;
	v14 =	vld [tilespmem:s7+$0x2800];
	[tilespmem:s7+$0x1D000] =	vst v7  }
0x16d: {  	v2 =	vadd.f32 v2, v15;
	[tilespmem:s7+$0x1D010] =	vst v6;
	v7 =	vadd.f32 v11, v12  }
0x16e: {  	[tilespmem:s7+$0x1D020] =	vst v5;
	v6 =	vadd.f32 v9, v8;
	v0 =	vadd.f32 v0, v3  }
0x16f: {  	[tilespmem:s7+$0x1D030] =	vst v4;
	v1 =	vadd.f32 v1, v2;
	v2 =	vadd.f32 v13, v7  }
0x170: {  	v3 =	vadd.f32 v10, v6;
	[tilespmem:s7+$0x1D040] =	vst v0  }
0x171: {  	[tilespmem:s7+$0x1D050] =	vst v1;
	v0 =	vadd.f32 v14, v2  }
0x172: {  	[tilespmem:s7+$0x1D060] =	vst v3  }
0x173: {  	[tilespmem:s7+$0x1D070] =	vst v0  }
0x174: {  	v4 =	vld [tilespmem:s6+$0xFFFFFF90]  }
0x175: {  	v5 =	vld [tilespmem:s6+$0xFFFFFFA0]  }
0x176: {  	v9 =	vld [tilespmem:s6+$0xFFFFFFB0]  }
0x177: {  	v10 =	vld [tilespmem:s6+$0xFFFFFFC0]  }
0x178: {  	v0 =	vld [tilespmem:s6+$0xFFFFFFD0]  }
0x179: {  	v1 =	vld [tilespmem:s6+$0xFFFFFFE0]  }
0x17a: {  	v6 =	vld [tilespmem:s6+$0xFFFFFF10]  }
0x17b: {  	v7 =	vld [tilespmem:s6+$0xFFFFFF20]  }
0x17c: {  	v8 =	vld [tilespmem:s6+$0xFFFFFF30]  }
0x17d: {  	v11 =	vld [tilespmem:s6+$0xFFFFFF40]  }
0x17e: {  	v3 =	vld [tilespmem:s6+$0xFFFFFF50]  }
0x17f: {  	v2 =	vld [tilespmem:s6+$0xFFFFFF60]  }
0x180: {  	v12 =	vld [tilespmem:s6+$0xFFFFFE90]  }
0x181: {  	v13 =	vld [tilespmem:s6+$0xFFFFFEA0]  }
0x182: {  	v14 =	vld [tilespmem:s6+$0xFFFFFEB0]  }
0x183: {  	v15 =	vld [tilespmem:s6+$0xFFFFFEC0]  }
0x184: {  	v16 =	vld [tilespmem:s6+$0xFFFFFE10]  }
0x185: {  	v17 =	vld [tilespmem:s6+$0xFFFFFE20]  }
0x186: {  	v18 =	vld [tilespmem:s6+$0xFFFFFD90]  }
0x187: {  	v19 =	vld [tilespmem:s6+$0xFFFFFDA0]  }
0x188: {  	v20 =	vld [tilespmem:s6+$0xFFFFFDB0]  }
0x189: {  	v21 =	vld [tilespmem:s6+$0xFFFFFDC0]  }
0x18a: {  	v22 =	vld [tilespmem:s6+$0xFFFFFE30]  }
0x18b: {  	v23 =	vld [tilespmem:s6+$0xFFFFFE40]  }
0x18c: {  	v24 =	vimm.f32 $0.0e+00;
	v25 =	vld [tilespmem:s6+$0xFFFFFED0]  }
0x18d: {  	v26 =	vld [tilespmem:s6+$0xFFFFFEE0];
	v18 =	vadd.f32 v18, v24;
	v19 =	vadd.f32 v19, v24  }
0x18e: {  	v27 =	vld [tilespmem:s6+$0xFFFFFE50];
	v20 =	vadd.f32 v20, v24;
	v21 =	vadd.f32 v21, v24  }
0x18f: {  	v63 =	vld [tilespmem:s6+$0xFFFFFDE0];
	v16 =	vadd.f32 v16, v18;
	v17 =	vadd.f32 v17, v19  }
0x190: {  	v18 =	vld [tilespmem:s6+$0xFFFFFE60];
	v20 =	vadd.f32 v22, v20;
	v21 =	vadd.f32 v23, v21  }
0x191: {  	v19 =	vld [tilespmem:s6+$0xFFFFFDD0];
	v12 =	vadd.f32 v12, v16;
	v13 =	vadd.f32 v13, v17  }
0x192: {  	v16 =	vld [tilespmem:s6+$0xFFFFFDF0];
	v14 =	vadd.f32 v14, v20;
	v15 =	vadd.f32 v15, v21  }
0x193: {  	v17 =	vld [tilespmem:s6+$0xFFFFFE00];
	v6 =	vadd.f32 v6, v12;
	v12 =	vadd.f32 v7, v13  }
0x194: {  	v13 =	vld [tilespmem:s6+$0xFFFFFE70];
	v14 =	vadd.f32 v8, v14;
	v11 =	vadd.f32 v11, v15  }
0x195: {  	v15 =	vld [tilespmem:s6+$0xFFFFFE80];
	v7 =	vadd.f32 v4, v6;
	v6 =	vadd.f32 v5, v12  }
0x196: {  	v8 =	vld [tilespmem:s6+$0xFFFFFEF0];
	v5 =	vadd.f32 v9, v14;
	v4 =	vadd.f32 v10, v11  }
0x197: {  	v10 =	vadd.f32 v19, v24;
	v12 =	vadd.f32 v63, v24;
	v11 =	vld [tilespmem:s6+$0xFFFFFF00]  }
0x198: {  	v9 =	vld [tilespmem:s6+$0xFFFFFF70];
	v14 =	vadd.f32 v16, v24;
	v16 =	vadd.f32 v17, v24  }
0x199: {  	v17 =	vadd.f32 v27, v10;
	v18 =	vadd.f32 v18, v12;
	v12 =	vld [tilespmem:s6+$0xFFFFFF80]  }
0x19a: {  	v10 =	vld [tilespmem:s6+$0xFFFFFFF0];
	v14 =	vadd.f32 v13, v14;
	v16 =	vadd.f32 v15, v16  }
0x19b: {  	s9 =	simm.s32 $0x0;
	s10 =	sadd.s32 $0x280, s6;
	v13 =	vld [tilespmem:s6+$0x0];
	v17 =	vadd.f32 v25, v17;
	v15 =	vadd.f32 v26, v18  }
.LBB2_12:
0x19c: {  	v18 =	vld [tilespmem:s10+$0xFFFFFF90];
	v8 =	vadd.f32 v8, v14;
	v11 =	vadd.f32 v11, v16  }
0x19d: {  	v14 =	vld [tilespmem:s10+$0xFFFFFFA0];
	v3 =	vadd.f32 v3, v17;
	v2 =	vadd.f32 v2, v15  }
0x19e: {  	v15 =	vld [tilespmem:s10+$0xFFFFFFB0];
	v8 =	vadd.f32 v9, v8;
	v9 =	vadd.f32 v12, v11  }
0x19f: {  	v11 =	vld [tilespmem:s10+$0xFFFFFFC0];
	v12 =	vadd.f32 v0, v3;
	v16 =	vadd.f32 v1, v2  }
0x1a0: {  	v0 =	vld [tilespmem:s10+$0xFFFFFFD0];
	v10 =	vadd.f32 v10, v8;
	v9 =	vadd.f32 v13, v9  }
0x1a1: {  	v1 =	vld [tilespmem:s10+$0xFFFFFFE0]  }
0x1a2: {  	v8 =	vld [tilespmem:s10+$0xFFFFFF10]  }
0x1a3: {  	v13 =	vld [tilespmem:s10+$0xFFFFFF20]  }
0x1a4: {  	v17 =	vld [tilespmem:s10+$0xFFFFFF30]  }
0x1a5: {  	v19 =	vld [tilespmem:s10+$0xFFFFFF40]  }
0x1a6: {  	v3 =	vld [tilespmem:s10+$0xFFFFFF50]  }
0x1a7: {  	v2 =	vld [tilespmem:s10+$0xFFFFFF60]  }
0x1a8: {  	v20 =	vld [tilespmem:s10+$0xFFFFFE90]  }
0x1a9: {  	v21 =	vld [tilespmem:s10+$0xFFFFFEA0]  }
0x1aa: {  	v22 =	vld [tilespmem:s10+$0xFFFFFEB0]  }
0x1ab: {  	v23 =	vld [tilespmem:s10+$0xFFFFFEC0]  }
0x1ac: {  	v24 =	vld [tilespmem:s10+$0xFFFFFE10]  }
0x1ad: {  	v25 =	vld [tilespmem:s10+$0xFFFFFE20]  }
0x1ae: {  	v26 =	vld [tilespmem:s10+$0xFFFFFD90]  }
0x1af: {  	v27 =	vld [tilespmem:s10+$0xFFFFFDA0]  }
0x1b0: {  	v28 =	vld [tilespmem:s10+$0xFFFFFDB0]  }
0x1b1: {  	v29 =	vld [tilespmem:s10+$0xFFFFFDC0]  }
0x1b2: {  	v30 =	vld [tilespmem:s10+$0xFFFFFE30]  }
0x1b3: {  	v31 =	vld [tilespmem:s10+$0xFFFFFE40]  }
0x1b4: {  	v32 =	vld [tilespmem:s10+$0xFFFFFED0]  }
0x1b5: {  	v7 =	vadd.f32 v26, v7;
	v6 =	vadd.f32 v27, v6;
	v26 =	vld [tilespmem:s10+$0xFFFFFEE0]  }
0x1b6: {  	v5 =	vadd.f32 v28, v5;
	v4 =	vadd.f32 v29, v4;
	v27 =	vld [tilespmem:s10+$0xFFFFFE50]  }
0x1b7: {  	v7 =	vadd.f32 v24, v7;
	v6 =	vadd.f32 v25, v6;
	v24 =	vld [tilespmem:s10+$0xFFFFFE60]  }
0x1b8: {  	v5 =	vadd.f32 v30, v5;
	v25 =	vld [tilespmem:s10+$0xFFFFFDD0];
	v4 =	vadd.f32 v31, v4  }
0x1b9: {  	v7 =	vadd.f32 v20, v7;
	v6 =	vadd.f32 v21, v6;
	v28 =	vld [tilespmem:s10+$0xFFFFFDE0]  }
0x1ba: {  	v5 =	vadd.f32 v22, v5;
	v20 =	vld [tilespmem:s10+$0xFFFFFDF0];
	v4 =	vadd.f32 v23, v4  }
0x1bb: {  	s9 =	sadd.s32 $0x5, s9;
	v7 =	vadd.f32 v8, v7;
	v6 =	vadd.f32 v13, v6;
	v21 =	vld [tilespmem:s10+$0xFFFFFE00]  }
0x1bc: {  	p2 =	slt.u32 s9, $0x2D;
	v5 =	vadd.f32 v17, v5;
	v13 =	vld [tilespmem:s10+$0xFFFFFE70];
	v4 =	vadd.f32 v19, v4  }
0x1bd: {  	v7 =	vadd.f32 v18, v7;
	v6 =	vadd.f32 v14, v6;
	v17 =	vld [tilespmem:s10+$0xFFFFFE80]  }
0x1be: {  	v5 =	vadd.f32 v15, v5;
	v8 =	vld [tilespmem:s10+$0xFFFFFEF0];
	v4 =	vadd.f32 v11, v4  }
.Ltmp4:
0x1bf: {  	v12 =	vadd.f32 v25, v12;
	v14 =	vadd.f32 v28, v16;
	v11 =	vld [tilespmem:s10+$0xFFFFFF00];
	(pc) =	sbr.rel @p2 .LBB2_12-.Ltmp4, $4  }
0x1c0: {  	v10 =	vadd.f32 v20, v10;
	v15 =	vadd.f32 v21, v9;
	v9 =	vld [tilespmem:s10+$0xFFFFFF70]  }
0x1c1: {  	v18 =	vadd.f32 v27, v12;
	v19 =	vadd.f32 v24, v14;
	v12 =	vld [tilespmem:s10+$0xFFFFFF80]  }
0x1c2: {  	v14 =	vadd.f32 v13, v10;
	v16 =	vadd.f32 v17, v15;
	v10 =	vld [tilespmem:s10+$0xFFFFFFF0]  }
0x1c3: {  	v17 =	vadd.f32 v32, v18;
	v15 =	vadd.f32 v26, v19;
	v13 =	vld [tilespmem:s10+$0x0];
	s10 =	sadd.s32 $0x280, s10  }
0x1c4: {  	v11 =	vadd.f32 v11, v16  }
0x1c5: {  	v8 =	vadd.f32 v8, v14;
	v58 =	vld [tilespmem:s7+$0x2880];
	[tilespmem:s7+$0x1D080] =	vst v7;
	v3 =	vadd.f32 v3, v17  }
0x1c6: {  	[tilespmem:s7+$0x1D090] =	vst v6;
	s23 =	sadd.s32 $0x1, s23;
	v2 =	vadd.f32 v2, v15;
	v59 =	vadd.f32 v12, v11  }
0x1c7: {  	[tilespmem:s7+$0x1D0A0] =	vst v5;
	p2 =	sne.s32 s23, $0x4;
	v60 =	vadd.f32 v9, v8;
	v0 =	vadd.f32 v0, v3  }
.Ltmp5:
0x1c8: {  	[tilespmem:s7+$0x1D0B0] =	vst v4;
	v1 =	vadd.f32 v1, v2;
	v61 =	vadd.f32 v13, v59;
	(pc) =	sbr.rel @p2 .LBB2_9-.Ltmp5, $4  }
0x1c9: {  	v62 =	vadd.f32 v10, v60;
	[tilespmem:s7+$0x1D0C0] =	vst v0  }
0x1ca: {  	[tilespmem:s7+$0x1D0D0] =	vst v1;
	v63 =	vadd.f32 v58, v61  }
0x1cb: {  	[tilespmem:s7+$0x1D0E0] =	vst v62  }
0x1cc: {  	s11 =	sadd.s32 $0x3400, s11;
	s6 =	sadd.s32 $0x3400, s6;
	[tilespmem:s7+$0x1D0F0] =	vst v63  }
0x1cd: {  	s6 =	sadd.s32 @!p1 $0x3, s20  }
0x1ce: {  	s9 =	simm.s32 @!p1 $0x0;
	s7 =	sshll.u32 @!p1 s6, $0x6  }
0x1cf: {  	s10 =	simm.s32 @!p1 $0x2200;
	s6 =	sshll.u32 @!p1 s6, $0x7;
	s7 =	sadd.s32 @!p1 s7, s4  }
0x1d0: {  	[tilespmem:s10], [sflag:$0x1] =	stream.linear.gather @!p1 [hbm4b:s7+s9], $0x200, $0x38;
	[tilespmem:$0x1D400] =	vst v63  }
0x1d1: {  	s19 =	sadd.s32 $0x1, s19;
	s6 =	sadd.s32 @!p1 s6, s5;
	s7 =	simm.s32 @!p1 $0x2800  }
0x1d2: {  	[tilespmem:s7], [sflag:$0x2] =	stream.linear.gather @!p1 [hbm4b:s6+s9], $0x400, $0x38;
	[tilespmem:$0x1D400] =	vst v63  }
0x1d3: {  	p1 =	sne.s32 s19, $0x20  }
.Ltmp6:
0x1d4: {  	_ = 	snop;
	(pc) =	sbr.rel @p1 .LBB2_2-.Ltmp6, $4  }
0x1d5: {  	_ =	swait.ge [sflag:s16], $0x400  }
0x1d6: {  	s23 =	sshll.u32 s21, $0x7;
	[sflag:s16] =	ssyncset.done $0x0  }
0x1d7: {  	s6 =	sadd.s32 s23, s8;
	[sflag:s16] =	ssyncadd.s32 $0xFFFFFC00  }
0x1d8: {  	[hbm4b:s6+s3] =	stream.linear.scatter [tilespmem:s17], [sflag:$0x3], $0x400, $0x38;
	[tilespmem:$0x1D400] =	vst v63  }
0x1d9: {  	_ =	swait.ge [sflag:s16], $0x400  }
0x1da: {  	s18 =	sadd.s32 $0x1, s18;
	s6 =	rddreg [dreg:$0x7]  }
0x1db: {  	p1 =	sne.s32 s18, s6  }
.Ltmp7:
0x1dc: {  	_ = 	snop;
	(pc) =	sbr.rel @p1 .LBB2_1-.Ltmp7, $3  }
0x1dd: {  	_ =	sdelay $0x1  }
0x1de: {  	[sflag:s16] =	ssyncset.done $0x0  }
0x1df: {  	[sflag:s16] =	ssyncadd.s32 $0xFFFFFC00  }
0x1e0: {  	_ =	sfence.sel $0x180000  }
0x1e1: {  	[bflag:$0x0] =	sbarrier.arrive $0xFFFF  }
0x1e2: {  	_ =	strace $0x90000047  }
0x1e3: {  	[bflag:$0x2] =	sbarrier.arrive $0xFFFF  }
0x1e4: {  	s0 =	rddreg [dreg:$0x4]  }
0x1e5: {  	s0 =	sadd.s32 @!p0 $0x100000, s0  }
0x1e6: {  	[sflag:s0] =	ssyncadd.tile.s32 @!p0 $0x1;
	_ =	shalt  }
.Lfunc_end2:
_tile_overlayer_lowered:
.L_overlay_start_2:
0x1e7: {  	(tag) =	ssettag $0x2  }
0x1e8: {  	s0 =	rddreg [dreg:$0x0];
	s2 =	stileid.u32  }
0x1e9: {  	s1 =	rddreg [dreg:$0x1];
	p0 =	sne.s32 s2, $0x0  }
0x1ea: {  	s3 =	rddreg [dreg:$0x2];
	[bflag:$0x3] =	sbarrier.arrive $0xFFFF;
	s2 =	simm.s32 @!p0 $0x1C06  }
0x1eb: {  	[timem:s3], [sflag:s2] =	dma.local @!p0 [hbm:s0], s1  }
0x1ec: {  	s0 =	simm.s32 @!p0 $0x6  }
0x1ed: {  	_ =	swait.ge @!p0 [sflag:s0], s1  }
0x1ee: {  	s1 =	ssub.s32 @!p0 $0x0, s1;
	[sflag:s0] =	ssyncset.done @!p0 $0x0  }
0x1ef: {  	[sflag:s0] =	ssyncadd.s32 @!p0 s1  }
0x1f0: {  	[bflag:$0x3] =	sbarrier.arrive $0xFFFF  }
0x1f1: {  	_ =	shalt  }

</sc_bundles>
